<compile_context>
chip_gen: v7x
topology: tpu7x:2x2x1
jax: 0.10.2.dev20260603
libtpu: 0.0.44.dev20260713+nightly
codegen_flags: <defaults>
</compile_context>

<pallas_src>
import functools

import jax
import jax.numpy as jnp
from jax import lax
from jax.experimental import pallas as pl
from jax.experimental.pallas import tpu as pltpu
from jax.experimental.pallas import tpu_sc as plsc

_NUM_USERS = 100000
_NUM_ITEMS = 1000000
_D = 32
_B = 16384
_NC = 2
_NS = 16
_L = 16
_NW = _NC * _NS
_BPW = _B // _NW
_KB = _BPW // 128
_NPAN = _NUM_ITEMS // 128
_TAIL0 = _NPAN * 128
_G = 16
_NG = _BPW // _G

_mesh = plsc.VectorSubcoreMesh(core_axis_name="c", subcore_axis_name="s")


@functools.partial(
    pl.kernel,
    mesh=_mesh,
    compiler_params=pltpu.CompilerParams(needs_layout_passes=False),
    out_type=jax.ShapeDtypeStruct((_B,), jnp.float32),
    scratch_types=[
        pltpu.VMEM((_KB, 128), jnp.int32),
        pltpu.VMEM((_KB, 128), jnp.int32),
        pltpu.VMEM((_G, 128), jnp.float32),
        pltpu.VMEM((_G, 4, 8, 128), jnp.float32),
        pltpu.VMEM((64, _D), jnp.float32),
        pltpu.VMEM((_D + _L,), jnp.float32),
        pltpu.VMEM((_BPW,), jnp.float32),
        pltpu.SemaphoreType.DMA,
        pltpu.SemaphoreType.DMA,
    ],
)
def _mf_sc(users_hbm, items_hbm, utab4_hbm, it3_hbm, itail_hbm, params_hbm,
           out_hbm, uidx, iidx, ugrp, ipan, itail, params, outv,
           sem_u, sem_i):
    wid = lax.axis_index("s") * _NC + lax.axis_index("c")

    pltpu.sync_copy(users_hbm.at[pl.ds(wid * _KB, _KB)], uidx)
    pltpu.sync_copy(items_hbm.at[pl.ds(wid * _KB, _KB)], iidx)
    for k in range(_KB):
        for o in range(128 // _L):
            iidx[k, pl.ds(o * _L, _L)] = iidx[k, pl.ds(o * _L, _L)] - _NUM_USERS
    pltpu.sync_copy(itail_hbm, itail)
    pltpu.sync_copy(params_hbm, params)

    lane = jnp.arange(_L, dtype=jnp.int32)
    w0 = params[pl.ds(0, _L)]
    w1 = params[pl.ds(_L, _L)]
    bias = params[pl.ds(_D, _L)]
    tv0 = lane >> 3
    rv = lane & 7
    tv1 = tv0 + 2

    def body(g, carry):
        uvec = uidx[g >> 3, pl.ds((g & 7) * _L, _L)]
        idvec = iidx[g >> 3, pl.ds((g & 7) * _L, _L)]
        ucp = pltpu.async_copy(utab4_hbm.at[uvec >> 2], ugrp, sem_u)
        icps = []
        for jj in range(_G):
            pan = jnp.minimum(idvec[jj] >> 7, _NPAN - 1)
            icps.append(pltpu.async_copy(
                it3_hbm.at[:, :, pl.ds(pan * 128, 128)], ipan.at[jj], sem_i))
        ucp.wait()
        for cp in icps:
            cp.wait()

        r_acc = bias
        for jj in range(_G):
            idj = idvec[jj]
            lcol = jnp.full((_L,), idj & 127, dtype=jnp.int32)
            jv = jnp.full((_L,), jj, dtype=jnp.int32)
            i0 = plsc.load_gather(ipan, [jv, tv0, rv, lcol])
            i1 = plsc.load_gather(ipan, [jv, tv1, rv, lcol])
            trow = jnp.full((_L,), jnp.clip(idj - _TAIL0, 0, 63),
                            dtype=jnp.int32)
            t0 = plsc.load_gather(itail, [trow, lane])
            t1 = plsc.load_gather(itail, [trow, lane + _L])
            is_tail = idj >= _TAIL0
            i0 = jnp.where(is_tail, t0, i0)
            i1 = jnp.where(is_tail, t1, i1)
            usub = (uvec[jj] & 3) * _D
            p = (ugrp[jj, pl.ds(usub, _L)] * i0 * w0
                 + ugrp[jj, pl.ds(usub + _L, _L)] * i1 * w1)
            r_acc = jnp.where(lane == jj, r_acc + jnp.sum(p), r_acc)
        outv[pl.ds(g * _G, _L)] = 1.0 / (1.0 + jnp.exp(-r_acc))
        return carry

    lax.fori_loop(0, _NG, body, 0)
    pltpu.sync_copy(outv, out_hbm.at[pl.ds(wid * _BPW, _BPW)])


def kernel(users, items, user_table, item_table, W, b):
    users2d = users.reshape(_B // 128, 128)
    items2d = items.reshape(_B // 128, 128)
    utab4 = user_table.reshape(_NUM_USERS // 4, 128)
    it3 = item_table.T.reshape(4, 8, _NUM_ITEMS)
    itail = item_table[_TAIL0:]
    params = jnp.concatenate(
        [W.reshape(-1), jnp.full((_L,), b[0], dtype=jnp.float32)])
    return _mf_sc(users2d, items2d, utab4, it3, itail, params)

# --- scband reference (transcript-rebuilt; emitter-appended) ---
"""Pipeline reference for scband-mf-27462020891319 (READ-ONLY COPY).

The authoritative reference and input builder live on the scoring server;
editing this copy changes nothing except your own understanding.
"""

import jax, jax.numpy as jnp
import numpy as np

NUM_USERS = 100000
NUM_ITEMS = 1000000
D = 32
B = 16384


def setup_inputs(seed: int = 0) -> dict:
    key = jax.random.key(seed)
    k1, k2, k3, k4, k5 = jax.random.split(key, 5)
    users = jax.random.randint(k1, (B,), 0, NUM_USERS, dtype=jnp.int32)
    # Original module expects raw item ids offset by num_users (it subtracts num_users internally)
    items = jax.random.randint(k2, (B,), NUM_USERS, NUM_USERS + NUM_ITEMS, dtype=jnp.int32)
    user_table = jax.random.uniform(k3, (NUM_USERS, D), minval=-0.01, maxval=0.01, dtype=jnp.float32)
    item_table = jax.random.uniform(k4, (NUM_ITEMS, D), minval=-0.01, maxval=0.01, dtype=jnp.float32)
    W = jax.random.normal(k5, (1, D), dtype=jnp.float32) * (1.0 / np.sqrt(D))
    b = jnp.zeros((1,), dtype=jnp.float32)
    return {"users": users, "items": items, "user_table": user_table, "item_table": item_table, "W": W, "b": b}


def reference(users, items, user_table, item_table, W, b):
    # user embedding lookup (gather)
    user_emb = jnp.take(user_table, users, axis=0)            # [B, D]
    # item ids are offset by num_users, as in the torch module
    item_idx = items - NUM_USERS
    item_emb = jnp.take(item_table, item_idx, axis=0)         # [B, D]
    out = user_emb * item_emb                                  # [B, D]
    out = out @ W.T + b                                        # [B, 1] affine transform
    out = jax.nn.sigmoid(out)
    return out.squeeze(-1)                                     # [B]

if __name__ == "__main__":
    import jax
    _d = setup_inputs()
    print(jax.jit(kernel)(*tuple(_d.values())))

</pallas_src>

<mosaic_0001>
#map = affine_map<(d0, d1) -> (0, 0)>
#map1 = affine_map<(d0, d1) -> (0, 0, 0)>
#map2 = affine_map<(d0, d1) -> (0)>
module attributes {stable_mosaic.version = 14 : i64} {
  func.func @_mf_sc(%arg0: i32, %arg1: i32, %arg2: memref<128x128xi32, #tpu.memory_space<hbm>>, %arg3: memref<128x128xi32, #tpu.memory_space<hbm>>, %arg4: memref<25000x128xf32, #tpu.memory_space<hbm>>, %arg5: memref<4x8x1000000xf32, #tpu.memory_space<hbm>>, %arg6: memref<64x32xf32, #tpu.memory_space<hbm>>, %arg7: memref<48xf32, #tpu.memory_space<hbm>>, %arg8: memref<16384xf32, #tpu.memory_space<hbm>>, %arg9: memref<4x128xi32, #tpu.memory_space<vmem>>, %arg10: memref<4x128xi32, #tpu.memory_space<vmem>>, %arg11: memref<16x128xf32, #tpu.memory_space<vmem>>, %arg12: memref<16x4x8x128xf32, #tpu.memory_space<vmem>>, %arg13: memref<64x32xf32, #tpu.memory_space<vmem>>, %arg14: memref<48xf32, #tpu.memory_space<vmem>>, %arg15: memref<512xf32, #tpu.memory_space<vmem>>, %arg16: memref<!tpu.dma_semaphore, #tpu.memory_space<semaphore_mem>>, %arg17: memref<!tpu.dma_semaphore, #tpu.memory_space<semaphore_mem>>) attributes {dimension_semantics = [#tpu.dimension_semantics<core_parallel>, #tpu.dimension_semantics<subcore_parallel>], iteration_bounds = array<i64: 2, 16>, scalar_prefetch = 0 : i64, scratch_operands = 9 : i64, tpu.core_type = #tpu.core_type<sc_vector_subcore>, window_params = [{transform_indices = #map}, {transform_indices = #map}, {transform_indices = #map}, {transform_indices = #map1}, {transform_indices = #map}, {transform_indices = #map2}, {transform_indices = #map2}]} {
    %mul3A = arith.constant 2 : i32
    %mul3A_0 = arith.muli %arg1, %mul3A : i32
    %add3A = arith.addi %mul3A_0, %arg0 : i32
    %mul3A_1 = arith.constant 4 : i32
    %mul3A_2 = arith.muli %add3A, %mul3A_1 : i32
    "tpu.region"() ({
      %run_scoped3A = tpu.sem_alloc : memref<!tpu.dma_semaphore, #tpu.memory_space<semaphore_mem>>
      %dma_start3A = arith.constant 0 : i32
      %dma_start3A_374 = tpu.memref_slice %arg2[%mul3A_2, %dma_start3A] : memref<128x128xi32, #tpu.memory_space<hbm>> -> memref<4x128xi32, #tpu.memory_space<hbm>>
      %dma_start3A_375 = arith.constant 0 : i32
      %dma_start3A_376 = tpu.memref_slice %arg2[%mul3A_2, %dma_start3A_375] : memref<128x128xi32, #tpu.memory_space<hbm>> -> memref<4x128xi32, #tpu.memory_space<hbm>>
      tpu.enqueue_dma source(%dma_start3A_376 : memref<4x128xi32, #tpu.memory_space<hbm>>) target(%arg9 : memref<4x128xi32, #tpu.memory_space<vmem>>) target_semaphore(%run_scoped3A : memref<!tpu.dma_semaphore, #tpu.memory_space<semaphore_mem>>)
      %dma_wait3A = arith.constant 0 : i32
      %dma_wait3A_377 = tpu.memref_slice %arg2[%mul3A_2, %dma_wait3A] : memref<128x128xi32, #tpu.memory_space<hbm>> -> memref<4x128xi32, #tpu.memory_space<hbm>>
      %dma_wait3A_378 = arith.constant 0 : i32
      %dma_wait3A_379 = tpu.memref_slice %arg2[%mul3A_2, %dma_wait3A_378] : memref<128x128xi32, #tpu.memory_space<hbm>> -> memref<4x128xi32, #tpu.memory_space<hbm>>
      tpu.wait_dma2 semaphore(%run_scoped3A : memref<!tpu.dma_semaphore, #tpu.memory_space<semaphore_mem>>) src(%dma_wait3A_379 : memref<4x128xi32, #tpu.memory_space<hbm>>) dst(%arg9 : memref<4x128xi32, #tpu.memory_space<vmem>>)
      tpu.yield
    }) : () -> ()
    %mul3A_3 = arith.constant 4 : i32
    %mul3A_4 = arith.muli %add3A, %mul3A_3 : i32
    "tpu.region"() ({
      %run_scoped3A = tpu.sem_alloc : memref<!tpu.dma_semaphore, #tpu.memory_space<semaphore_mem>>
      %dma_start3A = arith.constant 0 : i32
      %dma_start3A_374 = tpu.memref_slice %arg3[%mul3A_4, %dma_start3A] : memref<128x128xi32, #tpu.memory_space<hbm>> -> memref<4x128xi32, #tpu.memory_space<hbm>>
      %dma_start3A_375 = arith.constant 0 : i32
      %dma_start3A_376 = tpu.memref_slice %arg3[%mul3A_4, %dma_start3A_375] : memref<128x128xi32, #tpu.memory_space<hbm>> -> memref<4x128xi32, #tpu.memory_space<hbm>>
      tpu.enqueue_dma source(%dma_start3A_376 : memref<4x128xi32, #tpu.memory_space<hbm>>) target(%arg10 : memref<4x128xi32, #tpu.memory_space<vmem>>) target_semaphore(%run_scoped3A : memref<!tpu.dma_semaphore, #tpu.memory_space<semaphore_mem>>)
      %dma_wait3A = arith.constant 0 : i32
      %dma_wait3A_377 = tpu.memref_slice %arg3[%mul3A_4, %dma_wait3A] : memref<128x128xi32, #tpu.memory_space<hbm>> -> memref<4x128xi32, #tpu.memory_space<hbm>>
      %dma_wait3A_378 = arith.constant 0 : i32
      %dma_wait3A_379 = tpu.memref_slice %arg3[%mul3A_4, %dma_wait3A_378] : memref<128x128xi32, #tpu.memory_space<hbm>> -> memref<4x128xi32, #tpu.memory_space<hbm>>
      tpu.wait_dma2 semaphore(%run_scoped3A : memref<!tpu.dma_semaphore, #tpu.memory_space<semaphore_mem>>) src(%dma_wait3A_379 : memref<4x128xi32, #tpu.memory_space<hbm>>) dst(%arg10 : memref<4x128xi32, #tpu.memory_space<vmem>>)
      tpu.yield
    }) : () -> ()
    %get3A = arith.constant 0 : i32
    %get3A_5 = arith.index_cast %get3A : i32 to index
    %get3A_6 = arith.constant 0 : index
    %get3A_7 = tpu.vector_load %arg10[%get3A_5, %get3A_6] {strides = array<i32>} : memref<4x128xi32, #tpu.memory_space<vmem>>, vector<16xi32>,
    %sub3A = arith.constant 100000 : i32
    %sub3A_8 = vector.broadcast %sub3A : i32 to vector<16xi32>
    %sub3A_9 = arith.subi %get3A_7, %sub3A_8 : vector<16xi32>
    %swap3A = arith.constant 0 : i32
    %swap3A_10 = arith.index_cast %swap3A : i32 to index
    %swap3A_11 = arith.constant 0 : index
    %swap3A_12 = tpu.vector_load %arg10[%swap3A_10, %swap3A_11] {strides = array<i32>} : memref<4x128xi32, #tpu.memory_space<vmem>>, vector<16xi32>,
    tpu.vector_store %arg10[%swap3A_10, %swap3A_11], %sub3A_9 {strides = array<i32>} : memref<4x128xi32, #tpu.memory_space<vmem>>, vector<16xi32>,
    %get3A_13 = arith.constant 0 : i32
    %get3A_14 = arith.index_cast %get3A_13 : i32 to index
    %get3A_15 = arith.constant 16 : index
    %get3A_16 = tpu.vector_load %arg10[%get3A_14, %get3A_15] {strides = array<i32>} : memref<4x128xi32, #tpu.memory_space<vmem>>, vector<16xi32>,
    %sub3A_17 = arith.constant 100000 : i32
    %sub3A_18 = vector.broadcast %sub3A_17 : i32 to vector<16xi32>
    %sub3A_19 = arith.subi %get3A_16, %sub3A_18 : vector<16xi32>
    %swap3A_20 = arith.constant 0 : i32
    %swap3A_21 = arith.index_cast %swap3A_20 : i32 to index
    %swap3A_22 = arith.constant 16 : index
    %swap3A_23 = tpu.vector_load %arg10[%swap3A_21, %swap3A_22] {strides = array<i32>} : memref<4x128xi32, #tpu.memory_space<vmem>>, vector<16xi32>,
    tpu.vector_store %arg10[%swap3A_21, %swap3A_22], %sub3A_19 {strides = array<i32>} : memref<4x128xi32, #tpu.memory_space<vmem>>, vector<16xi32>,
    %get3A_24 = arith.constant 0 : i32
    %get3A_25 = arith.index_cast %get3A_24 : i32 to index
    %get3A_26 = arith.constant 32 : index
    %get3A_27 = tpu.vector_load %arg10[%get3A_25, %get3A_26] {strides = array<i32>} : memref<4x128xi32, #tpu.memory_space<vmem>>, vector<16xi32>,
    %sub3A_28 = arith.constant 100000 : i32
    %sub3A_29 = vector.broadcast %sub3A_28 : i32 to vector<16xi32>
    %sub3A_30 = arith.subi %get3A_27, %sub3A_29 : vector<16xi32>
    %swap3A_31 = arith.constant 0 : i32
    %swap3A_32 = arith.index_cast %swap3A_31 : i32 to index
    %swap3A_33 = arith.constant 32 : index
    %swap3A_34 = tpu.vector_load %arg10[%swap3A_32, %swap3A_33] {strides = array<i32>} : memref<4x128xi32, #tpu.memory_space<vmem>>, vector<16xi32>,
    tpu.vector_store %arg10[%swap3A_32, %swap3A_33], %sub3A_30 {strides = array<i32>} : memref<4x128xi32, #tpu.memory_space<vmem>>, vector<16xi32>,
    %get3A_35 = arith.constant 0 : i32
    %get3A_36 = arith.index_cast %get3A_35 : i32 to index
    %get3A_37 = arith.constant 48 : index
    %get3A_38 = tpu.vector_load %arg10[%get3A_36, %get3A_37] {strides = array<i32>} : memref<4x128xi32, #tpu.memory_space<vmem>>, vector<16xi32>,
    %sub3A_39 = arith.constant 100000 : i32
    %sub3A_40 = vector.broadcast %sub3A_39 : i32 to vector<16xi32>
    %sub3A_41 = arith.subi %get3A_38, %sub3A_40 : vector<16xi32>
    %swap3A_42 = arith.constant 0 : i32
    %swap3A_43 = arith.index_cast %swap3A_42 : i32 to index
    %swap3A_44 = arith.constant 48 : index
    %swap3A_45 = tpu.vector_load %arg10[%swap3A_43, %swap3A_44] {strides = array<i32>} : memref<4x128xi32, #tpu.memory_space<vmem>>, vector<16xi32>,
    tpu.vector_store %arg10[%swap3A_43, %swap3A_44], %sub3A_41 {strides = array<i32>} : memref<4x128xi32, #tpu.memory_space<vmem>>, vector<16xi32>,
    %get3A_46 = arith.constant 0 : i32
    %get3A_47 = arith.index_cast %get3A_46 : i32 to index
    %get3A_48 = arith.constant 64 : index
    %get3A_49 = tpu.vector_load %arg10[%get3A_47, %get3A_48] {strides = array<i32>} : memref<4x128xi32, #tpu.memory_space<vmem>>, vector<16xi32>,
    %sub3A_50 = arith.constant 100000 : i32
    %sub3A_51 = vector.broadcast %sub3A_50 : i32 to vector<16xi32>
    %sub3A_52 = arith.subi %get3A_49, %sub3A_51 : vector<16xi32>
    %swap3A_53 = arith.constant 0 : i32
    %swap3A_54 = arith.index_cast %swap3A_53 : i32 to index
    %swap3A_55 = arith.constant 64 : index
    %swap3A_56 = tpu.vector_load %arg10[%swap3A_54, %swap3A_55] {strides = array<i32>} : memref<4x128xi32, #tpu.memory_space<vmem>>, vector<16xi32>,
    tpu.vector_store %arg10[%swap3A_54, %swap3A_55], %sub3A_52 {strides = array<i32>} : memref<4x128xi32, #tpu.memory_space<vmem>>, vector<16xi32>,
    %get3A_57 = arith.constant 0 : i32
    %get3A_58 = arith.index_cast %get3A_57 : i32 to index
    %get3A_59 = arith.constant 80 : index
    %get3A_60 = tpu.vector_load %arg10[%get3A_58, %get3A_59] {strides = array<i32>} : memref<4x128xi32, #tpu.memory_space<vmem>>, vector<16xi32>,
    %sub3A_61 = arith.constant 100000 : i32
    %sub3A_62 = vector.broadcast %sub3A_61 : i32 to vector<16xi32>
    %sub3A_63 = arith.subi %get3A_60, %sub3A_62 : vector<16xi32>
    %swap3A_64 = arith.constant 0 : i32
    %swap3A_65 = arith.index_cast %swap3A_64 : i32 to index
    %swap3A_66 = arith.constant 80 : index
    %swap3A_67 = tpu.vector_load %arg10[%swap3A_65, %swap3A_66] {strides = array<i32>} : memref<4x128xi32, #tpu.memory_space<vmem>>, vector<16xi32>,
    tpu.vector_store %arg10[%swap3A_65, %swap3A_66], %sub3A_63 {strides = array<i32>} : memref<4x128xi32, #tpu.memory_space<vmem>>, vector<16xi32>,
    %get3A_68 = arith.constant 0 : i32
    %get3A_69 = arith.index_cast %get3A_68 : i32 to index
    %get3A_70 = arith.constant 96 : index
    %get3A_71 = tpu.vector_load %arg10[%get3A_69, %get3A_70] {strides = array<i32>} : memref<4x128xi32, #tpu.memory_space<vmem>>, vector<16xi32>,
    %sub3A_72 = arith.constant 100000 : i32
    %sub3A_73 = vector.broadcast %sub3A_72 : i32 to vector<16xi32>
    %sub3A_74 = arith.subi %get3A_71, %sub3A_73 : vector<16xi32>
    %swap3A_75 = arith.constant 0 : i32
    %swap3A_76 = arith.index_cast %swap3A_75 : i32 to index
    %swap3A_77 = arith.constant 96 : index
    %swap3A_78 = tpu.vector_load %arg10[%swap3A_76, %swap3A_77] {strides = array<i32>} : memref<4x128xi32, #tpu.memory_space<vmem>>, vector<16xi32>,
    tpu.vector_store %arg10[%swap3A_76, %swap3A_77], %sub3A_74 {strides = array<i32>} : memref<4x128xi32, #tpu.memory_space<vmem>>, vector<16xi32>,
    %get3A_79 = arith.constant 0 : i32
    %get3A_80 = arith.index_cast %get3A_79 : i32 to index
    %get3A_81 = arith.constant 112 : index
    %get3A_82 = tpu.vector_load %arg10[%get3A_80, %get3A_81] {strides = array<i32>} : memref<4x128xi32, #tpu.memory_space<vmem>>, vector<16xi32>,
    %sub3A_83 = arith.constant 100000 : i32
    %sub3A_84 = vector.broadcast %sub3A_83 : i32 to vector<16xi32>
    %sub3A_85 = arith.subi %get3A_82, %sub3A_84 : vector<16xi32>
    %swap3A_86 = arith.constant 0 : i32
    %swap3A_87 = arith.index_cast %swap3A_86 : i32 to index
    %swap3A_88 = arith.constant 112 : index
    %swap3A_89 = tpu.vector_load %arg10[%swap3A_87, %swap3A_88] {strides = array<i32>} : memref<4x128xi32, #tpu.memory_space<vmem>>, vector<16xi32>,
    tpu.vector_store %arg10[%swap3A_87, %swap3A_88], %sub3A_85 {strides = array<i32>} : memref<4x128xi32, #tpu.memory_space<vmem>>, vector<16xi32>,
    %get3A_90 = arith.constant 1 : i32
    %get3A_91 = arith.index_cast %get3A_90 : i32 to index
    %get3A_92 = arith.constant 0 : index
    %get3A_93 = tpu.vector_load %arg10[%get3A_91, %get3A_92] {strides = array<i32>} : memref<4x128xi32, #tpu.memory_space<vmem>>, vector<16xi32>,
    %sub3A_94 = arith.constant 100000 : i32
    %sub3A_95 = vector.broadcast %sub3A_94 : i32 to vector<16xi32>
    %sub3A_96 = arith.subi %get3A_93, %sub3A_95 : vector<16xi32>
    %swap3A_97 = arith.constant 1 : i32
    %swap3A_98 = arith.index_cast %swap3A_97 : i32 to index
    %swap3A_99 = arith.constant 0 : index
    %swap3A_100 = tpu.vector_load %arg10[%swap3A_98, %swap3A_99] {strides = array<i32>} : memref<4x128xi32, #tpu.memory_space<vmem>>, vector<16xi32>,
    tpu.vector_store %arg10[%swap3A_98, %swap3A_99], %sub3A_96 {strides = array<i32>} : memref<4x128xi32, #tpu.memory_space<vmem>>, vector<16xi32>,
    %get3A_101 = arith.constant 1 : i32
    %get3A_102 = arith.index_cast %get3A_101 : i32 to index
    %get3A_103 = arith.constant 16 : index
    %get3A_104 = tpu.vector_load %arg10[%get3A_102, %get3A_103] {strides = array<i32>} : memref<4x128xi32, #tpu.memory_space<vmem>>, vector<16xi32>,
    %sub3A_105 = arith.constant 100000 : i32
    %sub3A_106 = vector.broadcast %sub3A_105 : i32 to vector<16xi32>
    %sub3A_107 = arith.subi %get3A_104, %sub3A_106 : vector<16xi32>
    %swap3A_108 = arith.constant 1 : i32
    %swap3A_109 = arith.index_cast %swap3A_108 : i32 to index
    %swap3A_110 = arith.constant 16 : index
    %swap3A_111 = tpu.vector_load %arg10[%swap3A_109, %swap3A_110] {strides = array<i32>} : memref<4x128xi32, #tpu.memory_space<vmem>>, vector<16xi32>,
    tpu.vector_store %arg10[%swap3A_109, %swap3A_110], %sub3A_107 {strides = array<i32>} : memref<4x128xi32, #tpu.memory_space<vmem>>, vector<16xi32>,
    %get3A_112 = arith.constant 1 : i32
    %get3A_113 = arith.index_cast %get3A_112 : i32 to index
    %get3A_114 = arith.constant 32 : index
    %get3A_115 = tpu.vector_load %arg10[%get3A_113, %get3A_114] {strides = array<i32>} : memref<4x128xi32, #tpu.memory_space<vmem>>, vector<16xi32>,
    %sub3A_116 = arith.constant 100000 : i32
    %sub3A_117 = vector.broadcast %sub3A_116 : i32 to vector<16xi32>
    %sub3A_118 = arith.subi %get3A_115, %sub3A_117 : vector<16xi32>
    %swap3A_119 = arith.constant 1 : i32
    %swap3A_120 = arith.index_cast %swap3A_119 : i32 to index
    %swap3A_121 = arith.constant 32 : index
    %swap3A_122 = tpu.vector_load %arg10[%swap3A_120, %swap3A_121] {strides = array<i32>} : memref<4x128xi32, #tpu.memory_space<vmem>>, vector<16xi32>,
    tpu.vector_store %arg10[%swap3A_120, %swap3A_121], %sub3A_118 {strides = array<i32>} : memref<4x128xi32, #tpu.memory_space<vmem>>, vector<16xi32>,
    %get3A_123 = arith.constant 1 : i32
    %get3A_124 = arith.index_cast %get3A_123 : i32 to index
    %get3A_125 = arith.constant 48 : index
    %get3A_126 = tpu.vector_load %arg10[%get3A_124, %get3A_125] {strides = array<i32>} : memref<4x128xi32, #tpu.memory_space<vmem>>, vector<16xi32>,
    %sub3A_127 = arith.constant 100000 : i32
    %sub3A_128 = vector.broadcast %sub3A_127 : i32 to vector<16xi32>
    %sub3A_129 = arith.subi %get3A_126, %sub3A_128 : vector<16xi32>
    %swap3A_130 = arith.constant 1 : i32
    %swap3A_131 = arith.index_cast %swap3A_130 : i32 to index
    %swap3A_132 = arith.constant 48 : index
    %swap3A_133 = tpu.vector_load %arg10[%swap3A_131, %swap3A_132] {strides = array<i32>} : memref<4x128xi32, #tpu.memory_space<vmem>>, vector<16xi32>,
    tpu.vector_store %arg10[%swap3A_131, %swap3A_132], %sub3A_129 {strides = array<i32>} : memref<4x128xi32, #tpu.memory_space<vmem>>, vector<16xi32>,
    %get3A_134 = arith.constant 1 : i32
    %get3A_135 = arith.index_cast %get3A_134 : i32 to index
    %get3A_136 = arith.constant 64 : index
    %get3A_137 = tpu.vector_load %arg10[%get3A_135, %get3A_136] {strides = array<i32>} : memref<4x128xi32, #tpu.memory_space<vmem>>, vector<16xi32>,
    %sub3A_138 = arith.constant 100000 : i32
    %sub3A_139 = vector.broadcast %sub3A_138 : i32 to vector<16xi32>
    %sub3A_140 = arith.subi %get3A_137, %sub3A_139 : vector<16xi32>
    %swap3A_141 = arith.constant 1 : i32
    %swap3A_142 = arith.index_cast %swap3A_141 : i32 to index
    %swap3A_143 = arith.constant 64 : index
    %swap3A_144 = tpu.vector_load %arg10[%swap3A_142, %swap3A_143] {strides = array<i32>} : memref<4x128xi32, #tpu.memory_space<vmem>>, vector<16xi32>,
    tpu.vector_store %arg10[%swap3A_142, %swap3A_143], %sub3A_140 {strides = array<i32>} : memref<4x128xi32, #tpu.memory_space<vmem>>, vector<16xi32>,
    %get3A_145 = arith.constant 1 : i32
    %get3A_146 = arith.index_cast %get3A_145 : i32 to index
    %get3A_147 = arith.constant 80 : index
    %get3A_148 = tpu.vector_load %arg10[%get3A_146, %get3A_147] {strides = array<i32>} : memref<4x128xi32, #tpu.memory_space<vmem>>, vector<16xi32>,
    %sub3A_149 = arith.constant 100000 : i32
    %sub3A_150 = vector.broadcast %sub3A_149 : i32 to vector<16xi32>
    %sub3A_151 = arith.subi %get3A_148, %sub3A_150 : vector<16xi32>
    %swap3A_152 = arith.constant 1 : i32
    %swap3A_153 = arith.index_cast %swap3A_152 : i32 to index
    %swap3A_154 = arith.constant 80 : index
    %swap3A_155 = tpu.vector_load %arg10[%swap3A_153, %swap3A_154] {strides = array<i32>} : memref<4x128xi32, #tpu.memory_space<vmem>>, vector<16xi32>,
    tpu.vector_store %arg10[%swap3A_153, %swap3A_154], %sub3A_151 {strides = array<i32>} : memref<4x128xi32, #tpu.memory_space<vmem>>, vector<16xi32>,
    %get3A_156 = arith.constant 1 : i32
    %get3A_157 = arith.index_cast %get3A_156 : i32 to index
    %get3A_158 = arith.constant 96 : index
    %get3A_159 = tpu.vector_load %arg10[%get3A_157, %get3A_158] {strides = array<i32>} : memref<4x128xi32, #tpu.memory_space<vmem>>, vector<16xi32>,
    %sub3A_160 = arith.constant 100000 : i32
    %sub3A_161 = vector.broadcast %sub3A_160 : i32 to vector<16xi32>
    %sub3A_162 = arith.subi %get3A_159, %sub3A_161 : vector<16xi32>
    %swap3A_163 = arith.constant 1 : i32
    %swap3A_164 = arith.index_cast %swap3A_163 : i32 to index
    %swap3A_165 = arith.constant 96 : index
    %swap3A_166 = tpu.vector_load %arg10[%swap3A_164, %swap3A_165] {strides = array<i32>} : memref<4x128xi32, #tpu.memory_space<vmem>>, vector<16xi32>,
    tpu.vector_store %arg10[%swap3A_164, %swap3A_165], %sub3A_162 {strides = array<i32>} : memref<4x128xi32, #tpu.memory_space<vmem>>, vector<16xi32>,
    %get3A_167 = arith.constant 1 : i32
    %get3A_168 = arith.index_cast %get3A_167 : i32 to index
    %get3A_169 = arith.constant 112 : index
    %get3A_170 = tpu.vector_load %arg10[%get3A_168, %get3A_169] {strides = array<i32>} : memref<4x128xi32, #tpu.memory_space<vmem>>, vector<16xi32>,
    %sub3A_171 = arith.constant 100000 : i32
    %sub3A_172 = vector.broadcast %sub3A_171 : i32 to vector<16xi32>
    %sub3A_173 = arith.subi %get3A_170, %sub3A_172 : vector<16xi32>
    %swap3A_174 = arith.constant 1 : i32
    %swap3A_175 = arith.index_cast %swap3A_174 : i32 to index
    %swap3A_176 = arith.constant 112 : index
    %swap3A_177 = tpu.vector_load %arg10[%swap3A_175, %swap3A_176] {strides = array<i32>} : memref<4x128xi32, #tpu.memory_space<vmem>>, vector<16xi32>,
    tpu.vector_store %arg10[%swap3A_175, %swap3A_176], %sub3A_173 {strides = array<i32>} : memref<4x128xi32, #tpu.memory_space<vmem>>, vector<16xi32>,
    %get3A_178 = arith.constant 2 : i32
    %get3A_179 = arith.index_cast %get3A_178 : i32 to index
    %get3A_180 = arith.constant 0 : index
    %get3A_181 = tpu.vector_load %arg10[%get3A_179, %get3A_180] {strides = array<i32>} : memref<4x128xi32, #tpu.memory_space<vmem>>, vector<16xi32>,
    %sub3A_182 = arith.constant 100000 : i32
    %sub3A_183 = vector.broadcast %sub3A_182 : i32 to vector<16xi32>
    %sub3A_184 = arith.subi %get3A_181, %sub3A_183 : vector<16xi32>
    %swap3A_185 = arith.constant 2 : i32
    %swap3A_186 = arith.index_cast %swap3A_185 : i32 to index
    %swap3A_187 = arith.constant 0 : index
    %swap3A_188 = tpu.vector_load %arg10[%swap3A_186, %swap3A_187] {strides = array<i32>} : memref<4x128xi32, #tpu.memory_space<vmem>>, vector<16xi32>,
    tpu.vector_store %arg10[%swap3A_186, %swap3A_187], %sub3A_184 {strides = array<i32>} : memref<4x128xi32, #tpu.memory_space<vmem>>, vector<16xi32>,
    %get3A_189 = arith.constant 2 : i32
    %get3A_190 = arith.index_cast %get3A_189 : i32 to index
    %get3A_191 = arith.constant 16 : index
    %get3A_192 = tpu.vector_load %arg10[%get3A_190, %get3A_191] {strides = array<i32>} : memref<4x128xi32, #tpu.memory_space<vmem>>, vector<16xi32>,
    %sub3A_193 = arith.constant 100000 : i32
    %sub3A_194 = vector.broadcast %sub3A_193 : i32 to vector<16xi32>
    %sub3A_195 = arith.subi %get3A_192, %sub3A_194 : vector<16xi32>
    %swap3A_196 = arith.constant 2 : i32
    %swap3A_197 = arith.index_cast %swap3A_196 : i32 to index
    %swap3A_198 = arith.constant 16 : index
    %swap3A_199 = tpu.vector_load %arg10[%swap3A_197, %swap3A_198] {strides = array<i32>} : memref<4x128xi32, #tpu.memory_space<vmem>>, vector<16xi32>,
    tpu.vector_store %arg10[%swap3A_197, %swap3A_198], %sub3A_195 {strides = array<i32>} : memref<4x128xi32, #tpu.memory_space<vmem>>, vector<16xi32>,
    %get3A_200 = arith.constant 2 : i32
    %get3A_201 = arith.index_cast %get3A_200 : i32 to index
    %get3A_202 = arith.constant 32 : index
    %get3A_203 = tpu.vector_load %arg10[%get3A_201, %get3A_202] {strides = array<i32>} : memref<4x128xi32, #tpu.memory_space<vmem>>, vector<16xi32>,
    %sub3A_204 = arith.constant 100000 : i32
    %sub3A_205 = vector.broadcast %sub3A_204 : i32 to vector<16xi32>
    %sub3A_206 = arith.subi %get3A_203, %sub3A_205 : vector<16xi32>
    %swap3A_207 = arith.constant 2 : i32
    %swap3A_208 = arith.index_cast %swap3A_207 : i32 to index
    %swap3A_209 = arith.constant 32 : index
    %swap3A_210 = tpu.vector_load %arg10[%swap3A_208, %swap3A_209] {strides = array<i32>} : memref<4x128xi32, #tpu.memory_space<vmem>>, vector<16xi32>,
    tpu.vector_store %arg10[%swap3A_208, %swap3A_209], %sub3A_206 {strides = array<i32>} : memref<4x128xi32, #tpu.memory_space<vmem>>, vector<16xi32>,
    %get3A_211 = arith.constant 2 : i32
    %get3A_212 = arith.index_cast %get3A_211 : i32 to index
    %get3A_213 = arith.constant 48 : index
    %get3A_214 = tpu.vector_load %arg10[%get3A_212, %get3A_213] {strides = array<i32>} : memref<4x128xi32, #tpu.memory_space<vmem>>, vector<16xi32>,
    %sub3A_215 = arith.constant 100000 : i32
    %sub3A_216 = vector.broadcast %sub3A_215 : i32 to vector<16xi32>
    %sub3A_217 = arith.subi %get3A_214, %sub3A_216 : vector<16xi32>
    %swap3A_218 = arith.constant 2 : i32
    %swap3A_219 = arith.index_cast %swap3A_218 : i32 to index
    %swap3A_220 = arith.constant 48 : index
    %swap3A_221 = tpu.vector_load %arg10[%swap3A_219, %swap3A_220] {strides = array<i32>} : memref<4x128xi32, #tpu.memory_space<vmem>>, vector<16xi32>,
    tpu.vector_store %arg10[%swap3A_219, %swap3A_220], %sub3A_217 {strides = array<i32>} : memref<4x128xi32, #tpu.memory_space<vmem>>, vector<16xi32>,
    %get3A_222 = arith.constant 2 : i32
    %get3A_223 = arith.index_cast %get3A_222 : i32 to index
    %get3A_224 = arith.constant 64 : index
    %get3A_225 = tpu.vector_load %arg10[%get3A_223, %get3A_224] {strides = array<i32>} : memref<4x128xi32, #tpu.memory_space<vmem>>, vector<16xi32>,
    %sub3A_226 = arith.constant 100000 : i32
    %sub3A_227 = vector.broadcast %sub3A_226 : i32 to vector<16xi32>
    %sub3A_228 = arith.subi %get3A_225, %sub3A_227 : vector<16xi32>
    %swap3A_229 = arith.constant 2 : i32
    %swap3A_230 = arith.index_cast %swap3A_229 : i32 to index
    %swap3A_231 = arith.constant 64 : index
    %swap3A_232 = tpu.vector_load %arg10[%swap3A_230, %swap3A_231] {strides = array<i32>} : memref<4x128xi32, #tpu.memory_space<vmem>>, vector<16xi32>,
    tpu.vector_store %arg10[%swap3A_230, %swap3A_231], %sub3A_228 {strides = array<i32>} : memref<4x128xi32, #tpu.memory_space<vmem>>, vector<16xi32>,
    %get3A_233 = arith.constant 2 : i32
    %get3A_234 = arith.index_cast %get3A_233 : i32 to index
    %get3A_235 = arith.constant 80 : index
    %get3A_236 = tpu.vector_load %arg10[%get3A_234, %get3A_235] {strides = array<i32>} : memref<4x128xi32, #tpu.memory_space<vmem>>, vector<16xi32>,
    %sub3A_237 = arith.constant 100000 : i32
    %sub3A_238 = vector.broadcast %sub3A_237 : i32 to vector<16xi32>
    %sub3A_239 = arith.subi %get3A_236, %sub3A_238 : vector<16xi32>
    %swap3A_240 = arith.constant 2 : i32
    %swap3A_241 = arith.index_cast %swap3A_240 : i32 to index
    %swap3A_242 = arith.constant 80 : index
    %swap3A_243 = tpu.vector_load %arg10[%swap3A_241, %swap3A_242] {strides = array<i32>} : memref<4x128xi32, #tpu.memory_space<vmem>>, vector<16xi32>,
    tpu.vector_store %arg10[%swap3A_241, %swap3A_242], %sub3A_239 {strides = array<i32>} : memref<4x128xi32, #tpu.memory_space<vmem>>, vector<16xi32>,
    %get3A_244 = arith.constant 2 : i32
    %get3A_245 = arith.index_cast %get3A_244 : i32 to index
    %get3A_246 = arith.constant 96 : index
    %get3A_247 = tpu.vector_load %arg10[%get3A_245, %get3A_246] {strides = array<i32>} : memref<4x128xi32, #tpu.memory_space<vmem>>, vector<16xi32>,
    %sub3A_248 = arith.constant 100000 : i32
    %sub3A_249 = vector.broadcast %sub3A_248 : i32 to vector<16xi32>
    %sub3A_250 = arith.subi %get3A_247, %sub3A_249 : vector<16xi32>
    %swap3A_251 = arith.constant 2 : i32
    %swap3A_252 = arith.index_cast %swap3A_251 : i32 to index
    %swap3A_253 = arith.constant 96 : index
    %swap3A_254 = tpu.vector_load %arg10[%swap3A_252, %swap3A_253] {strides = array<i32>} : memref<4x128xi32, #tpu.memory_space<vmem>>, vector<16xi32>,
    tpu.vector_store %arg10[%swap3A_252, %swap3A_253], %sub3A_250 {strides = array<i32>} : memref<4x128xi32, #tpu.memory_space<vmem>>, vector<16xi32>,
    %get3A_255 = arith.constant 2 : i32
    %get3A_256 = arith.index_cast %get3A_255 : i32 to index
    %get3A_257 = arith.constant 112 : index
    %get3A_258 = tpu.vector_load %arg10[%get3A_256, %get3A_257] {strides = array<i32>} : memref<4x128xi32, #tpu.memory_space<vmem>>, vector<16xi32>,
    %sub3A_259 = arith.constant 100000 : i32
    %sub3A_260 = vector.broadcast %sub3A_259 : i32 to vector<16xi32>
    %sub3A_261 = arith.subi %get3A_258, %sub3A_260 : vector<16xi32>
    %swap3A_262 = arith.constant 2 : i32
    %swap3A_263 = arith.index_cast %swap3A_262 : i32 to index
    %swap3A_264 = arith.constant 112 : index
    %swap3A_265 = tpu.vector_load %arg10[%swap3A_263, %swap3A_264] {strides = array<i32>} : memref<4x128xi32, #tpu.memory_space<vmem>>, vector<16xi32>,
    tpu.vector_store %arg10[%swap3A_263, %swap3A_264], %sub3A_261 {strides = array<i32>} : memref<4x128xi32, #tpu.memory_space<vmem>>, vector<16xi32>,
    %get3A_266 = arith.constant 3 : i32
    %get3A_267 = arith.index_cast %get3A_266 : i32 to index
    %get3A_268 = arith.constant 0 : index
    %get3A_269 = tpu.vector_load %arg10[%get3A_267, %get3A_268] {strides = array<i32>} : memref<4x128xi32, #tpu.memory_space<vmem>>, vector<16xi32>,
    %sub3A_270 = arith.constant 100000 : i32
    %sub3A_271 = vector.broadcast %sub3A_270 : i32 to vector<16xi32>
    %sub3A_272 = arith.subi %get3A_269, %sub3A_271 : vector<16xi32>
    %swap3A_273 = arith.constant 3 : i32
    %swap3A_274 = arith.index_cast %swap3A_273 : i32 to index
    %swap3A_275 = arith.constant 0 : index
    %swap3A_276 = tpu.vector_load %arg10[%swap3A_274, %swap3A_275] {strides = array<i32>} : memref<4x128xi32, #tpu.memory_space<vmem>>, vector<16xi32>,
    tpu.vector_store %arg10[%swap3A_274, %swap3A_275], %sub3A_272 {strides = array<i32>} : memref<4x128xi32, #tpu.memory_space<vmem>>, vector<16xi32>,
    %get3A_277 = arith.constant 3 : i32
    %get3A_278 = arith.index_cast %get3A_277 : i32 to index
    %get3A_279 = arith.constant 16 : index
    %get3A_280 = tpu.vector_load %arg10[%get3A_278, %get3A_279] {strides = array<i32>} : memref<4x128xi32, #tpu.memory_space<vmem>>, vector<16xi32>,
    %sub3A_281 = arith.constant 100000 : i32
    %sub3A_282 = vector.broadcast %sub3A_281 : i32 to vector<16xi32>
    %sub3A_283 = arith.subi %get3A_280, %sub3A_282 : vector<16xi32>
    %swap3A_284 = arith.constant 3 : i32
    %swap3A_285 = arith.index_cast %swap3A_284 : i32 to index
    %swap3A_286 = arith.constant 16 : index
    %swap3A_287 = tpu.vector_load %arg10[%swap3A_285, %swap3A_286] {strides = array<i32>} : memref<4x128xi32, #tpu.memory_space<vmem>>, vector<16xi32>,
    tpu.vector_store %arg10[%swap3A_285, %swap3A_286], %sub3A_283 {strides = array<i32>} : memref<4x128xi32, #tpu.memory_space<vmem>>, vector<16xi32>,
    %get3A_288 = arith.constant 3 : i32
    %get3A_289 = arith.index_cast %get3A_288 : i32 to index
    %get3A_290 = arith.constant 32 : index
    %get3A_291 = tpu.vector_load %arg10[%get3A_289, %get3A_290] {strides = array<i32>} : memref<4x128xi32, #tpu.memory_space<vmem>>, vector<16xi32>,
    %sub3A_292 = arith.constant 100000 : i32
    %sub3A_293 = vector.broadcast %sub3A_292 : i32 to vector<16xi32>
    %sub3A_294 = arith.subi %get3A_291, %sub3A_293 : vector<16xi32>
    %swap3A_295 = arith.constant 3 : i32
    %swap3A_296 = arith.index_cast %swap3A_295 : i32 to index
    %swap3A_297 = arith.constant 32 : index
    %swap3A_298 = tpu.vector_load %arg10[%swap3A_296, %swap3A_297] {strides = array<i32>} : memref<4x128xi32, #tpu.memory_space<vmem>>, vector<16xi32>,
    tpu.vector_store %arg10[%swap3A_296, %swap3A_297], %sub3A_294 {strides = array<i32>} : memref<4x128xi32, #tpu.memory_space<vmem>>, vector<16xi32>,
    %get3A_299 = arith.constant 3 : i32
    %get3A_300 = arith.index_cast %get3A_299 : i32 to index
    %get3A_301 = arith.constant 48 : index
    %get3A_302 = tpu.vector_load %arg10[%get3A_300, %get3A_301] {strides = array<i32>} : memref<4x128xi32, #tpu.memory_space<vmem>>, vector<16xi32>,
    %sub3A_303 = arith.constant 100000 : i32
    %sub3A_304 = vector.broadcast %sub3A_303 : i32 to vector<16xi32>
    %sub3A_305 = arith.subi %get3A_302, %sub3A_304 : vector<16xi32>
    %swap3A_306 = arith.constant 3 : i32
    %swap3A_307 = arith.index_cast %swap3A_306 : i32 to index
    %swap3A_308 = arith.constant 48 : index
    %swap3A_309 = tpu.vector_load %arg10[%swap3A_307, %swap3A_308] {strides = array<i32>} : memref<4x128xi32, #tpu.memory_space<vmem>>, vector<16xi32>,
    tpu.vector_store %arg10[%swap3A_307, %swap3A_308], %sub3A_305 {strides = array<i32>} : memref<4x128xi32, #tpu.memory_space<vmem>>, vector<16xi32>,
    %get3A_310 = arith.constant 3 : i32
    %get3A_311 = arith.index_cast %get3A_310 : i32 to index
    %get3A_312 = arith.constant 64 : index
    %get3A_313 = tpu.vector_load %arg10[%get3A_311, %get3A_312] {strides = array<i32>} : memref<4x128xi32, #tpu.memory_space<vmem>>, vector<16xi32>,
    %sub3A_314 = arith.constant 100000 : i32
    %sub3A_315 = vector.broadcast %sub3A_314 : i32 to vector<16xi32>
    %sub3A_316 = arith.subi %get3A_313, %sub3A_315 : vector<16xi32>
    %swap3A_317 = arith.constant 3 : i32
    %swap3A_318 = arith.index_cast %swap3A_317 : i32 to index
    %swap3A_319 = arith.constant 64 : index
    %swap3A_320 = tpu.vector_load %arg10[%swap3A_318, %swap3A_319] {strides = array<i32>} : memref<4x128xi32, #tpu.memory_space<vmem>>, vector<16xi32>,
    tpu.vector_store %arg10[%swap3A_318, %swap3A_319], %sub3A_316 {strides = array<i32>} : memref<4x128xi32, #tpu.memory_space<vmem>>, vector<16xi32>,
    %get3A_321 = arith.constant 3 : i32
    %get3A_322 = arith.index_cast %get3A_321 : i32 to index
    %get3A_323 = arith.constant 80 : index
    %get3A_324 = tpu.vector_load %arg10[%get3A_322, %get3A_323] {strides = array<i32>} : memref<4x128xi32, #tpu.memory_space<vmem>>, vector<16xi32>,
    %sub3A_325 = arith.constant 100000 : i32
    %sub3A_326 = vector.broadcast %sub3A_325 : i32 to vector<16xi32>
    %sub3A_327 = arith.subi %get3A_324, %sub3A_326 : vector<16xi32>
    %swap3A_328 = arith.constant 3 : i32
    %swap3A_329 = arith.index_cast %swap3A_328 : i32 to index
    %swap3A_330 = arith.constant 80 : index
    %swap3A_331 = tpu.vector_load %arg10[%swap3A_329, %swap3A_330] {strides = array<i32>} : memref<4x128xi32, #tpu.memory_space<vmem>>, vector<16xi32>,
    tpu.vector_store %arg10[%swap3A_329, %swap3A_330], %sub3A_327 {strides = array<i32>} : memref<4x128xi32, #tpu.memory_space<vmem>>, vector<16xi32>,
    %get3A_332 = arith.constant 3 : i32
    %get3A_333 = arith.index_cast %get3A_332 : i32 to index
    %get3A_334 = arith.constant 96 : index
    %get3A_335 = tpu.vector_load %arg10[%get3A_333, %get3A_334] {strides = array<i32>} : memref<4x128xi32, #tpu.memory_space<vmem>>, vector<16xi32>,
    %sub3A_336 = arith.constant 100000 : i32
    %sub3A_337 = vector.broadcast %sub3A_336 : i32 to vector<16xi32>
    %sub3A_338 = arith.subi %get3A_335, %sub3A_337 : vector<16xi32>
    %swap3A_339 = arith.constant 3 : i32
    %swap3A_340 = arith.index_cast %swap3A_339 : i32 to index
    %swap3A_341 = arith.constant 96 : index
    %swap3A_342 = tpu.vector_load %arg10[%swap3A_340, %swap3A_341] {strides = array<i32>} : memref<4x128xi32, #tpu.memory_space<vmem>>, vector<16xi32>,
    tpu.vector_store %arg10[%swap3A_340, %swap3A_341], %sub3A_338 {strides = array<i32>} : memref<4x128xi32, #tpu.memory_space<vmem>>, vector<16xi32>,
    %get3A_343 = arith.constant 3 : i32
    %get3A_344 = arith.index_cast %get3A_343 : i32 to index
    %get3A_345 = arith.constant 112 : index
    %get3A_346 = tpu.vector_load %arg10[%get3A_344, %get3A_345] {strides = array<i32>} : memref<4x128xi32, #tpu.memory_space<vmem>>, vector<16xi32>,
    %sub3A_347 = arith.constant 100000 : i32
    %sub3A_348 = vector.broadcast %sub3A_347 : i32 to vector<16xi32>
    %sub3A_349 = arith.subi %get3A_346, %sub3A_348 : vector<16xi32>
    %swap3A_350 = arith.constant 3 : i32
    %swap3A_351 = arith.index_cast %swap3A_350 : i32 to index
    %swap3A_352 = arith.constant 112 : index
    %swap3A_353 = tpu.vector_load %arg10[%swap3A_351, %swap3A_352] {strides = array<i32>} : memref<4x128xi32, #tpu.memory_space<vmem>>, vector<16xi32>,
    tpu.vector_store %arg10[%swap3A_351, %swap3A_352], %sub3A_349 {strides = array<i32>} : memref<4x128xi32, #tpu.memory_space<vmem>>, vector<16xi32>,
    "tpu.region"() ({
      %run_scoped3A = tpu.sem_alloc : memref<!tpu.dma_semaphore, #tpu.memory_space<semaphore_mem>>
      tpu.enqueue_dma source(%arg6 : memref<64x32xf32, #tpu.memory_space<hbm>>) target(%arg13 : memref<64x32xf32, #tpu.memory_space<vmem>>) target_semaphore(%run_scoped3A : memref<!tpu.dma_semaphore, #tpu.memory_space<semaphore_mem>>)
      tpu.wait_dma2 semaphore(%run_scoped3A : memref<!tpu.dma_semaphore, #tpu.memory_space<semaphore_mem>>) src(%arg6 : memref<64x32xf32, #tpu.memory_space<hbm>>) dst(%arg13 : memref<64x32xf32, #tpu.memory_space<vmem>>)
      tpu.yield
    }) : () -> ()
    "tpu.region"() ({
      %run_scoped3A = tpu.sem_alloc : memref<!tpu.dma_semaphore, #tpu.memory_space<semaphore_mem>>
      tpu.enqueue_dma source(%arg7 : memref<48xf32, #tpu.memory_space<hbm>>) target(%arg14 : memref<48xf32, #tpu.memory_space<vmem>>) target_semaphore(%run_scoped3A : memref<!tpu.dma_semaphore, #tpu.memory_space<semaphore_mem>>)
      tpu.wait_dma2 semaphore(%run_scoped3A : memref<!tpu.dma_semaphore, #tpu.memory_space<semaphore_mem>>) src(%arg7 : memref<48xf32, #tpu.memory_space<hbm>>) dst(%arg14 : memref<48xf32, #tpu.memory_space<vmem>>)
      tpu.yield
    }) : () -> ()
    %iota3A = tpu.iota {dimensions = array<i32: 0>} : vector<16xi32>
    %get3A_354 = arith.constant 0 : index
    %get3A_355 = tpu.vector_load %arg14[%get3A_354] {strides = array<i32>} : memref<48xf32, #tpu.memory_space<vmem>>, vector<16xf32>,
    %get3A_356 = arith.constant 16 : index
    %get3A_357 = tpu.vector_load %arg14[%get3A_356] {strides = array<i32>} : memref<48xf32, #tpu.memory_space<vmem>>, vector<16xf32>,
    %get3A_358 = arith.constant 32 : index
    %get3A_359 = tpu.vector_load %arg14[%get3A_358] {strides = array<i32>} : memref<48xf32, #tpu.memory_space<vmem>>, vector<16xf32>,
    %shift_right_arithmetic3A = arith.constant 3 : i32
    %shift_right_arithmetic3A_360 = vector.broadcast %shift_right_arithmetic3A : i32 to vector<16xi32>
    %shift_right_arithmetic3A_361 = arith.shrsi %iota3A, %shift_right_arithmetic3A_360 : vector<16xi32>
    %and3A = arith.constant 7 : i32
    %and3A_362 = vector.broadcast %and3A : i32 to vector<16xi32>
    %and3A_363 = arith.andi %iota3A, %and3A_362 : vector<16xi32>
    %add3A_364 = arith.constant 2 : i32
    %add3A_365 = vector.broadcast %add3A_364 : i32 to vector<16xi32>
    %add3A_366 = arith.addi %shift_right_arithmetic3A_361, %add3A_365 : vector<16xi32>
    %scan3A = arith.constant 0 : i32
    %scan3A_367 = arith.constant 0 : i32
    %scan3A_368 = arith.constant 32 : i32
    %scan3A_369 = arith.addi %scan3A_367, %scan3A_368 : i32
    %scan3A_370 = arith.constant 1 : i32
    scf.for %scan3A_374 = %scan3A_367 to %scan3A_369 step %scan3A_370  : i32 {
      %shift_right_arithmetic3A_375 = arith.constant 3 : i32
      %shift_right_arithmetic3A_376 = arith.shrsi %scan3A_374, %shift_right_arithmetic3A_375 : i32
      %and3A_377 = arith.constant 7 : i32
      %and3A_378 = arith.andi %scan3A_374, %and3A_377 : i32
      %mul3A_379 = arith.constant 16 : i32
      %mul3A_380 = arith.muli %and3A_378, %mul3A_379 : i32
      %get3A_381 = arith.index_cast %shift_right_arithmetic3A_376 : i32 to index
      %get3A_382 = arith.index_cast %mul3A_380 : i32 to index
      %get3A_383 = tpu.vector_load %arg9[%get3A_381, %get3A_382] {strides = array<i32>} : memref<4x128xi32, #tpu.memory_space<vmem>>, vector<16xi32>,
      %shift_right_arithmetic3A_384 = arith.constant 3 : i32
      %shift_right_arithmetic3A_385 = arith.shrsi %scan3A_374, %shift_right_arithmetic3A_384 : i32
      %and3A_386 = arith.constant 7 : i32
      %and3A_387 = arith.andi %scan3A_374, %and3A_386 : i32
      %mul3A_388 = arith.constant 16 : i32
      %mul3A_389 = arith.muli %and3A_387, %mul3A_388 : i32
      %get3A_390 = arith.index_cast %shift_right_arithmetic3A_385 : i32 to index
      %get3A_391 = arith.index_cast %mul3A_389 : i32 to index
      %get3A_392 = tpu.vector_load %arg10[%get3A_390, %get3A_391] {strides = array<i32>} : memref<4x128xi32, #tpu.memory_space<vmem>>, vector<16xi32>,
      %shift_right_arithmetic3A_393 = arith.constant 2 : i32
      %shift_right_arithmetic3A_394 = vector.broadcast %shift_right_arithmetic3A_393 : i32 to vector<16xi32>
      %shift_right_arithmetic3A_395 = arith.shrsi %get3A_383, %shift_right_arithmetic3A_394 : vector<16xi32>
      %dma_start3A = arith.constant 0 : i32
      %dma_start3A_396 = arith.constant 0 : i32
      %dma_start3A_397 = tpu.memref_slice %arg4[%dma_start3A, %dma_start3A_396] : memref<25000x128xf32, #tpu.memory_space<hbm>> -> memref<25000x128xf32, #tpu.memory_space<hbm>>
      tpu.enqueue_indirect_dma source(%dma_start3A_397 : memref<25000x128xf32, #tpu.memory_space<hbm>>) target(%arg11 : memref<16x128xf32, #tpu.memory_space<vmem>>) offsets(%shift_right_arithmetic3A_395 : vector<16xi32>) semaphore(%arg16 : memref<!tpu.dma_semaphore, #tpu.memory_space<semaphore_mem>>)
      %slice3A = vector.extract_strided_slice %get3A_392 {offsets = [0], sizes = [1], strides = [1]} : vector<16xi32> to vector<1xi32>
      %squeeze3A = vector.extract %slice3A[0] : i32 from vector<1xi32>
      %shift_right_arithmetic3A_398 = arith.constant 7 : i32
      %shift_right_arithmetic3A_399 = arith.shrsi %squeeze3A, %shift_right_arithmetic3A_398 : i32
      %min3A = arith.constant 7811 : i32
      %min3A_400 = arith.minsi %shift_right_arithmetic3A_399, %min3A : i32
      %mul3A_401 = arith.constant 128 : i32
      %mul3A_402 = arith.muli %min3A_400, %mul3A_401 : i32
      %dma_start3A_403 = arith.constant 0 : i32
      %dma_start3A_404 = arith.constant 0 : i32
      %dma_start3A_405 = arith.constant 0 : i32
      %dma_start3A_406 = arith.constant 0 : i32
      %dma_start3A_407 = tpu.memref_slice %arg12[%dma_start3A_403, %dma_start3A_404, %dma_start3A_405, %dma_start3A_406] : memref<16x4x8x128xf32, #tpu.memory_space<vmem>> -> memref<1x4x8x128xf32, #tpu.memory_space<vmem>>
      %dma_start3A_408 = tpu.memref_squeeze %dma_start3A_407 : memref<1x4x8x128xf32, #tpu.memory_space<vmem>> -> memref<4x8x128xf32, #tpu.memory_space<vmem>>
      %dma_start3A_409 = arith.constant 0 : i32
      %dma_start3A_410 = arith.constant 0 : i32
      %dma_start3A_411 = tpu.memref_slice %arg5[%dma_start3A_409, %dma_start3A_410, %mul3A_402] : memref<4x8x1000000xf32, #tpu.memory_space<hbm>> -> memref<4x8x128xf32, #tpu.memory_space<hbm>>
      %dma_start3A_412 = arith.constant 0 : i32
      %dma_start3A_413 = arith.constant 0 : i32
      %dma_start3A_414 = arith.constant 0 : i32
      %dma_start3A_415 = tpu.memref_slice %arg12[%dma_start3A_403, %dma_start3A_412, %dma_start3A_413, %dma_start3A_414] : memref<16x4x8x128xf32, #tpu.memory_space<vmem>> -> memref<1x4x8x128xf32, #tpu.memory_space<vmem>>
      %dma_start3A_416 = tpu.memref_squeeze %dma_start3A_415 : memref<1x4x8x128xf32, #tpu.memory_space<vmem>> -> memref<4x8x128xf32, #tpu.memory_space<vmem>>
      %dma_start3A_417 = arith.constant 0 : i32
      %dma_start3A_418 = arith.constant 0 : i32
      %dma_start3A_419 = tpu.memref_slice %arg5[%dma_start3A_417, %dma_start3A_418, %mul3A_402] : memref<4x8x1000000xf32, #tpu.memory_space<hbm>> -> memref<4x8x128xf32, #tpu.memory_space<hbm>>
      tpu.enqueue_dma source(%dma_start3A_419 : memref<4x8x128xf32, #tpu.memory_space<hbm>>) target(%dma_start3A_416 : memref<4x8x128xf32, #tpu.memory_space<vmem>>) target_semaphore(%arg17 : memref<!tpu.dma_semaphore, #tpu.memory_space<semaphore_mem>>)
      %slice3A_420 = vector.extract_strided_slice %get3A_392 {offsets = [1], sizes = [1], strides = [1]} : vector<16xi32> to vector<1xi32>
      %squeeze3A_421 = vector.extract %slice3A_420[0] : i32 from vector<1xi32>
      %shift_right_arithmetic3A_422 = arith.constant 7 : i32
      %shift_right_arithmetic3A_423 = arith.shrsi %squeeze3A_421, %shift_right_arithmetic3A_422 : i32
      %min3A_424 = arith.constant 7811 : i32
      %min3A_425 = arith.minsi %shift_right_arithmetic3A_423, %min3A_424 : i32
      %mul3A_426 = arith.constant 128 : i32
      %mul3A_427 = arith.muli %min3A_425, %mul3A_426 : i32
      %dma_start3A_428 = arith.constant 1 : i32
      %dma_start3A_429 = arith.constant 0 : i32
      %dma_start3A_430 = arith.constant 0 : i32
      %dma_start3A_431 = arith.constant 0 : i32
      %dma_start3A_432 = tpu.memref_slice %arg12[%dma_start3A_428, %dma_start3A_429, %dma_start3A_430, %dma_start3A_431] : memref<16x4x8x128xf32, #tpu.memory_space<vmem>> -> memref<1x4x8x128xf32, #tpu.memory_space<vmem>>
      %dma_start3A_433 = tpu.memref_squeeze %dma_start3A_432 : memref<1x4x8x128xf32, #tpu.memory_space<vmem>> -> memref<4x8x128xf32, #tpu.memory_space<vmem>>
      %dma_start3A_434 = arith.constant 0 : i32
      %dma_start3A_435 = arith.constant 0 : i32
      %dma_start3A_436 = tpu.memref_slice %arg5[%dma_start3A_434, %dma_start3A_435, %mul3A_427] : memref<4x8x1000000xf32, #tpu.memory_space<hbm>> -> memref<4x8x128xf32, #tpu.memory_space<hbm>>
      %dma_start3A_437 = arith.constant 0 : i32
      %dma_start3A_438 = arith.constant 0 : i32
      %dma_start3A_439 = arith.constant 0 : i32
      %dma_start3A_440 = tpu.memref_slice %arg12[%dma_start3A_428, %dma_start3A_437, %dma_start3A_438, %dma_start3A_439] : memref<16x4x8x128xf32, #tpu.memory_space<vmem>> -> memref<1x4x8x128xf32, #tpu.memory_space<vmem>>
      %dma_start3A_441 = tpu.memref_squeeze %dma_start3A_440 : memref<1x4x8x128xf32, #tpu.memory_space<vmem>> -> memref<4x8x128xf32, #tpu.memory_space<vmem>>
      %dma_start3A_442 = arith.constant 0 : i32
      %dma_start3A_443 = arith.constant 0 : i32
      %dma_start3A_444 = tpu.memref_slice %arg5[%dma_start3A_442, %dma_start3A_443, %mul3A_427] : memref<4x8x1000000xf32, #tpu.memory_space<hbm>> -> memref<4x8x128xf32, #tpu.memory_space<hbm>>
      tpu.enqueue_dma source(%dma_start3A_444 : memref<4x8x128xf32, #tpu.memory_space<hbm>>) target(%dma_start3A_441 : memref<4x8x128xf32, #tpu.memory_space<vmem>>) target_semaphore(%arg17 : memref<!tpu.dma_semaphore, #tpu.memory_space<semaphore_mem>>)
      %slice3A_445 = vector.extract_strided_slice %get3A_392 {offsets = [2], sizes = [1], strides = [1]} : vector<16xi32> to vector<1xi32>
      %squeeze3A_446 = vector.extract %slice3A_445[0] : i32 from vector<1xi32>
      %shift_right_arithmetic3A_447 = arith.constant 7 : i32
      %shift_right_arithmetic3A_448 = arith.shrsi %squeeze3A_446, %shift_right_arithmetic3A_447 : i32
      %min3A_449 = arith.constant 7811 : i32
      %min3A_450 = arith.minsi %shift_right_arithmetic3A_448, %min3A_449 : i32
      %mul3A_451 = arith.constant 128 : i32
      %mul3A_452 = arith.muli %min3A_450, %mul3A_451 : i32
      %dma_start3A_453 = arith.constant 2 : i32
      %dma_start3A_454 = arith.constant 0 : i32
      %dma_start3A_455 = arith.constant 0 : i32
      %dma_start3A_456 = arith.constant 0 : i32
      %dma_start3A_457 = tpu.memref_slice %arg12[%dma_start3A_453, %dma_start3A_454, %dma_start3A_455, %dma_start3A_456] : memref<16x4x8x128xf32, #tpu.memory_space<vmem>> -> memref<1x4x8x128xf32, #tpu.memory_space<vmem>>
      %dma_start3A_458 = tpu.memref_squeeze %dma_start3A_457 : memref<1x4x8x128xf32, #tpu.memory_space<vmem>> -> memref<4x8x128xf32, #tpu.memory_space<vmem>>
      %dma_start3A_459 = arith.constant 0 : i32
      %dma_start3A_460 = arith.constant 0 : i32
      %dma_start3A_461 = tpu.memref_slice %arg5[%dma_start3A_459, %dma_start3A_460, %mul3A_452] : memref<4x8x1000000xf32, #tpu.memory_space<hbm>> -> memref<4x8x128xf32, #tpu.memory_space<hbm>>
      %dma_start3A_462 = arith.constant 0 : i32
      %dma_start3A_463 = arith.constant 0 : i32
      %dma_start3A_464 = arith.constant 0 : i32
      %dma_start3A_465 = tpu.memref_slice %arg12[%dma_start3A_453, %dma_start3A_462, %dma_start3A_463, %dma_start3A_464] : memref<16x4x8x128xf32, #tpu.memory_space<vmem>> -> memref<1x4x8x128xf32, #tpu.memory_space<vmem>>
      %dma_start3A_466 = tpu.memref_squeeze %dma_start3A_465 : memref<1x4x8x128xf32, #tpu.memory_space<vmem>> -> memref<4x8x128xf32, #tpu.memory_space<vmem>>
      %dma_start3A_467 = arith.constant 0 : i32
      %dma_start3A_468 = arith.constant 0 : i32
      %dma_start3A_469 = tpu.memref_slice %arg5[%dma_start3A_467, %dma_start3A_468, %mul3A_452] : memref<4x8x1000000xf32, #tpu.memory_space<hbm>> -> memref<4x8x128xf32, #tpu.memory_space<hbm>>
      tpu.enqueue_dma source(%dma_start3A_469 : memref<4x8x128xf32, #tpu.memory_space<hbm>>) target(%dma_start3A_466 : memref<4x8x128xf32, #tpu.memory_space<vmem>>) target_semaphore(%arg17 : memref<!tpu.dma_semaphore, #tpu.memory_space<semaphore_mem>>)
      %slice3A_470 = vector.extract_strided_slice %get3A_392 {offsets = [3], sizes = [1], strides = [1]} : vector<16xi32> to vector<1xi32>
      %squeeze3A_471 = vector.extract %slice3A_470[0] : i32 from vector<1xi32>
      %shift_right_arithmetic3A_472 = arith.constant 7 : i32
      %shift_right_arithmetic3A_473 = arith.shrsi %squeeze3A_471, %shift_right_arithmetic3A_472 : i32
      %min3A_474 = arith.constant 7811 : i32
      %min3A_475 = arith.minsi %shift_right_arithmetic3A_473, %min3A_474 : i32
      %mul3A_476 = arith.constant 128 : i32
      %mul3A_477 = arith.muli %min3A_475, %mul3A_476 : i32
      %dma_start3A_478 = arith.constant 3 : i32
      %dma_start3A_479 = arith.constant 0 : i32
      %dma_start3A_480 = arith.constant 0 : i32
      %dma_start3A_481 = arith.constant 0 : i32
      %dma_start3A_482 = tpu.memref_slice %arg12[%dma_start3A_478, %dma_start3A_479, %dma_start3A_480, %dma_start3A_481] : memref<16x4x8x128xf32, #tpu.memory_space<vmem>> -> memref<1x4x8x128xf32, #tpu.memory_space<vmem>>
      %dma_start3A_483 = tpu.memref_squeeze %dma_start3A_482 : memref<1x4x8x128xf32, #tpu.memory_space<vmem>> -> memref<4x8x128xf32, #tpu.memory_space<vmem>>
      %dma_start3A_484 = arith.constant 0 : i32
      %dma_start3A_485 = arith.constant 0 : i32
      %dma_start3A_486 = tpu.memref_slice %arg5[%dma_start3A_484, %dma_start3A_485, %mul3A_477] : memref<4x8x1000000xf32, #tpu.memory_space<hbm>> -> memref<4x8x128xf32, #tpu.memory_space<hbm>>
      %dma_start3A_487 = arith.constant 0 : i32
      %dma_start3A_488 = arith.constant 0 : i32
      %dma_start3A_489 = arith.constant 0 : i32
      %dma_start3A_490 = tpu.memref_slice %arg12[%dma_start3A_478, %dma_start3A_487, %dma_start3A_488, %dma_start3A_489] : memref<16x4x8x128xf32, #tpu.memory_space<vmem>> -> memref<1x4x8x128xf32, #tpu.memory_space<vmem>>
      %dma_start3A_491 = tpu.memref_squeeze %dma_start3A_490 : memref<1x4x8x128xf32, #tpu.memory_space<vmem>> -> memref<4x8x128xf32, #tpu.memory_space<vmem>>
      %dma_start3A_492 = arith.constant 0 : i32
      %dma_start3A_493 = arith.constant 0 : i32
      %dma_start3A_494 = tpu.memref_slice %arg5[%dma_start3A_492, %dma_start3A_493, %mul3A_477] : memref<4x8x1000000xf32, #tpu.memory_space<hbm>> -> memref<4x8x128xf32, #tpu.memory_space<hbm>>
      tpu.enqueue_dma source(%dma_start3A_494 : memref<4x8x128xf32, #tpu.memory_space<hbm>>) target(%dma_start3A_491 : memref<4x8x128xf32, #tpu.memory_space<vmem>>) target_semaphore(%arg17 : memref<!tpu.dma_semaphore, #tpu.memory_space<semaphore_mem>>)
      %slice3A_495 = vector.extract_strided_slice %get3A_392 {offsets = [4], sizes = [1], strides = [1]} : vector<16xi32> to vector<1xi32>
      %squeeze3A_496 = vector.extract %slice3A_495[0] : i32 from vector<1xi32>
      %shift_right_arithmetic3A_497 = arith.constant 7 : i32
      %shift_right_arithmetic3A_498 = arith.shrsi %squeeze3A_496, %shift_right_arithmetic3A_497 : i32
      %min3A_499 = arith.constant 7811 : i32
      %min3A_500 = arith.minsi %shift_right_arithmetic3A_498, %min3A_499 : i32
      %mul3A_501 = arith.constant 128 : i32
      %mul3A_502 = arith.muli %min3A_500, %mul3A_501 : i32
      %dma_start3A_503 = arith.constant 4 : i32
      %dma_start3A_504 = arith.constant 0 : i32
      %dma_start3A_505 = arith.constant 0 : i32
      %dma_start3A_506 = arith.constant 0 : i32
      %dma_start3A_507 = tpu.memref_slice %arg12[%dma_start3A_503, %dma_start3A_504, %dma_start3A_505, %dma_start3A_506] : memref<16x4x8x128xf32, #tpu.memory_space<vmem>> -> memref<1x4x8x128xf32, #tpu.memory_space<vmem>>
      %dma_start3A_508 = tpu.memref_squeeze %dma_start3A_507 : memref<1x4x8x128xf32, #tpu.memory_space<vmem>> -> memref<4x8x128xf32, #tpu.memory_space<vmem>>
      %dma_start3A_509 = arith.constant 0 : i32
      %dma_start3A_510 = arith.constant 0 : i32
      %dma_start3A_511 = tpu.memref_slice %arg5[%dma_start3A_509, %dma_start3A_510, %mul3A_502] : memref<4x8x1000000xf32, #tpu.memory_space<hbm>> -> memref<4x8x128xf32, #tpu.memory_space<hbm>>
      %dma_start3A_512 = arith.constant 0 : i32
      %dma_start3A_513 = arith.constant 0 : i32
      %dma_start3A_514 = arith.constant 0 : i32
      %dma_start3A_515 = tpu.memref_slice %arg12[%dma_start3A_503, %dma_start3A_512, %dma_start3A_513, %dma_start3A_514] : memref<16x4x8x128xf32, #tpu.memory_space<vmem>> -> memref<1x4x8x128xf32, #tpu.memory_space<vmem>>
      %dma_start3A_516 = tpu.memref_squeeze %dma_start3A_515 : memref<1x4x8x128xf32, #tpu.memory_space<vmem>> -> memref<4x8x128xf32, #tpu.memory_space<vmem>>
      %dma_start3A_517 = arith.constant 0 : i32
      %dma_start3A_518 = arith.constant 0 : i32
      %dma_start3A_519 = tpu.memref_slice %arg5[%dma_start3A_517, %dma_start3A_518, %mul3A_502] : memref<4x8x1000000xf32, #tpu.memory_space<hbm>> -> memref<4x8x128xf32, #tpu.memory_space<hbm>>
      tpu.enqueue_dma source(%dma_start3A_519 : memref<4x8x128xf32, #tpu.memory_space<hbm>>) target(%dma_start3A_516 : memref<4x8x128xf32, #tpu.memory_space<vmem>>) target_semaphore(%arg17 : memref<!tpu.dma_semaphore, #tpu.memory_space<semaphore_mem>>)
      %slice3A_520 = vector.extract_strided_slice %get3A_392 {offsets = [5], sizes = [1], strides = [1]} : vector<16xi32> to vector<1xi32>
      %squeeze3A_521 = vector.extract %slice3A_520[0] : i32 from vector<1xi32>
      %shift_right_arithmetic3A_522 = arith.constant 7 : i32
      %shift_right_arithmetic3A_523 = arith.shrsi %squeeze3A_521, %shift_right_arithmetic3A_522 : i32
      %min3A_524 = arith.constant 7811 : i32
      %min3A_525 = arith.minsi %shift_right_arithmetic3A_523, %min3A_524 : i32
      %mul3A_526 = arith.constant 128 : i32
      %mul3A_527 = arith.muli %min3A_525, %mul3A_526 : i32
      %dma_start3A_528 = arith.constant 5 : i32
      %dma_start3A_529 = arith.constant 0 : i32
      %dma_start3A_530 = arith.constant 0 : i32
      %dma_start3A_531 = arith.constant 0 : i32
      %dma_start3A_532 = tpu.memref_slice %arg12[%dma_start3A_528, %dma_start3A_529, %dma_start3A_530, %dma_start3A_531] : memref<16x4x8x128xf32, #tpu.memory_space<vmem>> -> memref<1x4x8x128xf32, #tpu.memory_space<vmem>>
      %dma_start3A_533 = tpu.memref_squeeze %dma_start3A_532 : memref<1x4x8x128xf32, #tpu.memory_space<vmem>> -> memref<4x8x128xf32, #tpu.memory_space<vmem>>
      %dma_start3A_534 = arith.constant 0 : i32
      %dma_start3A_535 = arith.constant 0 : i32
      %dma_start3A_536 = tpu.memref_slice %arg5[%dma_start3A_534, %dma_start3A_535, %mul3A_527] : memref<4x8x1000000xf32, #tpu.memory_space<hbm>> -> memref<4x8x128xf32, #tpu.memory_space<hbm>>
      %dma_start3A_537 = arith.constant 0 : i32
      %dma_start3A_538 = arith.constant 0 : i32
      %dma_start3A_539 = arith.constant 0 : i32
      %dma_start3A_540 = tpu.memref_slice %arg12[%dma_start3A_528, %dma_start3A_537, %dma_start3A_538, %dma_start3A_539] : memref<16x4x8x128xf32, #tpu.memory_space<vmem>> -> memref<1x4x8x128xf32, #tpu.memory_space<vmem>>
      %dma_start3A_541 = tpu.memref_squeeze %dma_start3A_540 : memref<1x4x8x128xf32, #tpu.memory_space<vmem>> -> memref<4x8x128xf32, #tpu.memory_space<vmem>>
      %dma_start3A_542 = arith.constant 0 : i32
      %dma_start3A_543 = arith.constant 0 : i32
      %dma_start3A_544 = tpu.memref_slice %arg5[%dma_start3A_542, %dma_start3A_543, %mul3A_527] : memref<4x8x1000000xf32, #tpu.memory_space<hbm>> -> memref<4x8x128xf32, #tpu.memory_space<hbm>>
      tpu.enqueue_dma source(%dma_start3A_544 : memref<4x8x128xf32, #tpu.memory_space<hbm>>) target(%dma_start3A_541 : memref<4x8x128xf32, #tpu.memory_space<vmem>>) target_semaphore(%arg17 : memref<!tpu.dma_semaphore, #tpu.memory_space<semaphore_mem>>)
      %slice3A_545 = vector.extract_strided_slice %get3A_392 {offsets = [6], sizes = [1], strides = [1]} : vector<16xi32> to vector<1xi32>
      %squeeze3A_546 = vector.extract %slice3A_545[0] : i32 from vector<1xi32>
      %shift_right_arithmetic3A_547 = arith.constant 7 : i32
      %shift_right_arithmetic3A_548 = arith.shrsi %squeeze3A_546, %shift_right_arithmetic3A_547 : i32
      %min3A_549 = arith.constant 7811 : i32
      %min3A_550 = arith.minsi %shift_right_arithmetic3A_548, %min3A_549 : i32
      %mul3A_551 = arith.constant 128 : i32
      %mul3A_552 = arith.muli %min3A_550, %mul3A_551 : i32
      %dma_start3A_553 = arith.constant 6 : i32
      %dma_start3A_554 = arith.constant 0 : i32
      %dma_start3A_555 = arith.constant 0 : i32
      %dma_start3A_556 = arith.constant 0 : i32
      %dma_start3A_557 = tpu.memref_slice %arg12[%dma_start3A_553, %dma_start3A_554, %dma_start3A_555, %dma_start3A_556] : memref<16x4x8x128xf32, #tpu.memory_space<vmem>> -> memref<1x4x8x128xf32, #tpu.memory_space<vmem>>
      %dma_start3A_558 = tpu.memref_squeeze %dma_start3A_557 : memref<1x4x8x128xf32, #tpu.memory_space<vmem>> -> memref<4x8x128xf32, #tpu.memory_space<vmem>>
      %dma_start3A_559 = arith.constant 0 : i32
      %dma_start3A_560 = arith.constant 0 : i32
      %dma_start3A_561 = tpu.memref_slice %arg5[%dma_start3A_559, %dma_start3A_560, %mul3A_552] : memref<4x8x1000000xf32, #tpu.memory_space<hbm>> -> memref<4x8x128xf32, #tpu.memory_space<hbm>>
      %dma_start3A_562 = arith.constant 0 : i32
      %dma_start3A_563 = arith.constant 0 : i32
      %dma_start3A_564 = arith.constant 0 : i32
      %dma_start3A_565 = tpu.memref_slice %arg12[%dma_start3A_553, %dma_start3A_562, %dma_start3A_563, %dma_start3A_564] : memref<16x4x8x128xf32, #tpu.memory_space<vmem>> -> memref<1x4x8x128xf32, #tpu.memory_space<vmem>>
      %dma_start3A_566 = tpu.memref_squeeze %dma_start3A_565 : memref<1x4x8x128xf32, #tpu.memory_space<vmem>> -> memref<4x8x128xf32, #tpu.memory_space<vmem>>
      %dma_start3A_567 = arith.constant 0 : i32
      %dma_start3A_568 = arith.constant 0 : i32
      %dma_start3A_569 = tpu.memref_slice %arg5[%dma_start3A_567, %dma_start3A_568, %mul3A_552] : memref<4x8x1000000xf32, #tpu.memory_space<hbm>> -> memref<4x8x128xf32, #tpu.memory_space<hbm>>
      tpu.enqueue_dma source(%dma_start3A_569 : memref<4x8x128xf32, #tpu.memory_space<hbm>>) target(%dma_start3A_566 : memref<4x8x128xf32, #tpu.memory_space<vmem>>) target_semaphore(%arg17 : memref<!tpu.dma_semaphore, #tpu.memory_space<semaphore_mem>>)
      %slice3A_570 = vector.extract_strided_slice %get3A_392 {offsets = [7], sizes = [1], strides = [1]} : vector<16xi32> to vector<1xi32>
      %squeeze3A_571 = vector.extract %slice3A_570[0] : i32 from vector<1xi32>
      %shift_right_arithmetic3A_572 = arith.constant 7 : i32
      %shift_right_arithmetic3A_573 = arith.shrsi %squeeze3A_571, %shift_right_arithmetic3A_572 : i32
      %min3A_574 = arith.constant 7811 : i32
      %min3A_575 = arith.minsi %shift_right_arithmetic3A_573, %min3A_574 : i32
      %mul3A_576 = arith.constant 128 : i32
      %mul3A_577 = arith.muli %min3A_575, %mul3A_576 : i32
      %dma_start3A_578 = arith.constant 7 : i32
      %dma_start3A_579 = arith.constant 0 : i32
      %dma_start3A_580 = arith.constant 0 : i32
      %dma_start3A_581 = arith.constant 0 : i32
      %dma_start3A_582 = tpu.memref_slice %arg12[%dma_start3A_578, %dma_start3A_579, %dma_start3A_580, %dma_start3A_581] : memref<16x4x8x128xf32, #tpu.memory_space<vmem>> -> memref<1x4x8x128xf32, #tpu.memory_space<vmem>>
      %dma_start3A_583 = tpu.memref_squeeze %dma_start3A_582 : memref<1x4x8x128xf32, #tpu.memory_space<vmem>> -> memref<4x8x128xf32, #tpu.memory_space<vmem>>
      %dma_start3A_584 = arith.constant 0 : i32
      %dma_start3A_585 = arith.constant 0 : i32
      %dma_start3A_586 = tpu.memref_slice %arg5[%dma_start3A_584, %dma_start3A_585, %mul3A_577] : memref<4x8x1000000xf32, #tpu.memory_space<hbm>> -> memref<4x8x128xf32, #tpu.memory_space<hbm>>
      %dma_start3A_587 = arith.constant 0 : i32
      %dma_start3A_588 = arith.constant 0 : i32
      %dma_start3A_589 = arith.constant 0 : i32
      %dma_start3A_590 = tpu.memref_slice %arg12[%dma_start3A_578, %dma_start3A_587, %dma_start3A_588, %dma_start3A_589] : memref<16x4x8x128xf32, #tpu.memory_space<vmem>> -> memref<1x4x8x128xf32, #tpu.memory_space<vmem>>
      %dma_start3A_591 = tpu.memref_squeeze %dma_start3A_590 : memref<1x4x8x128xf32, #tpu.memory_space<vmem>> -> memref<4x8x128xf32, #tpu.memory_space<vmem>>
      %dma_start3A_592 = arith.constant 0 : i32
      %dma_start3A_593 = arith.constant 0 : i32
      %dma_start3A_594 = tpu.memref_slice %arg5[%dma_start3A_592, %dma_start3A_593, %mul3A_577] : memref<4x8x1000000xf32, #tpu.memory_space<hbm>> -> memref<4x8x128xf32, #tpu.memory_space<hbm>>
      tpu.enqueue_dma source(%dma_start3A_594 : memref<4x8x128xf32, #tpu.memory_space<hbm>>) target(%dma_start3A_591 : memref<4x8x128xf32, #tpu.memory_space<vmem>>) target_semaphore(%arg17 : memref<!tpu.dma_semaphore, #tpu.memory_space<semaphore_mem>>)
      %slice3A_595 = vector.extract_strided_slice %get3A_392 {offsets = [8], sizes = [1], strides = [1]} : vector<16xi32> to vector<1xi32>
      %squeeze3A_596 = vector.extract %slice3A_595[0] : i32 from vector<1xi32>
      %shift_right_arithmetic3A_597 = arith.constant 7 : i32
      %shift_right_arithmetic3A_598 = arith.shrsi %squeeze3A_596, %shift_right_arithmetic3A_597 : i32
      %min3A_599 = arith.constant 7811 : i32
      %min3A_600 = arith.minsi %shift_right_arithmetic3A_598, %min3A_599 : i32
      %mul3A_601 = arith.constant 128 : i32
      %mul3A_602 = arith.muli %min3A_600, %mul3A_601 : i32
      %dma_start3A_603 = arith.constant 8 : i32
      %dma_start3A_604 = arith.constant 0 : i32
      %dma_start3A_605 = arith.constant 0 : i32
      %dma_start3A_606 = arith.constant 0 : i32
      %dma_start3A_607 = tpu.memref_slice %arg12[%dma_start3A_603, %dma_start3A_604, %dma_start3A_605, %dma_start3A_606] : memref<16x4x8x128xf32, #tpu.memory_space<vmem>> -> memref<1x4x8x128xf32, #tpu.memory_space<vmem>>
      %dma_start3A_608 = tpu.memref_squeeze %dma_start3A_607 : memref<1x4x8x128xf32, #tpu.memory_space<vmem>> -> memref<4x8x128xf32, #tpu.memory_space<vmem>>
      %dma_start3A_609 = arith.constant 0 : i32
      %dma_start3A_610 = arith.constant 0 : i32
      %dma_start3A_611 = tpu.memref_slice %arg5[%dma_start3A_609, %dma_start3A_610, %mul3A_602] : memref<4x8x1000000xf32, #tpu.memory_space<hbm>> -> memref<4x8x128xf32, #tpu.memory_space<hbm>>
      %dma_start3A_612 = arith.constant 0 : i32
      %dma_start3A_613 = arith.constant 0 : i32
      %dma_start3A_614 = arith.constant 0 : i32
      %dma_start3A_615 = tpu.memref_slice %arg12[%dma_start3A_603, %dma_start3A_612, %dma_start3A_613, %dma_start3A_614] : memref<16x4x8x128xf32, #tpu.memory_space<vmem>> -> memref<1x4x8x128xf32, #tpu.memory_space<vmem>>
      %dma_start3A_616 = tpu.memref_squeeze %dma_start3A_615 : memref<1x4x8x128xf32, #tpu.memory_space<vmem>> -> memref<4x8x128xf32, #tpu.memory_space<vmem>>
      %dma_start3A_617 = arith.constant 0 : i32
      %dma_start3A_618 = arith.constant 0 : i32
      %dma_start3A_619 = tpu.memref_slice %arg5[%dma_start3A_617, %dma_start3A_618, %mul3A_602] : memref<4x8x1000000xf32, #tpu.memory_space<hbm>> -> memref<4x8x128xf32, #tpu.memory_space<hbm>>
      tpu.enqueue_dma source(%dma_start3A_619 : memref<4x8x128xf32, #tpu.memory_space<hbm>>) target(%dma_start3A_616 : memref<4x8x128xf32, #tpu.memory_space<vmem>>) target_semaphore(%arg17 : memref<!tpu.dma_semaphore, #tpu.memory_space<semaphore_mem>>)
      %slice3A_620 = vector.extract_strided_slice %get3A_392 {offsets = [9], sizes = [1], strides = [1]} : vector<16xi32> to vector<1xi32>
      %squeeze3A_621 = vector.extract %slice3A_620[0] : i32 from vector<1xi32>
      %shift_right_arithmetic3A_622 = arith.constant 7 : i32
      %shift_right_arithmetic3A_623 = arith.shrsi %squeeze3A_621, %shift_right_arithmetic3A_622 : i32
      %min3A_624 = arith.constant 7811 : i32
      %min3A_625 = arith.minsi %shift_right_arithmetic3A_623, %min3A_624 : i32
      %mul3A_626 = arith.constant 128 : i32
      %mul3A_627 = arith.muli %min3A_625, %mul3A_626 : i32
      %dma_start3A_628 = arith.constant 9 : i32
      %dma_start3A_629 = arith.constant 0 : i32
      %dma_start3A_630 = arith.constant 0 : i32
      %dma_start3A_631 = arith.constant 0 : i32
      %dma_start3A_632 = tpu.memref_slice %arg12[%dma_start3A_628, %dma_start3A_629, %dma_start3A_630, %dma_start3A_631] : memref<16x4x8x128xf32, #tpu.memory_space<vmem>> -> memref<1x4x8x128xf32, #tpu.memory_space<vmem>>
      %dma_start3A_633 = tpu.memref_squeeze %dma_start3A_632 : memref<1x4x8x128xf32, #tpu.memory_space<vmem>> -> memref<4x8x128xf32, #tpu.memory_space<vmem>>
      %dma_start3A_634 = arith.constant 0 : i32
      %dma_start3A_635 = arith.constant 0 : i32
      %dma_start3A_636 = tpu.memref_slice %arg5[%dma_start3A_634, %dma_start3A_635, %mul3A_627] : memref<4x8x1000000xf32, #tpu.memory_space<hbm>> -> memref<4x8x128xf32, #tpu.memory_space<hbm>>
      %dma_start3A_637 = arith.constant 0 : i32
      %dma_start3A_638 = arith.constant 0 : i32
      %dma_start3A_639 = arith.constant 0 : i32
      %dma_start3A_640 = tpu.memref_slice %arg12[%dma_start3A_628, %dma_start3A_637, %dma_start3A_638, %dma_start3A_639] : memref<16x4x8x128xf32, #tpu.memory_space<vmem>> -> memref<1x4x8x128xf32, #tpu.memory_space<vmem>>
      %dma_start3A_641 = tpu.memref_squeeze %dma_start3A_640 : memref<1x4x8x128xf32, #tpu.memory_space<vmem>> -> memref<4x8x128xf32, #tpu.memory_space<vmem>>
      %dma_start3A_642 = arith.constant 0 : i32
      %dma_start3A_643 = arith.constant 0 : i32
      %dma_start3A_644 = tpu.memref_slice %arg5[%dma_start3A_642, %dma_start3A_643, %mul3A_627] : memref<4x8x1000000xf32, #tpu.memory_space<hbm>> -> memref<4x8x128xf32, #tpu.memory_space<hbm>>
      tpu.enqueue_dma source(%dma_start3A_644 : memref<4x8x128xf32, #tpu.memory_space<hbm>>) target(%dma_start3A_641 : memref<4x8x128xf32, #tpu.memory_space<vmem>>) target_semaphore(%arg17 : memref<!tpu.dma_semaphore, #tpu.memory_space<semaphore_mem>>)
      %slice3A_645 = vector.extract_strided_slice %get3A_392 {offsets = [10], sizes = [1], strides = [1]} : vector<16xi32> to vector<1xi32>
      %squeeze3A_646 = vector.extract %slice3A_645[0] : i32 from vector<1xi32>
      %shift_right_arithmetic3A_647 = arith.constant 7 : i32
      %shift_right_arithmetic3A_648 = arith.shrsi %squeeze3A_646, %shift_right_arithmetic3A_647 : i32
      %min3A_649 = arith.constant 7811 : i32
      %min3A_650 = arith.minsi %shift_right_arithmetic3A_648, %min3A_649 : i32
      %mul3A_651 = arith.constant 128 : i32
      %mul3A_652 = arith.muli %min3A_650, %mul3A_651 : i32
      %dma_start3A_653 = arith.constant 10 : i32
      %dma_start3A_654 = arith.constant 0 : i32
      %dma_start3A_655 = arith.constant 0 : i32
      %dma_start3A_656 = arith.constant 0 : i32
      %dma_start3A_657 = tpu.memref_slice %arg12[%dma_start3A_653, %dma_start3A_654, %dma_start3A_655, %dma_start3A_656] : memref<16x4x8x128xf32, #tpu.memory_space<vmem>> -> memref<1x4x8x128xf32, #tpu.memory_space<vmem>>
      %dma_start3A_658 = tpu.memref_squeeze %dma_start3A_657 : memref<1x4x8x128xf32, #tpu.memory_space<vmem>> -> memref<4x8x128xf32, #tpu.memory_space<vmem>>
      %dma_start3A_659 = arith.constant 0 : i32
      %dma_start3A_660 = arith.constant 0 : i32
      %dma_start3A_661 = tpu.memref_slice %arg5[%dma_start3A_659, %dma_start3A_660, %mul3A_652] : memref<4x8x1000000xf32, #tpu.memory_space<hbm>> -> memref<4x8x128xf32, #tpu.memory_space<hbm>>
      %dma_start3A_662 = arith.constant 0 : i32
      %dma_start3A_663 = arith.constant 0 : i32
      %dma_start3A_664 = arith.constant 0 : i32
      %dma_start3A_665 = tpu.memref_slice %arg12[%dma_start3A_653, %dma_start3A_662, %dma_start3A_663, %dma_start3A_664] : memref<16x4x8x128xf32, #tpu.memory_space<vmem>> -> memref<1x4x8x128xf32, #tpu.memory_space<vmem>>
      %dma_start3A_666 = tpu.memref_squeeze %dma_start3A_665 : memref<1x4x8x128xf32, #tpu.memory_space<vmem>> -> memref<4x8x128xf32, #tpu.memory_space<vmem>>
      %dma_start3A_667 = arith.constant 0 : i32
      %dma_start3A_668 = arith.constant 0 : i32
      %dma_start3A_669 = tpu.memref_slice %arg5[%dma_start3A_667, %dma_start3A_668, %mul3A_652] : memref<4x8x1000000xf32, #tpu.memory_space<hbm>> -> memref<4x8x128xf32, #tpu.memory_space<hbm>>
      tpu.enqueue_dma source(%dma_start3A_669 : memref<4x8x128xf32, #tpu.memory_space<hbm>>) target(%dma_start3A_666 : memref<4x8x128xf32, #tpu.memory_space<vmem>>) target_semaphore(%arg17 : memref<!tpu.dma_semaphore, #tpu.memory_space<semaphore_mem>>)
      %slice3A_670 = vector.extract_strided_slice %get3A_392 {offsets = [11], sizes = [1], strides = [1]} : vector<16xi32> to vector<1xi32>
      %squeeze3A_671 = vector.extract %slice3A_670[0] : i32 from vector<1xi32>
      %shift_right_arithmetic3A_672 = arith.constant 7 : i32
      %shift_right_arithmetic3A_673 = arith.shrsi %squeeze3A_671, %shift_right_arithmetic3A_672 : i32
      %min3A_674 = arith.constant 7811 : i32
      %min3A_675 = arith.minsi %shift_right_arithmetic3A_673, %min3A_674 : i32
      %mul3A_676 = arith.constant 128 : i32
      %mul3A_677 = arith.muli %min3A_675, %mul3A_676 : i32
      %dma_start3A_678 = arith.constant 11 : i32
      %dma_start3A_679 = arith.constant 0 : i32
      %dma_start3A_680 = arith.constant 0 : i32
      %dma_start3A_681 = arith.constant 0 : i32
      %dma_start3A_682 = tpu.memref_slice %arg12[%dma_start3A_678, %dma_start3A_679, %dma_start3A_680, %dma_start3A_681] : memref<16x4x8x128xf32, #tpu.memory_space<vmem>> -> memref<1x4x8x128xf32, #tpu.memory_space<vmem>>
      %dma_start3A_683 = tpu.memref_squeeze %dma_start3A_682 : memref<1x4x8x128xf32, #tpu.memory_space<vmem>> -> memref<4x8x128xf32, #tpu.memory_space<vmem>>
      %dma_start3A_684 = arith.constant 0 : i32
      %dma_start3A_685 = arith.constant 0 : i32
      %dma_start3A_686 = tpu.memref_slice %arg5[%dma_start3A_684, %dma_start3A_685, %mul3A_677] : memref<4x8x1000000xf32, #tpu.memory_space<hbm>> -> memref<4x8x128xf32, #tpu.memory_space<hbm>>
      %dma_start3A_687 = arith.constant 0 : i32
      %dma_start3A_688 = arith.constant 0 : i32
      %dma_start3A_689 = arith.constant 0 : i32
      %dma_start3A_690 = tpu.memref_slice %arg12[%dma_start3A_678, %dma_start3A_687, %dma_start3A_688, %dma_start3A_689] : memref<16x4x8x128xf32, #tpu.memory_space<vmem>> -> memref<1x4x8x128xf32, #tpu.memory_space<vmem>>
      %dma_start3A_691 = tpu.memref_squeeze %dma_start3A_690 : memref<1x4x8x128xf32, #tpu.memory_space<vmem>> -> memref<4x8x128xf32, #tpu.memory_space<vmem>>
      %dma_start3A_692 = arith.constant 0 : i32
      %dma_start3A_693 = arith.constant 0 : i32
      %dma_start3A_694 = tpu.memref_slice %arg5[%dma_start3A_692, %dma_start3A_693, %mul3A_677] : memref<4x8x1000000xf32, #tpu.memory_space<hbm>> -> memref<4x8x128xf32, #tpu.memory_space<hbm>>
      tpu.enqueue_dma source(%dma_start3A_694 : memref<4x8x128xf32, #tpu.memory_space<hbm>>) target(%dma_start3A_691 : memref<4x8x128xf32, #tpu.memory_space<vmem>>) target_semaphore(%arg17 : memref<!tpu.dma_semaphore, #tpu.memory_space<semaphore_mem>>)
      %slice3A_695 = vector.extract_strided_slice %get3A_392 {offsets = [12], sizes = [1], strides = [1]} : vector<16xi32> to vector<1xi32>
      %squeeze3A_696 = vector.extract %slice3A_695[0] : i32 from vector<1xi32>
      %shift_right_arithmetic3A_697 = arith.constant 7 : i32
      %shift_right_arithmetic3A_698 = arith.shrsi %squeeze3A_696, %shift_right_arithmetic3A_697 : i32
      %min3A_699 = arith.constant 7811 : i32
      %min3A_700 = arith.minsi %shift_right_arithmetic3A_698, %min3A_699 : i32
      %mul3A_701 = arith.constant 128 : i32
      %mul3A_702 = arith.muli %min3A_700, %mul3A_701 : i32
      %dma_start3A_703 = arith.constant 12 : i32
      %dma_start3A_704 = arith.constant 0 : i32
      %dma_start3A_705 = arith.constant 0 : i32
      %dma_start3A_706 = arith.constant 0 : i32
      %dma_start3A_707 = tpu.memref_slice %arg12[%dma_start3A_703, %dma_start3A_704, %dma_start3A_705, %dma_start3A_706] : memref<16x4x8x128xf32, #tpu.memory_space<vmem>> -> memref<1x4x8x128xf32, #tpu.memory_space<vmem>>
      %dma_start3A_708 = tpu.memref_squeeze %dma_start3A_707 : memref<1x4x8x128xf32, #tpu.memory_space<vmem>> -> memref<4x8x128xf32, #tpu.memory_space<vmem>>
      %dma_start3A_709 = arith.constant 0 : i32
      %dma_start3A_710 = arith.constant 0 : i32
      %dma_start3A_711 = tpu.memref_slice %arg5[%dma_start3A_709, %dma_start3A_710, %mul3A_702] : memref<4x8x1000000xf32, #tpu.memory_space<hbm>> -> memref<4x8x128xf32, #tpu.memory_space<hbm>>
      %dma_start3A_712 = arith.constant 0 : i32
      %dma_start3A_713 = arith.constant 0 : i32
      %dma_start3A_714 = arith.constant 0 : i32
      %dma_start3A_715 = tpu.memref_slice %arg12[%dma_start3A_703, %dma_start3A_712, %dma_start3A_713, %dma_start3A_714] : memref<16x4x8x128xf32, #tpu.memory_space<vmem>> -> memref<1x4x8x128xf32, #tpu.memory_space<vmem>>
      %dma_start3A_716 = tpu.memref_squeeze %dma_start3A_715 : memref<1x4x8x128xf32, #tpu.memory_space<vmem>> -> memref<4x8x128xf32, #tpu.memory_space<vmem>>
      %dma_start3A_717 = arith.constant 0 : i32
      %dma_start3A_718 = arith.constant 0 : i32
      %dma_start3A_719 = tpu.memref_slice %arg5[%dma_start3A_717, %dma_start3A_718, %mul3A_702] : memref<4x8x1000000xf32, #tpu.memory_space<hbm>> -> memref<4x8x128xf32, #tpu.memory_space<hbm>>
      tpu.enqueue_dma source(%dma_start3A_719 : memref<4x8x128xf32, #tpu.memory_space<hbm>>) target(%dma_start3A_716 : memref<4x8x128xf32, #tpu.memory_space<vmem>>) target_semaphore(%arg17 : memref<!tpu.dma_semaphore, #tpu.memory_space<semaphore_mem>>)
      %slice3A_720 = vector.extract_strided_slice %get3A_392 {offsets = [13], sizes = [1], strides = [1]} : vector<16xi32> to vector<1xi32>
      %squeeze3A_721 = vector.extract %slice3A_720[0] : i32 from vector<1xi32>
      %shift_right_arithmetic3A_722 = arith.constant 7 : i32
      %shift_right_arithmetic3A_723 = arith.shrsi %squeeze3A_721, %shift_right_arithmetic3A_722 : i32
      %min3A_724 = arith.constant 7811 : i32
      %min3A_725 = arith.minsi %shift_right_arithmetic3A_723, %min3A_724 : i32
      %mul3A_726 = arith.constant 128 : i32
      %mul3A_727 = arith.muli %min3A_725, %mul3A_726 : i32
      %dma_start3A_728 = arith.constant 13 : i32
      %dma_start3A_729 = arith.constant 0 : i32
      %dma_start3A_730 = arith.constant 0 : i32
      %dma_start3A_731 = arith.constant 0 : i32
      %dma_start3A_732 = tpu.memref_slice %arg12[%dma_start3A_728, %dma_start3A_729, %dma_start3A_730, %dma_start3A_731] : memref<16x4x8x128xf32, #tpu.memory_space<vmem>> -> memref<1x4x8x128xf32, #tpu.memory_space<vmem>>
      %dma_start3A_733 = tpu.memref_squeeze %dma_start3A_732 : memref<1x4x8x128xf32, #tpu.memory_space<vmem>> -> memref<4x8x128xf32, #tpu.memory_space<vmem>>
      %dma_start3A_734 = arith.constant 0 : i32
      %dma_start3A_735 = arith.constant 0 : i32
      %dma_start3A_736 = tpu.memref_slice %arg5[%dma_start3A_734, %dma_start3A_735, %mul3A_727] : memref<4x8x1000000xf32, #tpu.memory_space<hbm>> -> memref<4x8x128xf32, #tpu.memory_space<hbm>>
      %dma_start3A_737 = arith.constant 0 : i32
      %dma_start3A_738 = arith.constant 0 : i32
      %dma_start3A_739 = arith.constant 0 : i32
      %dma_start3A_740 = tpu.memref_slice %arg12[%dma_start3A_728, %dma_start3A_737, %dma_start3A_738, %dma_start3A_739] : memref<16x4x8x128xf32, #tpu.memory_space<vmem>> -> memref<1x4x8x128xf32, #tpu.memory_space<vmem>>
      %dma_start3A_741 = tpu.memref_squeeze %dma_start3A_740 : memref<1x4x8x128xf32, #tpu.memory_space<vmem>> -> memref<4x8x128xf32, #tpu.memory_space<vmem>>
      %dma_start3A_742 = arith.constant 0 : i32
      %dma_start3A_743 = arith.constant 0 : i32
      %dma_start3A_744 = tpu.memref_slice %arg5[%dma_start3A_742, %dma_start3A_743, %mul3A_727] : memref<4x8x1000000xf32, #tpu.memory_space<hbm>> -> memref<4x8x128xf32, #tpu.memory_space<hbm>>
      tpu.enqueue_dma source(%dma_start3A_744 : memref<4x8x128xf32, #tpu.memory_space<hbm>>) target(%dma_start3A_741 : memref<4x8x128xf32, #tpu.memory_space<vmem>>) target_semaphore(%arg17 : memref<!tpu.dma_semaphore, #tpu.memory_space<semaphore_mem>>)
      %slice3A_745 = vector.extract_strided_slice %get3A_392 {offsets = [14], sizes = [1], strides = [1]} : vector<16xi32> to vector<1xi32>
      %squeeze3A_746 = vector.extract %slice3A_745[0] : i32 from vector<1xi32>
      %shift_right_arithmetic3A_747 = arith.constant 7 : i32
      %shift_right_arithmetic3A_748 = arith.shrsi %squeeze3A_746, %shift_right_arithmetic3A_747 : i32
      %min3A_749 = arith.constant 7811 : i32
      %min3A_750 = arith.minsi %shift_right_arithmetic3A_748, %min3A_749 : i32
      %mul3A_751 = arith.constant 128 : i32
      %mul3A_752 = arith.muli %min3A_750, %mul3A_751 : i32
      %dma_start3A_753 = arith.constant 14 : i32
      %dma_start3A_754 = arith.constant 0 : i32
      %dma_start3A_755 = arith.constant 0 : i32
      %dma_start3A_756 = arith.constant 0 : i32
      %dma_start3A_757 = tpu.memref_slice %arg12[%dma_start3A_753, %dma_start3A_754, %dma_start3A_755, %dma_start3A_756] : memref<16x4x8x128xf32, #tpu.memory_space<vmem>> -> memref<1x4x8x128xf32, #tpu.memory_space<vmem>>
      %dma_start3A_758 = tpu.memref_squeeze %dma_start3A_757 : memref<1x4x8x128xf32, #tpu.memory_space<vmem>> -> memref<4x8x128xf32, #tpu.memory_space<vmem>>
      %dma_start3A_759 = arith.constant 0 : i32
      %dma_start3A_760 = arith.constant 0 : i32
      %dma_start3A_761 = tpu.memref_slice %arg5[%dma_start3A_759, %dma_start3A_760, %mul3A_752] : memref<4x8x1000000xf32, #tpu.memory_space<hbm>> -> memref<4x8x128xf32, #tpu.memory_space<hbm>>
      %dma_start3A_762 = arith.constant 0 : i32
      %dma_start3A_763 = arith.constant 0 : i32
      %dma_start3A_764 = arith.constant 0 : i32
      %dma_start3A_765 = tpu.memref_slice %arg12[%dma_start3A_753, %dma_start3A_762, %dma_start3A_763, %dma_start3A_764] : memref<16x4x8x128xf32, #tpu.memory_space<vmem>> -> memref<1x4x8x128xf32, #tpu.memory_space<vmem>>
      %dma_start3A_766 = tpu.memref_squeeze %dma_start3A_765 : memref<1x4x8x128xf32, #tpu.memory_space<vmem>> -> memref<4x8x128xf32, #tpu.memory_space<vmem>>
      %dma_start3A_767 = arith.constant 0 : i32
      %dma_start3A_768 = arith.constant 0 : i32
      %dma_start3A_769 = tpu.memref_slice %arg5[%dma_start3A_767, %dma_start3A_768, %mul3A_752] : memref<4x8x1000000xf32, #tpu.memory_space<hbm>> -> memref<4x8x128xf32, #tpu.memory_space<hbm>>
      tpu.enqueue_dma source(%dma_start3A_769 : memref<4x8x128xf32, #tpu.memory_space<hbm>>) target(%dma_start3A_766 : memref<4x8x128xf32, #tpu.memory_space<vmem>>) target_semaphore(%arg17 : memref<!tpu.dma_semaphore, #tpu.memory_space<semaphore_mem>>)
      %slice3A_770 = vector.extract_strided_slice %get3A_392 {offsets = [15], sizes = [1], strides = [1]} : vector<16xi32> to vector<1xi32>
      %squeeze3A_771 = vector.extract %slice3A_770[0] : i32 from vector<1xi32>
      %shift_right_arithmetic3A_772 = arith.constant 7 : i32
      %shift_right_arithmetic3A_773 = arith.shrsi %squeeze3A_771, %shift_right_arithmetic3A_772 : i32
      %min3A_774 = arith.constant 7811 : i32
      %min3A_775 = arith.minsi %shift_right_arithmetic3A_773, %min3A_774 : i32
      %mul3A_776 = arith.constant 128 : i32
      %mul3A_777 = arith.muli %min3A_775, %mul3A_776 : i32
      %dma_start3A_778 = arith.constant 15 : i32
      %dma_start3A_779 = arith.constant 0 : i32
      %dma_start3A_780 = arith.constant 0 : i32
      %dma_start3A_781 = arith.constant 0 : i32
      %dma_start3A_782 = tpu.memref_slice %arg12[%dma_start3A_778, %dma_start3A_779, %dma_start3A_780, %dma_start3A_781] : memref<16x4x8x128xf32, #tpu.memory_space<vmem>> -> memref<1x4x8x128xf32, #tpu.memory_space<vmem>>
      %dma_start3A_783 = tpu.memref_squeeze %dma_start3A_782 : memref<1x4x8x128xf32, #tpu.memory_space<vmem>> -> memref<4x8x128xf32, #tpu.memory_space<vmem>>
      %dma_start3A_784 = arith.constant 0 : i32
      %dma_start3A_785 = arith.constant 0 : i32
      %dma_start3A_786 = tpu.memref_slice %arg5[%dma_start3A_784, %dma_start3A_785, %mul3A_777] : memref<4x8x1000000xf32, #tpu.memory_space<hbm>> -> memref<4x8x128xf32, #tpu.memory_space<hbm>>
      %dma_start3A_787 = arith.constant 0 : i32
      %dma_start3A_788 = arith.constant 0 : i32
      %dma_start3A_789 = arith.constant 0 : i32
      %dma_start3A_790 = tpu.memref_slice %arg12[%dma_start3A_778, %dma_start3A_787, %dma_start3A_788, %dma_start3A_789] : memref<16x4x8x128xf32, #tpu.memory_space<vmem>> -> memref<1x4x8x128xf32, #tpu.memory_space<vmem>>
      %dma_start3A_791 = tpu.memref_squeeze %dma_start3A_790 : memref<1x4x8x128xf32, #tpu.memory_space<vmem>> -> memref<4x8x128xf32, #tpu.memory_space<vmem>>
      %dma_start3A_792 = arith.constant 0 : i32
      %dma_start3A_793 = arith.constant 0 : i32
      %dma_start3A_794 = tpu.memref_slice %arg5[%dma_start3A_792, %dma_start3A_793, %mul3A_777] : memref<4x8x1000000xf32, #tpu.memory_space<hbm>> -> memref<4x8x128xf32, #tpu.memory_space<hbm>>
      tpu.enqueue_dma source(%dma_start3A_794 : memref<4x8x128xf32, #tpu.memory_space<hbm>>) target(%dma_start3A_791 : memref<4x8x128xf32, #tpu.memory_space<vmem>>) target_semaphore(%arg17 : memref<!tpu.dma_semaphore, #tpu.memory_space<semaphore_mem>>)
      %dma_wait3A = arith.constant 0 : i32
      %dma_wait3A_795 = arith.constant 0 : i32
      %dma_wait3A_796 = tpu.memref_slice %arg4[%dma_wait3A, %dma_wait3A_795] : memref<25000x128xf32, #tpu.memory_space<hbm>> -> memref<25000x128xf32, #tpu.memory_space<hbm>>
      tpu.wait_indirect_dma semaphore(%arg16 : memref<!tpu.dma_semaphore, #tpu.memory_space<semaphore_mem>>) src(%dma_wait3A_796 : memref<25000x128xf32, #tpu.memory_space<hbm>>) dst(%arg11 : memref<16x128xf32, #tpu.memory_space<vmem>>)
      %dma_wait3A_797 = arith.constant 0 : i32
      %dma_wait3A_798 = arith.constant 0 : i32
      %dma_wait3A_799 = arith.constant 0 : i32
      %dma_wait3A_800 = arith.constant 0 : i32
      %dma_wait3A_801 = tpu.memref_slice %arg12[%dma_wait3A_797, %dma_wait3A_798, %dma_wait3A_799, %dma_wait3A_800] : memref<16x4x8x128xf32, #tpu.memory_space<vmem>> -> memref<1x4x8x128xf32, #tpu.memory_space<vmem>>
      %dma_wait3A_802 = tpu.memref_squeeze %dma_wait3A_801 : memref<1x4x8x128xf32, #tpu.memory_space<vmem>> -> memref<4x8x128xf32, #tpu.memory_space<vmem>>
      %dma_wait3A_803 = arith.constant 0 : i32
      %dma_wait3A_804 = arith.constant 0 : i32
      %dma_wait3A_805 = tpu.memref_slice %arg5[%dma_wait3A_803, %dma_wait3A_804, %mul3A_402] : memref<4x8x1000000xf32, #tpu.memory_space<hbm>> -> memref<4x8x128xf32, #tpu.memory_space<hbm>>
      %dma_wait3A_806 = arith.constant 0 : i32
      %dma_wait3A_807 = arith.constant 0 : i32
      %dma_wait3A_808 = arith.constant 0 : i32
      %dma_wait3A_809 = tpu.memref_slice %arg12[%dma_wait3A_797, %dma_wait3A_806, %dma_wait3A_807, %dma_wait3A_808] : memref<16x4x8x128xf32, #tpu.memory_space<vmem>> -> memref<1x4x8x128xf32, #tpu.memory_space<vmem>>
      %dma_wait3A_810 = tpu.memref_squeeze %dma_wait3A_809 : memref<1x4x8x128xf32, #tpu.memory_space<vmem>> -> memref<4x8x128xf32, #tpu.memory_space<vmem>>
      %dma_wait3A_811 = arith.constant 0 : i32
      %dma_wait3A_812 = arith.constant 0 : i32
      %dma_wait3A_813 = tpu.memref_slice %arg5[%dma_wait3A_811, %dma_wait3A_812, %mul3A_402] : memref<4x8x1000000xf32, #tpu.memory_space<hbm>> -> memref<4x8x128xf32, #tpu.memory_space<hbm>>
      tpu.wait_dma2 semaphore(%arg17 : memref<!tpu.dma_semaphore, #tpu.memory_space<semaphore_mem>>) src(%dma_wait3A_813 : memref<4x8x128xf32, #tpu.memory_space<hbm>>) dst(%dma_wait3A_810 : memref<4x8x128xf32, #tpu.memory_space<vmem>>)
      %dma_wait3A_814 = arith.constant 1 : i32
      %dma_wait3A_815 = arith.constant 0 : i32
      %dma_wait3A_816 = arith.constant 0 : i32
      %dma_wait3A_817 = arith.constant 0 : i32
      %dma_wait3A_818 = tpu.memref_slice %arg12[%dma_wait3A_814, %dma_wait3A_815, %dma_wait3A_816, %dma_wait3A_817] : memref<16x4x8x128xf32, #tpu.memory_space<vmem>> -> memref<1x4x8x128xf32, #tpu.memory_space<vmem>>
      %dma_wait3A_819 = tpu.memref_squeeze %dma_wait3A_818 : memref<1x4x8x128xf32, #tpu.memory_space<vmem>> -> memref<4x8x128xf32, #tpu.memory_space<vmem>>
      %dma_wait3A_820 = arith.constant 0 : i32
      %dma_wait3A_821 = arith.constant 0 : i32
      %dma_wait3A_822 = tpu.memref_slice %arg5[%dma_wait3A_820, %dma_wait3A_821, %mul3A_427] : memref<4x8x1000000xf32, #tpu.memory_space<hbm>> -> memref<4x8x128xf32, #tpu.memory_space<hbm>>
      %dma_wait3A_823 = arith.constant 0 : i32
      %dma_wait3A_824 = arith.constant 0 : i32
      %dma_wait3A_825 = arith.constant 0 : i32
      %dma_wait3A_826 = tpu.memref_slice %arg12[%dma_wait3A_814, %dma_wait3A_823, %dma_wait3A_824, %dma_wait3A_825] : memref<16x4x8x128xf32, #tpu.memory_space<vmem>> -> memref<1x4x8x128xf32, #tpu.memory_space<vmem>>
      %dma_wait3A_827 = tpu.memref_squeeze %dma_wait3A_826 : memref<1x4x8x128xf32, #tpu.memory_space<vmem>> -> memref<4x8x128xf32, #tpu.memory_space<vmem>>
      %dma_wait3A_828 = arith.constant 0 : i32
      %dma_wait3A_829 = arith.constant 0 : i32
      %dma_wait3A_830 = tpu.memref_slice %arg5[%dma_wait3A_828, %dma_wait3A_829, %mul3A_427] : memref<4x8x1000000xf32, #tpu.memory_space<hbm>> -> memref<4x8x128xf32, #tpu.memory_space<hbm>>
      tpu.wait_dma2 semaphore(%arg17 : memref<!tpu.dma_semaphore, #tpu.memory_space<semaphore_mem>>) src(%dma_wait3A_830 : memref<4x8x128xf32, #tpu.memory_space<hbm>>) dst(%dma_wait3A_827 : memref<4x8x128xf32, #tpu.memory_space<vmem>>)
      %dma_wait3A_831 = arith.constant 2 : i32
      %dma_wait3A_832 = arith.constant 0 : i32
      %dma_wait3A_833 = arith.constant 0 : i32
      %dma_wait3A_834 = arith.constant 0 : i32
      %dma_wait3A_835 = tpu.memref_slice %arg12[%dma_wait3A_831, %dma_wait3A_832, %dma_wait3A_833, %dma_wait3A_834] : memref<16x4x8x128xf32, #tpu.memory_space<vmem>> -> memref<1x4x8x128xf32, #tpu.memory_space<vmem>>
      %dma_wait3A_836 = tpu.memref_squeeze %dma_wait3A_835 : memref<1x4x8x128xf32, #tpu.memory_space<vmem>> -> memref<4x8x128xf32, #tpu.memory_space<vmem>>
      %dma_wait3A_837 = arith.constant 0 : i32
      %dma_wait3A_838 = arith.constant 0 : i32
      %dma_wait3A_839 = tpu.memref_slice %arg5[%dma_wait3A_837, %dma_wait3A_838, %mul3A_452] : memref<4x8x1000000xf32, #tpu.memory_space<hbm>> -> memref<4x8x128xf32, #tpu.memory_space<hbm>>
      %dma_wait3A_840 = arith.constant 0 : i32
      %dma_wait3A_841 = arith.constant 0 : i32
      %dma_wait3A_842 = arith.constant 0 : i32
      %dma_wait3A_843 = tpu.memref_slice %arg12[%dma_wait3A_831, %dma_wait3A_840, %dma_wait3A_841, %dma_wait3A_842] : memref<16x4x8x128xf32, #tpu.memory_space<vmem>> -> memref<1x4x8x128xf32, #tpu.memory_space<vmem>>
      %dma_wait3A_844 = tpu.memref_squeeze %dma_wait3A_843 : memref<1x4x8x128xf32, #tpu.memory_space<vmem>> -> memref<4x8x128xf32, #tpu.memory_space<vmem>>
      %dma_wait3A_845 = arith.constant 0 : i32
      %dma_wait3A_846 = arith.constant 0 : i32
      %dma_wait3A_847 = tpu.memref_slice %arg5[%dma_wait3A_845, %dma_wait3A_846, %mul3A_452] : memref<4x8x1000000xf32, #tpu.memory_space<hbm>> -> memref<4x8x128xf32, #tpu.memory_space<hbm>>
      tpu.wait_dma2 semaphore(%arg17 : memref<!tpu.dma_semaphore, #tpu.memory_space<semaphore_mem>>) src(%dma_wait3A_847 : memref<4x8x128xf32, #tpu.memory_space<hbm>>) dst(%dma_wait3A_844 : memref<4x8x128xf32, #tpu.memory_space<vmem>>)
      %dma_wait3A_848 = arith.constant 3 : i32
      %dma_wait3A_849 = arith.constant 0 : i32
      %dma_wait3A_850 = arith.constant 0 : i32
      %dma_wait3A_851 = arith.constant 0 : i32
      %dma_wait3A_852 = tpu.memref_slice %arg12[%dma_wait3A_848, %dma_wait3A_849, %dma_wait3A_850, %dma_wait3A_851] : memref<16x4x8x128xf32, #tpu.memory_space<vmem>> -> memref<1x4x8x128xf32, #tpu.memory_space<vmem>>
      %dma_wait3A_853 = tpu.memref_squeeze %dma_wait3A_852 : memref<1x4x8x128xf32, #tpu.memory_space<vmem>> -> memref<4x8x128xf32, #tpu.memory_space<vmem>>
      %dma_wait3A_854 = arith.constant 0 : i32
      %dma_wait3A_855 = arith.constant 0 : i32
      %dma_wait3A_856 = tpu.memref_slice %arg5[%dma_wait3A_854, %dma_wait3A_855, %mul3A_477] : memref<4x8x1000000xf32, #tpu.memory_space<hbm>> -> memref<4x8x128xf32, #tpu.memory_space<hbm>>
      %dma_wait3A_857 = arith.constant 0 : i32
      %dma_wait3A_858 = arith.constant 0 : i32
      %dma_wait3A_859 = arith.constant 0 : i32
      %dma_wait3A_860 = tpu.memref_slice %arg12[%dma_wait3A_848, %dma_wait3A_857, %dma_wait3A_858, %dma_wait3A_859] : memref<16x4x8x128xf32, #tpu.memory_space<vmem>> -> memref<1x4x8x128xf32, #tpu.memory_space<vmem>>
      %dma_wait3A_861 = tpu.memref_squeeze %dma_wait3A_860 : memref<1x4x8x128xf32, #tpu.memory_space<vmem>> -> memref<4x8x128xf32, #tpu.memory_space<vmem>>
      %dma_wait3A_862 = arith.constant 0 : i32
      %dma_wait3A_863 = arith.constant 0 : i32
      %dma_wait3A_864 = tpu.memref_slice %arg5[%dma_wait3A_862, %dma_wait3A_863, %mul3A_477] : memref<4x8x1000000xf32, #tpu.memory_space<hbm>> -> memref<4x8x128xf32, #tpu.memory_space<hbm>>
      tpu.wait_dma2 semaphore(%arg17 : memref<!tpu.dma_semaphore, #tpu.memory_space<semaphore_mem>>) src(%dma_wait3A_864 : memref<4x8x128xf32, #tpu.memory_space<hbm>>) dst(%dma_wait3A_861 : memref<4x8x128xf32, #tpu.memory_space<vmem>>)
      %dma_wait3A_865 = arith.constant 4 : i32
      %dma_wait3A_866 = arith.constant 0 : i32
      %dma_wait3A_867 = arith.constant 0 : i32
      %dma_wait3A_868 = arith.constant 0 : i32
      %dma_wait3A_869 = tpu.memref_slice %arg12[%dma_wait3A_865, %dma_wait3A_866, %dma_wait3A_867, %dma_wait3A_868] : memref<16x4x8x128xf32, #tpu.memory_space<vmem>> -> memref<1x4x8x128xf32, #tpu.memory_space<vmem>>
      %dma_wait3A_870 = tpu.memref_squeeze %dma_wait3A_869 : memref<1x4x8x128xf32, #tpu.memory_space<vmem>> -> memref<4x8x128xf32, #tpu.memory_space<vmem>>
      %dma_wait3A_871 = arith.constant 0 : i32
      %dma_wait3A_872 = arith.constant 0 : i32
      %dma_wait3A_873 = tpu.memref_slice %arg5[%dma_wait3A_871, %dma_wait3A_872, %mul3A_502] : memref<4x8x1000000xf32, #tpu.memory_space<hbm>> -> memref<4x8x128xf32, #tpu.memory_space<hbm>>
      %dma_wait3A_874 = arith.constant 0 : i32
      %dma_wait3A_875 = arith.constant 0 : i32
      %dma_wait3A_876 = arith.constant 0 : i32
      %dma_wait3A_877 = tpu.memref_slice %arg12[%dma_wait3A_865, %dma_wait3A_874, %dma_wait3A_875, %dma_wait3A_876] : memref<16x4x8x128xf32, #tpu.memory_space<vmem>> -> memref<1x4x8x128xf32, #tpu.memory_space<vmem>>
      %dma_wait3A_878 = tpu.memref_squeeze %dma_wait3A_877 : memref<1x4x8x128xf32, #tpu.memory_space<vmem>> -> memref<4x8x128xf32, #tpu.memory_space<vmem>>
      %dma_wait3A_879 = arith.constant 0 : i32
      %dma_wait3A_880 = arith.constant 0 : i32
      %dma_wait3A_881 = tpu.memref_slice %arg5[%dma_wait3A_879, %dma_wait3A_880, %mul3A_502] : memref<4x8x1000000xf32, #tpu.memory_space<hbm>> -> memref<4x8x128xf32, #tpu.memory_space<hbm>>
      tpu.wait_dma2 semaphore(%arg17 : memref<!tpu.dma_semaphore, #tpu.memory_space<semaphore_mem>>) src(%dma_wait3A_881 : memref<4x8x128xf32, #tpu.memory_space<hbm>>) dst(%dma_wait3A_878 : memref<4x8x128xf32, #tpu.memory_space<vmem>>)
      %dma_wait3A_882 = arith.constant 5 : i32
      %dma_wait3A_883 = arith.constant 0 : i32
      %dma_wait3A_884 = arith.constant 0 : i32
      %dma_wait3A_885 = arith.constant 0 : i32
      %dma_wait3A_886 = tpu.memref_slice %arg12[%dma_wait3A_882, %dma_wait3A_883, %dma_wait3A_884, %dma_wait3A_885] : memref<16x4x8x128xf32, #tpu.memory_space<vmem>> -> memref<1x4x8x128xf32, #tpu.memory_space<vmem>>
      %dma_wait3A_887 = tpu.memref_squeeze %dma_wait3A_886 : memref<1x4x8x128xf32, #tpu.memory_space<vmem>> -> memref<4x8x128xf32, #tpu.memory_space<vmem>>
      %dma_wait3A_888 = arith.constant 0 : i32
      %dma_wait3A_889 = arith.constant 0 : i32
      %dma_wait3A_890 = tpu.memref_slice %arg5[%dma_wait3A_888, %dma_wait3A_889, %mul3A_527] : memref<4x8x1000000xf32, #tpu.memory_space<hbm>> -> memref<4x8x128xf32, #tpu.memory_space<hbm>>
      %dma_wait3A_891 = arith.constant 0 : i32
      %dma_wait3A_892 = arith.constant 0 : i32
      %dma_wait3A_893 = arith.constant 0 : i32
      %dma_wait3A_894 = tpu.memref_slice %arg12[%dma_wait3A_882, %dma_wait3A_891, %dma_wait3A_892, %dma_wait3A_893] : memref<16x4x8x128xf32, #tpu.memory_space<vmem>> -> memref<1x4x8x128xf32, #tpu.memory_space<vmem>>
      %dma_wait3A_895 = tpu.memref_squeeze %dma_wait3A_894 : memref<1x4x8x128xf32, #tpu.memory_space<vmem>> -> memref<4x8x128xf32, #tpu.memory_space<vmem>>
      %dma_wait3A_896 = arith.constant 0 : i32
      %dma_wait3A_897 = arith.constant 0 : i32
      %dma_wait3A_898 = tpu.memref_slice %arg5[%dma_wait3A_896, %dma_wait3A_897, %mul3A_527] : memref<4x8x1000000xf32, #tpu.memory_space<hbm>> -> memref<4x8x128xf32, #tpu.memory_space<hbm>>
      tpu.wait_dma2 semaphore(%arg17 : memref<!tpu.dma_semaphore, #tpu.memory_space<semaphore_mem>>) src(%dma_wait3A_898 : memref<4x8x128xf32, #tpu.memory_space<hbm>>) dst(%dma_wait3A_895 : memref<4x8x128xf32, #tpu.memory_space<vmem>>)
      %dma_wait3A_899 = arith.constant 6 : i32
      %dma_wait3A_900 = arith.constant 0 : i32
      %dma_wait3A_901 = arith.constant 0 : i32
      %dma_wait3A_902 = arith.constant 0 : i32
      %dma_wait3A_903 = tpu.memref_slice %arg12[%dma_wait3A_899, %dma_wait3A_900, %dma_wait3A_901, %dma_wait3A_902] : memref<16x4x8x128xf32, #tpu.memory_space<vmem>> -> memref<1x4x8x128xf32, #tpu.memory_space<vmem>>
      %dma_wait3A_904 = tpu.memref_squeeze %dma_wait3A_903 : memref<1x4x8x128xf32, #tpu.memory_space<vmem>> -> memref<4x8x128xf32, #tpu.memory_space<vmem>>
      %dma_wait3A_905 = arith.constant 0 : i32
      %dma_wait3A_906 = arith.constant 0 : i32
      %dma_wait3A_907 = tpu.memref_slice %arg5[%dma_wait3A_905, %dma_wait3A_906, %mul3A_552] : memref<4x8x1000000xf32, #tpu.memory_space<hbm>> -> memref<4x8x128xf32, #tpu.memory_space<hbm>>
      %dma_wait3A_908 = arith.constant 0 : i32
      %dma_wait3A_909 = arith.constant 0 : i32
      %dma_wait3A_910 = arith.constant 0 : i32
      %dma_wait3A_911 = tpu.memref_slice %arg12[%dma_wait3A_899, %dma_wait3A_908, %dma_wait3A_909, %dma_wait3A_910] : memref<16x4x8x128xf32, #tpu.memory_space<vmem>> -> memref<1x4x8x128xf32, #tpu.memory_space<vmem>>
      %dma_wait3A_912 = tpu.memref_squeeze %dma_wait3A_911 : memref<1x4x8x128xf32, #tpu.memory_space<vmem>> -> memref<4x8x128xf32, #tpu.memory_space<vmem>>
      %dma_wait3A_913 = arith.constant 0 : i32
      %dma_wait3A_914 = arith.constant 0 : i32
      %dma_wait3A_915 = tpu.memref_slice %arg5[%dma_wait3A_913, %dma_wait3A_914, %mul3A_552] : memref<4x8x1000000xf32, #tpu.memory_space<hbm>> -> memref<4x8x128xf32, #tpu.memory_space<hbm>>
      tpu.wait_dma2 semaphore(%arg17 : memref<!tpu.dma_semaphore, #tpu.memory_space<semaphore_mem>>) src(%dma_wait3A_915 : memref<4x8x128xf32, #tpu.memory_space<hbm>>) dst(%dma_wait3A_912 : memref<4x8x128xf32, #tpu.memory_space<vmem>>)
      %dma_wait3A_916 = arith.constant 7 : i32
      %dma_wait3A_917 = arith.constant 0 : i32
      %dma_wait3A_918 = arith.constant 0 : i32
      %dma_wait3A_919 = arith.constant 0 : i32
      %dma_wait3A_920 = tpu.memref_slice %arg12[%dma_wait3A_916, %dma_wait3A_917, %dma_wait3A_918, %dma_wait3A_919] : memref<16x4x8x128xf32, #tpu.memory_space<vmem>> -> memref<1x4x8x128xf32, #tpu.memory_space<vmem>>
      %dma_wait3A_921 = tpu.memref_squeeze %dma_wait3A_920 : memref<1x4x8x128xf32, #tpu.memory_space<vmem>> -> memref<4x8x128xf32, #tpu.memory_space<vmem>>
      %dma_wait3A_922 = arith.constant 0 : i32
      %dma_wait3A_923 = arith.constant 0 : i32
      %dma_wait3A_924 = tpu.memref_slice %arg5[%dma_wait3A_922, %dma_wait3A_923, %mul3A_577] : memref<4x8x1000000xf32, #tpu.memory_space<hbm>> -> memref<4x8x128xf32, #tpu.memory_space<hbm>>
      %dma_wait3A_925 = arith.constant 0 : i32
      %dma_wait3A_926 = arith.constant 0 : i32
      %dma_wait3A_927 = arith.constant 0 : i32
      %dma_wait3A_928 = tpu.memref_slice %arg12[%dma_wait3A_916, %dma_wait3A_925, %dma_wait3A_926, %dma_wait3A_927] : memref<16x4x8x128xf32, #tpu.memory_space<vmem>> -> memref<1x4x8x128xf32, #tpu.memory_space<vmem>>
      %dma_wait3A_929 = tpu.memref_squeeze %dma_wait3A_928 : memref<1x4x8x128xf32, #tpu.memory_space<vmem>> -> memref<4x8x128xf32, #tpu.memory_space<vmem>>
      %dma_wait3A_930 = arith.constant 0 : i32
      %dma_wait3A_931 = arith.constant 0 : i32
      %dma_wait3A_932 = tpu.memref_slice %arg5[%dma_wait3A_930, %dma_wait3A_931, %mul3A_577] : memref<4x8x1000000xf32, #tpu.memory_space<hbm>> -> memref<4x8x128xf32, #tpu.memory_space<hbm>>
      tpu.wait_dma2 semaphore(%arg17 : memref<!tpu.dma_semaphore, #tpu.memory_space<semaphore_mem>>) src(%dma_wait3A_932 : memref<4x8x128xf32, #tpu.memory_space<hbm>>) dst(%dma_wait3A_929 : memref<4x8x128xf32, #tpu.memory_space<vmem>>)
      %dma_wait3A_933 = arith.constant 8 : i32
      %dma_wait3A_934 = arith.constant 0 : i32
      %dma_wait3A_935 = arith.constant 0 : i32
      %dma_wait3A_936 = arith.constant 0 : i32
      %dma_wait3A_937 = tpu.memref_slice %arg12[%dma_wait3A_933, %dma_wait3A_934, %dma_wait3A_935, %dma_wait3A_936] : memref<16x4x8x128xf32, #tpu.memory_space<vmem>> -> memref<1x4x8x128xf32, #tpu.memory_space<vmem>>
      %dma_wait3A_938 = tpu.memref_squeeze %dma_wait3A_937 : memref<1x4x8x128xf32, #tpu.memory_space<vmem>> -> memref<4x8x128xf32, #tpu.memory_space<vmem>>
      %dma_wait3A_939 = arith.constant 0 : i32
      %dma_wait3A_940 = arith.constant 0 : i32
      %dma_wait3A_941 = tpu.memref_slice %arg5[%dma_wait3A_939, %dma_wait3A_940, %mul3A_602] : memref<4x8x1000000xf32, #tpu.memory_space<hbm>> -> memref<4x8x128xf32, #tpu.memory_space<hbm>>
      %dma_wait3A_942 = arith.constant 0 : i32
      %dma_wait3A_943 = arith.constant 0 : i32
      %dma_wait3A_944 = arith.constant 0 : i32
      %dma_wait3A_945 = tpu.memref_slice %arg12[%dma_wait3A_933, %dma_wait3A_942, %dma_wait3A_943, %dma_wait3A_944] : memref<16x4x8x128xf32, #tpu.memory_space<vmem>> -> memref<1x4x8x128xf32, #tpu.memory_space<vmem>>
      %dma_wait3A_946 = tpu.memref_squeeze %dma_wait3A_945 : memref<1x4x8x128xf32, #tpu.memory_space<vmem>> -> memref<4x8x128xf32, #tpu.memory_space<vmem>>
      %dma_wait3A_947 = arith.constant 0 : i32
      %dma_wait3A_948 = arith.constant 0 : i32
      %dma_wait3A_949 = tpu.memref_slice %arg5[%dma_wait3A_947, %dma_wait3A_948, %mul3A_602] : memref<4x8x1000000xf32, #tpu.memory_space<hbm>> -> memref<4x8x128xf32, #tpu.memory_space<hbm>>
      tpu.wait_dma2 semaphore(%arg17 : memref<!tpu.dma_semaphore, #tpu.memory_space<semaphore_mem>>) src(%dma_wait3A_949 : memref<4x8x128xf32, #tpu.memory_space<hbm>>) dst(%dma_wait3A_946 : memref<4x8x128xf32, #tpu.memory_space<vmem>>)
      %dma_wait3A_950 = arith.constant 9 : i32
      %dma_wait3A_951 = arith.constant 0 : i32
      %dma_wait3A_952 = arith.constant 0 : i32
      %dma_wait3A_953 = arith.constant 0 : i32
      %dma_wait3A_954 = tpu.memref_slice %arg12[%dma_wait3A_950, %dma_wait3A_951, %dma_wait3A_952, %dma_wait3A_953] : memref<16x4x8x128xf32, #tpu.memory_space<vmem>> -> memref<1x4x8x128xf32, #tpu.memory_space<vmem>>
      %dma_wait3A_955 = tpu.memref_squeeze %dma_wait3A_954 : memref<1x4x8x128xf32, #tpu.memory_space<vmem>> -> memref<4x8x128xf32, #tpu.memory_space<vmem>>
      %dma_wait3A_956 = arith.constant 0 : i32
      %dma_wait3A_957 = arith.constant 0 : i32
      %dma_wait3A_958 = tpu.memref_slice %arg5[%dma_wait3A_956, %dma_wait3A_957, %mul3A_627] : memref<4x8x1000000xf32, #tpu.memory_space<hbm>> -> memref<4x8x128xf32, #tpu.memory_space<hbm>>
      %dma_wait3A_959 = arith.constant 0 : i32
      %dma_wait3A_960 = arith.constant 0 : i32
      %dma_wait3A_961 = arith.constant 0 : i32
      %dma_wait3A_962 = tpu.memref_slice %arg12[%dma_wait3A_950, %dma_wait3A_959, %dma_wait3A_960, %dma_wait3A_961] : memref<16x4x8x128xf32, #tpu.memory_space<vmem>> -> memref<1x4x8x128xf32, #tpu.memory_space<vmem>>
      %dma_wait3A_963 = tpu.memref_squeeze %dma_wait3A_962 : memref<1x4x8x128xf32, #tpu.memory_space<vmem>> -> memref<4x8x128xf32, #tpu.memory_space<vmem>>
      %dma_wait3A_964 = arith.constant 0 : i32
      %dma_wait3A_965 = arith.constant 0 : i32
      %dma_wait3A_966 = tpu.memref_slice %arg5[%dma_wait3A_964, %dma_wait3A_965, %mul3A_627] : memref<4x8x1000000xf32, #tpu.memory_space<hbm>> -> memref<4x8x128xf32, #tpu.memory_space<hbm>>
      tpu.wait_dma2 semaphore(%arg17 : memref<!tpu.dma_semaphore, #tpu.memory_space<semaphore_mem>>) src(%dma_wait3A_966 : memref<4x8x128xf32, #tpu.memory_space<hbm>>) dst(%dma_wait3A_963 : memref<4x8x128xf32, #tpu.memory_space<vmem>>)
      %dma_wait3A_967 = arith.constant 10 : i32
      %dma_wait3A_968 = arith.constant 0 : i32
      %dma_wait3A_969 = arith.constant 0 : i32
      %dma_wait3A_970 = arith.constant 0 : i32
      %dma_wait3A_971 = tpu.memref_slice %arg12[%dma_wait3A_967, %dma_wait3A_968, %dma_wait3A_969, %dma_wait3A_970] : memref<16x4x8x128xf32, #tpu.memory_space<vmem>> -> memref<1x4x8x128xf32, #tpu.memory_space<vmem>>
      %dma_wait3A_972 = tpu.memref_squeeze %dma_wait3A_971 : memref<1x4x8x128xf32, #tpu.memory_space<vmem>> -> memref<4x8x128xf32, #tpu.memory_space<vmem>>
      %dma_wait3A_973 = arith.constant 0 : i32
      %dma_wait3A_974 = arith.constant 0 : i32
      %dma_wait3A_975 = tpu.memref_slice %arg5[%dma_wait3A_973, %dma_wait3A_974, %mul3A_652] : memref<4x8x1000000xf32, #tpu.memory_space<hbm>> -> memref<4x8x128xf32, #tpu.memory_space<hbm>>
      %dma_wait3A_976 = arith.constant 0 : i32
      %dma_wait3A_977 = arith.constant 0 : i32
      %dma_wait3A_978 = arith.constant 0 : i32
      %dma_wait3A_979 = tpu.memref_slice %arg12[%dma_wait3A_967, %dma_wait3A_976, %dma_wait3A_977, %dma_wait3A_978] : memref<16x4x8x128xf32, #tpu.memory_space<vmem>> -> memref<1x4x8x128xf32, #tpu.memory_space<vmem>>
      %dma_wait3A_980 = tpu.memref_squeeze %dma_wait3A_979 : memref<1x4x8x128xf32, #tpu.memory_space<vmem>> -> memref<4x8x128xf32, #tpu.memory_space<vmem>>
      %dma_wait3A_981 = arith.constant 0 : i32
      %dma_wait3A_982 = arith.constant 0 : i32
      %dma_wait3A_983 = tpu.memref_slice %arg5[%dma_wait3A_981, %dma_wait3A_982, %mul3A_652] : memref<4x8x1000000xf32, #tpu.memory_space<hbm>> -> memref<4x8x128xf32, #tpu.memory_space<hbm>>
      tpu.wait_dma2 semaphore(%arg17 : memref<!tpu.dma_semaphore, #tpu.memory_space<semaphore_mem>>) src(%dma_wait3A_983 : memref<4x8x128xf32, #tpu.memory_space<hbm>>) dst(%dma_wait3A_980 : memref<4x8x128xf32, #tpu.memory_space<vmem>>)
      %dma_wait3A_984 = arith.constant 11 : i32
      %dma_wait3A_985 = arith.constant 0 : i32
      %dma_wait3A_986 = arith.constant 0 : i32
      %dma_wait3A_987 = arith.constant 0 : i32
      %dma_wait3A_988 = tpu.memref_slice %arg12[%dma_wait3A_984, %dma_wait3A_985, %dma_wait3A_986, %dma_wait3A_987] : memref<16x4x8x128xf32, #tpu.memory_space<vmem>> -> memref<1x4x8x128xf32, #tpu.memory_space<vmem>>
      %dma_wait3A_989 = tpu.memref_squeeze %dma_wait3A_988 : memref<1x4x8x128xf32, #tpu.memory_space<vmem>> -> memref<4x8x128xf32, #tpu.memory_space<vmem>>
      %dma_wait3A_990 = arith.constant 0 : i32
      %dma_wait3A_991 = arith.constant 0 : i32
      %dma_wait3A_992 = tpu.memref_slice %arg5[%dma_wait3A_990, %dma_wait3A_991, %mul3A_677] : memref<4x8x1000000xf32, #tpu.memory_space<hbm>> -> memref<4x8x128xf32, #tpu.memory_space<hbm>>
      %dma_wait3A_993 = arith.constant 0 : i32
      %dma_wait3A_994 = arith.constant 0 : i32
      %dma_wait3A_995 = arith.constant 0 : i32
      %dma_wait3A_996 = tpu.memref_slice %arg12[%dma_wait3A_984, %dma_wait3A_993, %dma_wait3A_994, %dma_wait3A_995] : memref<16x4x8x128xf32, #tpu.memory_space<vmem>> -> memref<1x4x8x128xf32, #tpu.memory_space<vmem>>
      %dma_wait3A_997 = tpu.memref_squeeze %dma_wait3A_996 : memref<1x4x8x128xf32, #tpu.memory_space<vmem>> -> memref<4x8x128xf32, #tpu.memory_space<vmem>>
      %dma_wait3A_998 = arith.constant 0 : i32
      %dma_wait3A_999 = arith.constant 0 : i32
      %dma_wait3A_1000 = tpu.memref_slice %arg5[%dma_wait3A_998, %dma_wait3A_999, %mul3A_677] : memref<4x8x1000000xf32, #tpu.memory_space<hbm>> -> memref<4x8x128xf32, #tpu.memory_space<hbm>>
      tpu.wait_dma2 semaphore(%arg17 : memref<!tpu.dma_semaphore, #tpu.memory_space<semaphore_mem>>) src(%dma_wait3A_1000 : memref<4x8x128xf32, #tpu.memory_space<hbm>>) dst(%dma_wait3A_997 : memref<4x8x128xf32, #tpu.memory_space<vmem>>)
      %dma_wait3A_1001 = arith.constant 12 : i32
      %dma_wait3A_1002 = arith.constant 0 : i32
      %dma_wait3A_1003 = arith.constant 0 : i32
      %dma_wait3A_1004 = arith.constant 0 : i32
      %dma_wait3A_1005 = tpu.memref_slice %arg12[%dma_wait3A_1001, %dma_wait3A_1002, %dma_wait3A_1003, %dma_wait3A_1004] : memref<16x4x8x128xf32, #tpu.memory_space<vmem>> -> memref<1x4x8x128xf32, #tpu.memory_space<vmem>>
      %dma_wait3A_1006 = tpu.memref_squeeze %dma_wait3A_1005 : memref<1x4x8x128xf32, #tpu.memory_space<vmem>> -> memref<4x8x128xf32, #tpu.memory_space<vmem>>
      %dma_wait3A_1007 = arith.constant 0 : i32
      %dma_wait3A_1008 = arith.constant 0 : i32
      %dma_wait3A_1009 = tpu.memref_slice %arg5[%dma_wait3A_1007, %dma_wait3A_1008, %mul3A_702] : memref<4x8x1000000xf32, #tpu.memory_space<hbm>> -> memref<4x8x128xf32, #tpu.memory_space<hbm>>
      %dma_wait3A_1010 = arith.constant 0 : i32
      %dma_wait3A_1011 = arith.constant 0 : i32
      %dma_wait3A_1012 = arith.constant 0 : i32
      %dma_wait3A_1013 = tpu.memref_slice %arg12[%dma_wait3A_1001, %dma_wait3A_1010, %dma_wait3A_1011, %dma_wait3A_1012] : memref<16x4x8x128xf32, #tpu.memory_space<vmem>> -> memref<1x4x8x128xf32, #tpu.memory_space<vmem>>
      %dma_wait3A_1014 = tpu.memref_squeeze %dma_wait3A_1013 : memref<1x4x8x128xf32, #tpu.memory_space<vmem>> -> memref<4x8x128xf32, #tpu.memory_space<vmem>>
      %dma_wait3A_1015 = arith.constant 0 : i32
      %dma_wait3A_1016 = arith.constant 0 : i32
      %dma_wait3A_1017 = tpu.memref_slice %arg5[%dma_wait3A_1015, %dma_wait3A_1016, %mul3A_702] : memref<4x8x1000000xf32, #tpu.memory_space<hbm>> -> memref<4x8x128xf32, #tpu.memory_space<hbm>>
      tpu.wait_dma2 semaphore(%arg17 : memref<!tpu.dma_semaphore, #tpu.memory_space<semaphore_mem>>) src(%dma_wait3A_1017 : memref<4x8x128xf32, #tpu.memory_space<hbm>>) dst(%dma_wait3A_1014 : memref<4x8x128xf32, #tpu.memory_space<vmem>>)
      %dma_wait3A_1018 = arith.constant 13 : i32
      %dma_wait3A_1019 = arith.constant 0 : i32
      %dma_wait3A_1020 = arith.constant 0 : i32
      %dma_wait3A_1021 = arith.constant 0 : i32
      %dma_wait3A_1022 = tpu.memref_slice %arg12[%dma_wait3A_1018, %dma_wait3A_1019, %dma_wait3A_1020, %dma_wait3A_1021] : memref<16x4x8x128xf32, #tpu.memory_space<vmem>> -> memref<1x4x8x128xf32, #tpu.memory_space<vmem>>
      %dma_wait3A_1023 = tpu.memref_squeeze %dma_wait3A_1022 : memref<1x4x8x128xf32, #tpu.memory_space<vmem>> -> memref<4x8x128xf32, #tpu.memory_space<vmem>>
      %dma_wait3A_1024 = arith.constant 0 : i32
      %dma_wait3A_1025 = arith.constant 0 : i32
      %dma_wait3A_1026 = tpu.memref_slice %arg5[%dma_wait3A_1024, %dma_wait3A_1025, %mul3A_727] : memref<4x8x1000000xf32, #tpu.memory_space<hbm>> -> memref<4x8x128xf32, #tpu.memory_space<hbm>>
      %dma_wait3A_1027 = arith.constant 0 : i32
      %dma_wait3A_1028 = arith.constant 0 : i32
      %dma_wait3A_1029 = arith.constant 0 : i32
      %dma_wait3A_1030 = tpu.memref_slice %arg12[%dma_wait3A_1018, %dma_wait3A_1027, %dma_wait3A_1028, %dma_wait3A_1029] : memref<16x4x8x128xf32, #tpu.memory_space<vmem>> -> memref<1x4x8x128xf32, #tpu.memory_space<vmem>>
      %dma_wait3A_1031 = tpu.memref_squeeze %dma_wait3A_1030 : memref<1x4x8x128xf32, #tpu.memory_space<vmem>> -> memref<4x8x128xf32, #tpu.memory_space<vmem>>
      %dma_wait3A_1032 = arith.constant 0 : i32
      %dma_wait3A_1033 = arith.constant 0 : i32
      %dma_wait3A_1034 = tpu.memref_slice %arg5[%dma_wait3A_1032, %dma_wait3A_1033, %mul3A_727] : memref<4x8x1000000xf32, #tpu.memory_space<hbm>> -> memref<4x8x128xf32, #tpu.memory_space<hbm>>
      tpu.wait_dma2 semaphore(%arg17 : memref<!tpu.dma_semaphore, #tpu.memory_space<semaphore_mem>>) src(%dma_wait3A_1034 : memref<4x8x128xf32, #tpu.memory_space<hbm>>) dst(%dma_wait3A_1031 : memref<4x8x128xf32, #tpu.memory_space<vmem>>)
      %dma_wait3A_1035 = arith.constant 14 : i32
      %dma_wait3A_1036 = arith.constant 0 : i32
      %dma_wait3A_1037 = arith.constant 0 : i32
      %dma_wait3A_1038 = arith.constant 0 : i32
      %dma_wait3A_1039 = tpu.memref_slice %arg12[%dma_wait3A_1035, %dma_wait3A_1036, %dma_wait3A_1037, %dma_wait3A_1038] : memref<16x4x8x128xf32, #tpu.memory_space<vmem>> -> memref<1x4x8x128xf32, #tpu.memory_space<vmem>>
      %dma_wait3A_1040 = tpu.memref_squeeze %dma_wait3A_1039 : memref<1x4x8x128xf32, #tpu.memory_space<vmem>> -> memref<4x8x128xf32, #tpu.memory_space<vmem>>
      %dma_wait3A_1041 = arith.constant 0 : i32
      %dma_wait3A_1042 = arith.constant 0 : i32
      %dma_wait3A_1043 = tpu.memref_slice %arg5[%dma_wait3A_1041, %dma_wait3A_1042, %mul3A_752] : memref<4x8x1000000xf32, #tpu.memory_space<hbm>> -> memref<4x8x128xf32, #tpu.memory_space<hbm>>
      %dma_wait3A_1044 = arith.constant 0 : i32
      %dma_wait3A_1045 = arith.constant 0 : i32
      %dma_wait3A_1046 = arith.constant 0 : i32
      %dma_wait3A_1047 = tpu.memref_slice %arg12[%dma_wait3A_1035, %dma_wait3A_1044, %dma_wait3A_1045, %dma_wait3A_1046] : memref<16x4x8x128xf32, #tpu.memory_space<vmem>> -> memref<1x4x8x128xf32, #tpu.memory_space<vmem>>
      %dma_wait3A_1048 = tpu.memref_squeeze %dma_wait3A_1047 : memref<1x4x8x128xf32, #tpu.memory_space<vmem>> -> memref<4x8x128xf32, #tpu.memory_space<vmem>>
      %dma_wait3A_1049 = arith.constant 0 : i32
      %dma_wait3A_1050 = arith.constant 0 : i32
      %dma_wait3A_1051 = tpu.memref_slice %arg5[%dma_wait3A_1049, %dma_wait3A_1050, %mul3A_752] : memref<4x8x1000000xf32, #tpu.memory_space<hbm>> -> memref<4x8x128xf32, #tpu.memory_space<hbm>>
      tpu.wait_dma2 semaphore(%arg17 : memref<!tpu.dma_semaphore, #tpu.memory_space<semaphore_mem>>) src(%dma_wait3A_1051 : memref<4x8x128xf32, #tpu.memory_space<hbm>>) dst(%dma_wait3A_1048 : memref<4x8x128xf32, #tpu.memory_space<vmem>>)
      %dma_wait3A_1052 = arith.constant 15 : i32
      %dma_wait3A_1053 = arith.constant 0 : i32
      %dma_wait3A_1054 = arith.constant 0 : i32
      %dma_wait3A_1055 = arith.constant 0 : i32
      %dma_wait3A_1056 = tpu.memref_slice %arg12[%dma_wait3A_1052, %dma_wait3A_1053, %dma_wait3A_1054, %dma_wait3A_1055] : memref<16x4x8x128xf32, #tpu.memory_space<vmem>> -> memref<1x4x8x128xf32, #tpu.memory_space<vmem>>
      %dma_wait3A_1057 = tpu.memref_squeeze %dma_wait3A_1056 : memref<1x4x8x128xf32, #tpu.memory_space<vmem>> -> memref<4x8x128xf32, #tpu.memory_space<vmem>>
      %dma_wait3A_1058 = arith.constant 0 : i32
      %dma_wait3A_1059 = arith.constant 0 : i32
      %dma_wait3A_1060 = tpu.memref_slice %arg5[%dma_wait3A_1058, %dma_wait3A_1059, %mul3A_777] : memref<4x8x1000000xf32, #tpu.memory_space<hbm>> -> memref<4x8x128xf32, #tpu.memory_space<hbm>>
      %dma_wait3A_1061 = arith.constant 0 : i32
      %dma_wait3A_1062 = arith.constant 0 : i32
      %dma_wait3A_1063 = arith.constant 0 : i32
      %dma_wait3A_1064 = tpu.memref_slice %arg12[%dma_wait3A_1052, %dma_wait3A_1061, %dma_wait3A_1062, %dma_wait3A_1063] : memref<16x4x8x128xf32, #tpu.memory_space<vmem>> -> memref<1x4x8x128xf32, #tpu.memory_space<vmem>>
      %dma_wait3A_1065 = tpu.memref_squeeze %dma_wait3A_1064 : memref<1x4x8x128xf32, #tpu.memory_space<vmem>> -> memref<4x8x128xf32, #tpu.memory_space<vmem>>
      %dma_wait3A_1066 = arith.constant 0 : i32
      %dma_wait3A_1067 = arith.constant 0 : i32
      %dma_wait3A_1068 = tpu.memref_slice %arg5[%dma_wait3A_1066, %dma_wait3A_1067, %mul3A_777] : memref<4x8x1000000xf32, #tpu.memory_space<hbm>> -> memref<4x8x128xf32, #tpu.memory_space<hbm>>
      tpu.wait_dma2 semaphore(%arg17 : memref<!tpu.dma_semaphore, #tpu.memory_space<semaphore_mem>>) src(%dma_wait3A_1068 : memref<4x8x128xf32, #tpu.memory_space<hbm>>) dst(%dma_wait3A_1065 : memref<4x8x128xf32, #tpu.memory_space<vmem>>)
      %slice3A_1069 = vector.extract_strided_slice %get3A_392 {offsets = [0], sizes = [1], strides = [1]} : vector<16xi32> to vector<1xi32>
      %squeeze3A_1070 = vector.extract %slice3A_1069[0] : i32 from vector<1xi32>
      %and3A_1071 = arith.constant 127 : i32
      %and3A_1072 = arith.andi %squeeze3A_1070, %and3A_1071 : i32
      %broadcast_in_dim3A = vector.broadcast %and3A_1072 : i32 to vector<16xi32>
      %broadcast_in_dim3A_1073 = arith.constant 0 : i32
      %broadcast_in_dim3A_1074 = vector.broadcast %broadcast_in_dim3A_1073 : i32 to vector<16xi32>
      %gather3A = tpu.vector_load_idx %arg12[%broadcast_in_dim3A_1074, %shift_right_arithmetic3A_361, %and3A_363, %broadcast_in_dim3A] : memref<16x4x8x128xf32, #tpu.memory_space<vmem>>[vector<16xi32>, vector<16xi32>, vector<16xi32>, vector<16xi32>], vector<16xf32>,
      %gather3A_1075 = tpu.vector_load_idx %arg12[%broadcast_in_dim3A_1074, %add3A_366, %and3A_363, %broadcast_in_dim3A] : memref<16x4x8x128xf32, #tpu.memory_space<vmem>>[vector<16xi32>, vector<16xi32>, vector<16xi32>, vector<16xi32>], vector<16xf32>,
      %sub3A_1076 = arith.constant 999936 : i32
      %sub3A_1077 = arith.subi %squeeze3A_1070, %sub3A_1076 : i32
      %jit3A = arith.constant 0 : i32
      %jit3A_1078 = arith.constant 63 : i32
      %max3A = arith.maxsi %jit3A, %sub3A_1077 : i32
      %min3A_1079 = arith.minsi %jit3A_1078, %max3A : i32
      %broadcast_in_dim3A_1080 = vector.broadcast %min3A_1079 : i32 to vector<16xi32>
      %gather3A_1081 = tpu.vector_load_idx %arg13[%broadcast_in_dim3A_1080, %iota3A] : memref<64x32xf32, #tpu.memory_space<vmem>>[vector<16xi32>, vector<16xi32>], vector<16xf32>,
      %add3A_1082 = arith.constant 16 : i32
      %add3A_1083 = vector.broadcast %add3A_1082 : i32 to vector<16xi32>
      %add3A_1084 = arith.addi %iota3A, %add3A_1083 : vector<16xi32>
      %gather3A_1085 = tpu.vector_load_idx %arg13[%broadcast_in_dim3A_1080, %add3A_1084] : memref<64x32xf32, #tpu.memory_space<vmem>>[vector<16xi32>, vector<16xi32>], vector<16xf32>,
      %ge3A = arith.constant 999936 : i32
      %ge3A_1086 = arith.cmpi sge, %squeeze3A_1070, %ge3A : i32
      %select_n3A = arith.select %ge3A_1086, %gather3A_1081, %gather3A : vector<16xf32>
      %select_n3A_1087 = arith.select %ge3A_1086, %gather3A_1085, %gather3A_1075 : vector<16xf32>
      %slice3A_1088 = vector.extract_strided_slice %get3A_383 {offsets = [0], sizes = [1], strides = [1]} : vector<16xi32> to vector<1xi32>
      %squeeze3A_1089 = vector.extract %slice3A_1088[0] : i32 from vector<1xi32>
      %and3A_1090 = arith.constant 3 : i32
      %and3A_1091 = arith.andi %squeeze3A_1089, %and3A_1090 : i32
      %mul3A_1092 = arith.constant 32 : i32
      %mul3A_1093 = arith.muli %and3A_1091, %mul3A_1092 : i32
      %get3A_1094 = arith.constant 0 : i32
      %get3A_1095 = arith.index_cast %get3A_1094 : i32 to index
      %get3A_1096 = arith.index_cast %mul3A_1093 : i32 to index
      %get3A_1097 = tpu.vector_load %arg11[%get3A_1095, %get3A_1096] {strides = array<i32>} : memref<16x128xf32, #tpu.memory_space<vmem>>, vector<16xf32>,
      %mul3A_1098 = arith.mulf %get3A_1097, %select_n3A : vector<16xf32>
      %mul3A_1099 = arith.mulf %mul3A_1098, %get3A_355 : vector<16xf32>
      %add3A_1100 = arith.constant 16 : i32
      %add3A_1101 = arith.addi %mul3A_1093, %add3A_1100 : i32
      %get3A_1102 = arith.constant 0 : i32
      %get3A_1103 = arith.index_cast %get3A_1102 : i32 to index
      %get3A_1104 = arith.index_cast %add3A_1101 : i32 to index
      %get3A_1105 = tpu.vector_load %arg11[%get3A_1103, %get3A_1104] {strides = array<i32>} : memref<16x128xf32, #tpu.memory_space<vmem>>, vector<16xf32>,
      %mul3A_1106 = arith.mulf %get3A_1105, %select_n3A_1087 : vector<16xf32>
      %mul3A_1107 = arith.mulf %mul3A_1106, %get3A_357 : vector<16xf32>
      %add3A_1108 = arith.addf %mul3A_1099, %mul3A_1107 : vector<16xf32>
      %eq3A = arith.constant 0 : i32
      %eq3A_1109 = vector.broadcast %eq3A : i32 to vector<16xi32>
      %eq3A_1110 = arith.cmpi eq, %iota3A, %eq3A_1109 : vector<16xi32>
      %reduce_sum3A = arith.constant true
      %reduce_sum3A_1111 = vector.broadcast %reduce_sum3A : i1 to vector<16xi1>
      %reduce_sum3A_1112 = tpu.scan <sum>, %add3A_1108 masked %reduce_sum3A_1111 : vector<16xf32>, vector<16xi1> -> vector<16xf32>
      %reduce_sum3A_1113 = vector.extract %reduce_sum3A_1112[15] : f32 from vector<16xf32>
      %add3A_1114 = vector.broadcast %reduce_sum3A_1113 : f32 to vector<16xf32>
      %add3A_1115 = arith.addf %get3A_359, %add3A_1114 : vector<16xf32>
      %select_n3A_1116 = arith.select %eq3A_1110, %add3A_1115, %get3A_359 : vector<16xi1>, vector<16xf32>
      %slice3A_1117 = vector.extract_strided_slice %get3A_392 {offsets = [1], sizes = [1], strides = [1]} : vector<16xi32> to vector<1xi32>
      %squeeze3A_1118 = vector.extract %slice3A_1117[0] : i32 from vector<1xi32>
      %and3A_1119 = arith.constant 127 : i32
      %and3A_1120 = arith.andi %squeeze3A_1118, %and3A_1119 : i32
      %broadcast_in_dim3A_1121 = vector.broadcast %and3A_1120 : i32 to vector<16xi32>
      %broadcast_in_dim3A_1122 = arith.constant 1 : i32
      %broadcast_in_dim3A_1123 = vector.broadcast %broadcast_in_dim3A_1122 : i32 to vector<16xi32>
      %gather3A_1124 = tpu.vector_load_idx %arg12[%broadcast_in_dim3A_1123, %shift_right_arithmetic3A_361, %and3A_363, %broadcast_in_dim3A_1121] : memref<16x4x8x128xf32, #tpu.memory_space<vmem>>[vector<16xi32>, vector<16xi32>, vector<16xi32>, vector<16xi32>], vector<16xf32>,
      %gather3A_1125 = tpu.vector_load_idx %arg12[%broadcast_in_dim3A_1123, %add3A_366, %and3A_363, %broadcast_in_dim3A_1121] : memref<16x4x8x128xf32, #tpu.memory_space<vmem>>[vector<16xi32>, vector<16xi32>, vector<16xi32>, vector<16xi32>], vector<16xf32>,
      %sub3A_1126 = arith.constant 999936 : i32
      %sub3A_1127 = arith.subi %squeeze3A_1118, %sub3A_1126 : i32
      %jit3A_1128 = arith.constant 0 : i32
      %jit3A_1129 = arith.constant 63 : i32
      %max3A_1130 = arith.maxsi %jit3A_1128, %sub3A_1127 : i32
      %min3A_1131 = arith.minsi %jit3A_1129, %max3A_1130 : i32
      %broadcast_in_dim3A_1132 = vector.broadcast %min3A_1131 : i32 to vector<16xi32>
      %gather3A_1133 = tpu.vector_load_idx %arg13[%broadcast_in_dim3A_1132, %iota3A] : memref<64x32xf32, #tpu.memory_space<vmem>>[vector<16xi32>, vector<16xi32>], vector<16xf32>,
      %add3A_1134 = arith.constant 16 : i32
      %add3A_1135 = vector.broadcast %add3A_1134 : i32 to vector<16xi32>
      %add3A_1136 = arith.addi %iota3A, %add3A_1135 : vector<16xi32>
      %gather3A_1137 = tpu.vector_load_idx %arg13[%broadcast_in_dim3A_1132, %add3A_1136] : memref<64x32xf32, #tpu.memory_space<vmem>>[vector<16xi32>, vector<16xi32>], vector<16xf32>,
      %ge3A_1138 = arith.constant 999936 : i32
      %ge3A_1139 = arith.cmpi sge, %squeeze3A_1118, %ge3A_1138 : i32
      %select_n3A_1140 = arith.select %ge3A_1139, %gather3A_1133, %gather3A_1124 : vector<16xf32>
      %select_n3A_1141 = arith.select %ge3A_1139, %gather3A_1137, %gather3A_1125 : vector<16xf32>
      %slice3A_1142 = vector.extract_strided_slice %get3A_383 {offsets = [1], sizes = [1], strides = [1]} : vector<16xi32> to vector<1xi32>
      %squeeze3A_1143 = vector.extract %slice3A_1142[0] : i32 from vector<1xi32>
      %and3A_1144 = arith.constant 3 : i32
      %and3A_1145 = arith.andi %squeeze3A_1143, %and3A_1144 : i32
      %mul3A_1146 = arith.constant 32 : i32
      %mul3A_1147 = arith.muli %and3A_1145, %mul3A_1146 : i32
      %get3A_1148 = arith.constant 1 : i32
      %get3A_1149 = arith.index_cast %get3A_1148 : i32 to index
      %get3A_1150 = arith.index_cast %mul3A_1147 : i32 to index
      %get3A_1151 = tpu.vector_load %arg11[%get3A_1149, %get3A_1150] {strides = array<i32>} : memref<16x128xf32, #tpu.memory_space<vmem>>, vector<16xf32>,
      %mul3A_1152 = arith.mulf %get3A_1151, %select_n3A_1140 : vector<16xf32>
      %mul3A_1153 = arith.mulf %mul3A_1152, %get3A_355 : vector<16xf32>
      %add3A_1154 = arith.constant 16 : i32
      %add3A_1155 = arith.addi %mul3A_1147, %add3A_1154 : i32
      %get3A_1156 = arith.constant 1 : i32
      %get3A_1157 = arith.index_cast %get3A_1156 : i32 to index
      %get3A_1158 = arith.index_cast %add3A_1155 : i32 to index
      %get3A_1159 = tpu.vector_load %arg11[%get3A_1157, %get3A_1158] {strides = array<i32>} : memref<16x128xf32, #tpu.memory_space<vmem>>, vector<16xf32>,
      %mul3A_1160 = arith.mulf %get3A_1159, %select_n3A_1141 : vector<16xf32>
      %mul3A_1161 = arith.mulf %mul3A_1160, %get3A_357 : vector<16xf32>
      %add3A_1162 = arith.addf %mul3A_1153, %mul3A_1161 : vector<16xf32>
      %eq3A_1163 = arith.constant 1 : i32
      %eq3A_1164 = vector.broadcast %eq3A_1163 : i32 to vector<16xi32>
      %eq3A_1165 = arith.cmpi eq, %iota3A, %eq3A_1164 : vector<16xi32>
      %reduce_sum3A_1166 = arith.constant true
      %reduce_sum3A_1167 = vector.broadcast %reduce_sum3A_1166 : i1 to vector<16xi1>
      %reduce_sum3A_1168 = tpu.scan <sum>, %add3A_1162 masked %reduce_sum3A_1167 : vector<16xf32>, vector<16xi1> -> vector<16xf32>
      %reduce_sum3A_1169 = vector.extract %reduce_sum3A_1168[15] : f32 from vector<16xf32>
      %add3A_1170 = vector.broadcast %reduce_sum3A_1169 : f32 to vector<16xf32>
      %add3A_1171 = arith.addf %select_n3A_1116, %add3A_1170 : vector<16xf32>
      %select_n3A_1172 = arith.select %eq3A_1165, %add3A_1171, %select_n3A_1116 : vector<16xi1>, vector<16xf32>
      %slice3A_1173 = vector.extract_strided_slice %get3A_392 {offsets = [2], sizes = [1], strides = [1]} : vector<16xi32> to vector<1xi32>
      %squeeze3A_1174 = vector.extract %slice3A_1173[0] : i32 from vector<1xi32>
      %and3A_1175 = arith.constant 127 : i32
      %and3A_1176 = arith.andi %squeeze3A_1174, %and3A_1175 : i32
      %broadcast_in_dim3A_1177 = vector.broadcast %and3A_1176 : i32 to vector<16xi32>
      %broadcast_in_dim3A_1178 = arith.constant 2 : i32
      %broadcast_in_dim3A_1179 = vector.broadcast %broadcast_in_dim3A_1178 : i32 to vector<16xi32>
      %gather3A_1180 = tpu.vector_load_idx %arg12[%broadcast_in_dim3A_1179, %shift_right_arithmetic3A_361, %and3A_363, %broadcast_in_dim3A_1177] : memref<16x4x8x128xf32, #tpu.memory_space<vmem>>[vector<16xi32>, vector<16xi32>, vector<16xi32>, vector<16xi32>], vector<16xf32>,
      %gather3A_1181 = tpu.vector_load_idx %arg12[%broadcast_in_dim3A_1179, %add3A_366, %and3A_363, %broadcast_in_dim3A_1177] : memref<16x4x8x128xf32, #tpu.memory_space<vmem>>[vector<16xi32>, vector<16xi32>, vector<16xi32>, vector<16xi32>], vector<16xf32>,
      %sub3A_1182 = arith.constant 999936 : i32
      %sub3A_1183 = arith.subi %squeeze3A_1174, %sub3A_1182 : i32
      %jit3A_1184 = arith.constant 0 : i32
      %jit3A_1185 = arith.constant 63 : i32
      %max3A_1186 = arith.maxsi %jit3A_1184, %sub3A_1183 : i32
      %min3A_1187 = arith.minsi %jit3A_1185, %max3A_1186 : i32
      %broadcast_in_dim3A_1188 = vector.broadcast %min3A_1187 : i32 to vector<16xi32>
      %gather3A_1189 = tpu.vector_load_idx %arg13[%broadcast_in_dim3A_1188, %iota3A] : memref<64x32xf32, #tpu.memory_space<vmem>>[vector<16xi32>, vector<16xi32>], vector<16xf32>,
      %add3A_1190 = arith.constant 16 : i32
      %add3A_1191 = vector.broadcast %add3A_1190 : i32 to vector<16xi32>
      %add3A_1192 = arith.addi %iota3A, %add3A_1191 : vector<16xi32>
      %gather3A_1193 = tpu.vector_load_idx %arg13[%broadcast_in_dim3A_1188, %add3A_1192] : memref<64x32xf32, #tpu.memory_space<vmem>>[vector<16xi32>, vector<16xi32>], vector<16xf32>,
      %ge3A_1194 = arith.constant 999936 : i32
      %ge3A_1195 = arith.cmpi sge, %squeeze3A_1174, %ge3A_1194 : i32
      %select_n3A_1196 = arith.select %ge3A_1195, %gather3A_1189, %gather3A_1180 : vector<16xf32>
      %select_n3A_1197 = arith.select %ge3A_1195, %gather3A_1193, %gather3A_1181 : vector<16xf32>
      %slice3A_1198 = vector.extract_strided_slice %get3A_383 {offsets = [2], sizes = [1], strides = [1]} : vector<16xi32> to vector<1xi32>
      %squeeze3A_1199 = vector.extract %slice3A_1198[0] : i32 from vector<1xi32>
      %and3A_1200 = arith.constant 3 : i32
      %and3A_1201 = arith.andi %squeeze3A_1199, %and3A_1200 : i32
      %mul3A_1202 = arith.constant 32 : i32
      %mul3A_1203 = arith.muli %and3A_1201, %mul3A_1202 : i32
      %get3A_1204 = arith.constant 2 : i32
      %get3A_1205 = arith.index_cast %get3A_1204 : i32 to index
      %get3A_1206 = arith.index_cast %mul3A_1203 : i32 to index
      %get3A_1207 = tpu.vector_load %arg11[%get3A_1205, %get3A_1206] {strides = array<i32>} : memref<16x128xf32, #tpu.memory_space<vmem>>, vector<16xf32>,
      %mul3A_1208 = arith.mulf %get3A_1207, %select_n3A_1196 : vector<16xf32>
      %mul3A_1209 = arith.mulf %mul3A_1208, %get3A_355 : vector<16xf32>
      %add3A_1210 = arith.constant 16 : i32
      %add3A_1211 = arith.addi %mul3A_1203, %add3A_1210 : i32
      %get3A_1212 = arith.constant 2 : i32
      %get3A_1213 = arith.index_cast %get3A_1212 : i32 to index
      %get3A_1214 = arith.index_cast %add3A_1211 : i32 to index
      %get3A_1215 = tpu.vector_load %arg11[%get3A_1213, %get3A_1214] {strides = array<i32>} : memref<16x128xf32, #tpu.memory_space<vmem>>, vector<16xf32>,
      %mul3A_1216 = arith.mulf %get3A_1215, %select_n3A_1197 : vector<16xf32>
      %mul3A_1217 = arith.mulf %mul3A_1216, %get3A_357 : vector<16xf32>
      %add3A_1218 = arith.addf %mul3A_1209, %mul3A_1217 : vector<16xf32>
      %eq3A_1219 = arith.constant 2 : i32
      %eq3A_1220 = vector.broadcast %eq3A_1219 : i32 to vector<16xi32>
      %eq3A_1221 = arith.cmpi eq, %iota3A, %eq3A_1220 : vector<16xi32>
      %reduce_sum3A_1222 = arith.constant true
      %reduce_sum3A_1223 = vector.broadcast %reduce_sum3A_1222 : i1 to vector<16xi1>
      %reduce_sum3A_1224 = tpu.scan <sum>, %add3A_1218 masked %reduce_sum3A_1223 : vector<16xf32>, vector<16xi1> -> vector<16xf32>
      %reduce_sum3A_1225 = vector.extract %reduce_sum3A_1224[15] : f32 from vector<16xf32>
      %add3A_1226 = vector.broadcast %reduce_sum3A_1225 : f32 to vector<16xf32>
      %add3A_1227 = arith.addf %select_n3A_1172, %add3A_1226 : vector<16xf32>
      %select_n3A_1228 = arith.select %eq3A_1221, %add3A_1227, %select_n3A_1172 : vector<16xi1>, vector<16xf32>
      %slice3A_1229 = vector.extract_strided_slice %get3A_392 {offsets = [3], sizes = [1], strides = [1]} : vector<16xi32> to vector<1xi32>
      %squeeze3A_1230 = vector.extract %slice3A_1229[0] : i32 from vector<1xi32>
      %and3A_1231 = arith.constant 127 : i32
      %and3A_1232 = arith.andi %squeeze3A_1230, %and3A_1231 : i32
      %broadcast_in_dim3A_1233 = vector.broadcast %and3A_1232 : i32 to vector<16xi32>
      %broadcast_in_dim3A_1234 = arith.constant 3 : i32
      %broadcast_in_dim3A_1235 = vector.broadcast %broadcast_in_dim3A_1234 : i32 to vector<16xi32>
      %gather3A_1236 = tpu.vector_load_idx %arg12[%broadcast_in_dim3A_1235, %shift_right_arithmetic3A_361, %and3A_363, %broadcast_in_dim3A_1233] : memref<16x4x8x128xf32, #tpu.memory_space<vmem>>[vector<16xi32>, vector<16xi32>, vector<16xi32>, vector<16xi32>], vector<16xf32>,
      %gather3A_1237 = tpu.vector_load_idx %arg12[%broadcast_in_dim3A_1235, %add3A_366, %and3A_363, %broadcast_in_dim3A_1233] : memref<16x4x8x128xf32, #tpu.memory_space<vmem>>[vector<16xi32>, vector<16xi32>, vector<16xi32>, vector<16xi32>], vector<16xf32>,
      %sub3A_1238 = arith.constant 999936 : i32
      %sub3A_1239 = arith.subi %squeeze3A_1230, %sub3A_1238 : i32
      %jit3A_1240 = arith.constant 0 : i32
      %jit3A_1241 = arith.constant 63 : i32
      %max3A_1242 = arith.maxsi %jit3A_1240, %sub3A_1239 : i32
      %min3A_1243 = arith.minsi %jit3A_1241, %max3A_1242 : i32
      %broadcast_in_dim3A_1244 = vector.broadcast %min3A_1243 : i32 to vector<16xi32>
      %gather3A_1245 = tpu.vector_load_idx %arg13[%broadcast_in_dim3A_1244, %iota3A] : memref<64x32xf32, #tpu.memory_space<vmem>>[vector<16xi32>, vector<16xi32>], vector<16xf32>,
      %add3A_1246 = arith.constant 16 : i32
      %add3A_1247 = vector.broadcast %add3A_1246 : i32 to vector<16xi32>
      %add3A_1248 = arith.addi %iota3A, %add3A_1247 : vector<16xi32>
      %gather3A_1249 = tpu.vector_load_idx %arg13[%broadcast_in_dim3A_1244, %add3A_1248] : memref<64x32xf32, #tpu.memory_space<vmem>>[vector<16xi32>, vector<16xi32>], vector<16xf32>,
      %ge3A_1250 = arith.constant 999936 : i32
      %ge3A_1251 = arith.cmpi sge, %squeeze3A_1230, %ge3A_1250 : i32
      %select_n3A_1252 = arith.select %ge3A_1251, %gather3A_1245, %gather3A_1236 : vector<16xf32>
      %select_n3A_1253 = arith.select %ge3A_1251, %gather3A_1249, %gather3A_1237 : vector<16xf32>
      %slice3A_1254 = vector.extract_strided_slice %get3A_383 {offsets = [3], sizes = [1], strides = [1]} : vector<16xi32> to vector<1xi32>
      %squeeze3A_1255 = vector.extract %slice3A_1254[0] : i32 from vector<1xi32>
      %and3A_1256 = arith.constant 3 : i32
      %and3A_1257 = arith.andi %squeeze3A_1255, %and3A_1256 : i32
      %mul3A_1258 = arith.constant 32 : i32
      %mul3A_1259 = arith.muli %and3A_1257, %mul3A_1258 : i32
      %get3A_1260 = arith.constant 3 : i32
      %get3A_1261 = arith.index_cast %get3A_1260 : i32 to index
      %get3A_1262 = arith.index_cast %mul3A_1259 : i32 to index
      %get3A_1263 = tpu.vector_load %arg11[%get3A_1261, %get3A_1262] {strides = array<i32>} : memref<16x128xf32, #tpu.memory_space<vmem>>, vector<16xf32>,
      %mul3A_1264 = arith.mulf %get3A_1263, %select_n3A_1252 : vector<16xf32>
      %mul3A_1265 = arith.mulf %mul3A_1264, %get3A_355 : vector<16xf32>
      %add3A_1266 = arith.constant 16 : i32
      %add3A_1267 = arith.addi %mul3A_1259, %add3A_1266 : i32
      %get3A_1268 = arith.constant 3 : i32
      %get3A_1269 = arith.index_cast %get3A_1268 : i32 to index
      %get3A_1270 = arith.index_cast %add3A_1267 : i32 to index
      %get3A_1271 = tpu.vector_load %arg11[%get3A_1269, %get3A_1270] {strides = array<i32>} : memref<16x128xf32, #tpu.memory_space<vmem>>, vector<16xf32>,
      %mul3A_1272 = arith.mulf %get3A_1271, %select_n3A_1253 : vector<16xf32>
      %mul3A_1273 = arith.mulf %mul3A_1272, %get3A_357 : vector<16xf32>
      %add3A_1274 = arith.addf %mul3A_1265, %mul3A_1273 : vector<16xf32>
      %eq3A_1275 = arith.constant 3 : i32
      %eq3A_1276 = vector.broadcast %eq3A_1275 : i32 to vector<16xi32>
      %eq3A_1277 = arith.cmpi eq, %iota3A, %eq3A_1276 : vector<16xi32>
      %reduce_sum3A_1278 = arith.constant true
      %reduce_sum3A_1279 = vector.broadcast %reduce_sum3A_1278 : i1 to vector<16xi1>
      %reduce_sum3A_1280 = tpu.scan <sum>, %add3A_1274 masked %reduce_sum3A_1279 : vector<16xf32>, vector<16xi1> -> vector<16xf32>
      %reduce_sum3A_1281 = vector.extract %reduce_sum3A_1280[15] : f32 from vector<16xf32>
      %add3A_1282 = vector.broadcast %reduce_sum3A_1281 : f32 to vector<16xf32>
      %add3A_1283 = arith.addf %select_n3A_1228, %add3A_1282 : vector<16xf32>
      %select_n3A_1284 = arith.select %eq3A_1277, %add3A_1283, %select_n3A_1228 : vector<16xi1>, vector<16xf32>
      %slice3A_1285 = vector.extract_strided_slice %get3A_392 {offsets = [4], sizes = [1], strides = [1]} : vector<16xi32> to vector<1xi32>
      %squeeze3A_1286 = vector.extract %slice3A_1285[0] : i32 from vector<1xi32>
      %and3A_1287 = arith.constant 127 : i32
      %and3A_1288 = arith.andi %squeeze3A_1286, %and3A_1287 : i32
      %broadcast_in_dim3A_1289 = vector.broadcast %and3A_1288 : i32 to vector<16xi32>
      %broadcast_in_dim3A_1290 = arith.constant 4 : i32
      %broadcast_in_dim3A_1291 = vector.broadcast %broadcast_in_dim3A_1290 : i32 to vector<16xi32>
      %gather3A_1292 = tpu.vector_load_idx %arg12[%broadcast_in_dim3A_1291, %shift_right_arithmetic3A_361, %and3A_363, %broadcast_in_dim3A_1289] : memref<16x4x8x128xf32, #tpu.memory_space<vmem>>[vector<16xi32>, vector<16xi32>, vector<16xi32>, vector<16xi32>], vector<16xf32>,
      %gather3A_1293 = tpu.vector_load_idx %arg12[%broadcast_in_dim3A_1291, %add3A_366, %and3A_363, %broadcast_in_dim3A_1289] : memref<16x4x8x128xf32, #tpu.memory_space<vmem>>[vector<16xi32>, vector<16xi32>, vector<16xi32>, vector<16xi32>], vector<16xf32>,
      %sub3A_1294 = arith.constant 999936 : i32
      %sub3A_1295 = arith.subi %squeeze3A_1286, %sub3A_1294 : i32
      %jit3A_1296 = arith.constant 0 : i32
      %jit3A_1297 = arith.constant 63 : i32
      %max3A_1298 = arith.maxsi %jit3A_1296, %sub3A_1295 : i32
      %min3A_1299 = arith.minsi %jit3A_1297, %max3A_1298 : i32
      %broadcast_in_dim3A_1300 = vector.broadcast %min3A_1299 : i32 to vector<16xi32>
      %gather3A_1301 = tpu.vector_load_idx %arg13[%broadcast_in_dim3A_1300, %iota3A] : memref<64x32xf32, #tpu.memory_space<vmem>>[vector<16xi32>, vector<16xi32>], vector<16xf32>,
      %add3A_1302 = arith.constant 16 : i32
      %add3A_1303 = vector.broadcast %add3A_1302 : i32 to vector<16xi32>
      %add3A_1304 = arith.addi %iota3A, %add3A_1303 : vector<16xi32>
      %gather3A_1305 = tpu.vector_load_idx %arg13[%broadcast_in_dim3A_1300, %add3A_1304] : memref<64x32xf32, #tpu.memory_space<vmem>>[vector<16xi32>, vector<16xi32>], vector<16xf32>,
      %ge3A_1306 = arith.constant 999936 : i32
      %ge3A_1307 = arith.cmpi sge, %squeeze3A_1286, %ge3A_1306 : i32
      %select_n3A_1308 = arith.select %ge3A_1307, %gather3A_1301, %gather3A_1292 : vector<16xf32>
      %select_n3A_1309 = arith.select %ge3A_1307, %gather3A_1305, %gather3A_1293 : vector<16xf32>
      %slice3A_1310 = vector.extract_strided_slice %get3A_383 {offsets = [4], sizes = [1], strides = [1]} : vector<16xi32> to vector<1xi32>
      %squeeze3A_1311 = vector.extract %slice3A_1310[0] : i32 from vector<1xi32>
      %and3A_1312 = arith.constant 3 : i32
      %and3A_1313 = arith.andi %squeeze3A_1311, %and3A_1312 : i32
      %mul3A_1314 = arith.constant 32 : i32
      %mul3A_1315 = arith.muli %and3A_1313, %mul3A_1314 : i32
      %get3A_1316 = arith.constant 4 : i32
      %get3A_1317 = arith.index_cast %get3A_1316 : i32 to index
      %get3A_1318 = arith.index_cast %mul3A_1315 : i32 to index
      %get3A_1319 = tpu.vector_load %arg11[%get3A_1317, %get3A_1318] {strides = array<i32>} : memref<16x128xf32, #tpu.memory_space<vmem>>, vector<16xf32>,
      %mul3A_1320 = arith.mulf %get3A_1319, %select_n3A_1308 : vector<16xf32>
      %mul3A_1321 = arith.mulf %mul3A_1320, %get3A_355 : vector<16xf32>
      %add3A_1322 = arith.constant 16 : i32
      %add3A_1323 = arith.addi %mul3A_1315, %add3A_1322 : i32
      %get3A_1324 = arith.constant 4 : i32
      %get3A_1325 = arith.index_cast %get3A_1324 : i32 to index
      %get3A_1326 = arith.index_cast %add3A_1323 : i32 to index
      %get3A_1327 = tpu.vector_load %arg11[%get3A_1325, %get3A_1326] {strides = array<i32>} : memref<16x128xf32, #tpu.memory_space<vmem>>, vector<16xf32>,
      %mul3A_1328 = arith.mulf %get3A_1327, %select_n3A_1309 : vector<16xf32>
      %mul3A_1329 = arith.mulf %mul3A_1328, %get3A_357 : vector<16xf32>
      %add3A_1330 = arith.addf %mul3A_1321, %mul3A_1329 : vector<16xf32>
      %eq3A_1331 = arith.constant 4 : i32
      %eq3A_1332 = vector.broadcast %eq3A_1331 : i32 to vector<16xi32>
      %eq3A_1333 = arith.cmpi eq, %iota3A, %eq3A_1332 : vector<16xi32>
      %reduce_sum3A_1334 = arith.constant true
      %reduce_sum3A_1335 = vector.broadcast %reduce_sum3A_1334 : i1 to vector<16xi1>
      %reduce_sum3A_1336 = tpu.scan <sum>, %add3A_1330 masked %reduce_sum3A_1335 : vector<16xf32>, vector<16xi1> -> vector<16xf32>
      %reduce_sum3A_1337 = vector.extract %reduce_sum3A_1336[15] : f32 from vector<16xf32>
      %add3A_1338 = vector.broadcast %reduce_sum3A_1337 : f32 to vector<16xf32>
      %add3A_1339 = arith.addf %select_n3A_1284, %add3A_1338 : vector<16xf32>
      %select_n3A_1340 = arith.select %eq3A_1333, %add3A_1339, %select_n3A_1284 : vector<16xi1>, vector<16xf32>
      %slice3A_1341 = vector.extract_strided_slice %get3A_392 {offsets = [5], sizes = [1], strides = [1]} : vector<16xi32> to vector<1xi32>
      %squeeze3A_1342 = vector.extract %slice3A_1341[0] : i32 from vector<1xi32>
      %and3A_1343 = arith.constant 127 : i32
      %and3A_1344 = arith.andi %squeeze3A_1342, %and3A_1343 : i32
      %broadcast_in_dim3A_1345 = vector.broadcast %and3A_1344 : i32 to vector<16xi32>
      %broadcast_in_dim3A_1346 = arith.constant 5 : i32
      %broadcast_in_dim3A_1347 = vector.broadcast %broadcast_in_dim3A_1346 : i32 to vector<16xi32>
      %gather3A_1348 = tpu.vector_load_idx %arg12[%broadcast_in_dim3A_1347, %shift_right_arithmetic3A_361, %and3A_363, %broadcast_in_dim3A_1345] : memref<16x4x8x128xf32, #tpu.memory_space<vmem>>[vector<16xi32>, vector<16xi32>, vector<16xi32>, vector<16xi32>], vector<16xf32>,
      %gather3A_1349 = tpu.vector_load_idx %arg12[%broadcast_in_dim3A_1347, %add3A_366, %and3A_363, %broadcast_in_dim3A_1345] : memref<16x4x8x128xf32, #tpu.memory_space<vmem>>[vector<16xi32>, vector<16xi32>, vector<16xi32>, vector<16xi32>], vector<16xf32>,
      %sub3A_1350 = arith.constant 999936 : i32
      %sub3A_1351 = arith.subi %squeeze3A_1342, %sub3A_1350 : i32
      %jit3A_1352 = arith.constant 0 : i32
      %jit3A_1353 = arith.constant 63 : i32
      %max3A_1354 = arith.maxsi %jit3A_1352, %sub3A_1351 : i32
      %min3A_1355 = arith.minsi %jit3A_1353, %max3A_1354 : i32
      %broadcast_in_dim3A_1356 = vector.broadcast %min3A_1355 : i32 to vector<16xi32>
      %gather3A_1357 = tpu.vector_load_idx %arg13[%broadcast_in_dim3A_1356, %iota3A] : memref<64x32xf32, #tpu.memory_space<vmem>>[vector<16xi32>, vector<16xi32>], vector<16xf32>,
      %add3A_1358 = arith.constant 16 : i32
      %add3A_1359 = vector.broadcast %add3A_1358 : i32 to vector<16xi32>
      %add3A_1360 = arith.addi %iota3A, %add3A_1359 : vector<16xi32>
      %gather3A_1361 = tpu.vector_load_idx %arg13[%broadcast_in_dim3A_1356, %add3A_1360] : memref<64x32xf32, #tpu.memory_space<vmem>>[vector<16xi32>, vector<16xi32>], vector<16xf32>,
      %ge3A_1362 = arith.constant 999936 : i32
      %ge3A_1363 = arith.cmpi sge, %squeeze3A_1342, %ge3A_1362 : i32
      %select_n3A_1364 = arith.select %ge3A_1363, %gather3A_1357, %gather3A_1348 : vector<16xf32>
      %select_n3A_1365 = arith.select %ge3A_1363, %gather3A_1361, %gather3A_1349 : vector<16xf32>
      %slice3A_1366 = vector.extract_strided_slice %get3A_383 {offsets = [5], sizes = [1], strides = [1]} : vector<16xi32> to vector<1xi32>
      %squeeze3A_1367 = vector.extract %slice3A_1366[0] : i32 from vector<1xi32>
      %and3A_1368 = arith.constant 3 : i32
      %and3A_1369 = arith.andi %squeeze3A_1367, %and3A_1368 : i32
      %mul3A_1370 = arith.constant 32 : i32
      %mul3A_1371 = arith.muli %and3A_1369, %mul3A_1370 : i32
      %get3A_1372 = arith.constant 5 : i32
      %get3A_1373 = arith.index_cast %get3A_1372 : i32 to index
      %get3A_1374 = arith.index_cast %mul3A_1371 : i32 to index
      %get3A_1375 = tpu.vector_load %arg11[%get3A_1373, %get3A_1374] {strides = array<i32>} : memref<16x128xf32, #tpu.memory_space<vmem>>, vector<16xf32>,
      %mul3A_1376 = arith.mulf %get3A_1375, %select_n3A_1364 : vector<16xf32>
      %mul3A_1377 = arith.mulf %mul3A_1376, %get3A_355 : vector<16xf32>
      %add3A_1378 = arith.constant 16 : i32
      %add3A_1379 = arith.addi %mul3A_1371, %add3A_1378 : i32
      %get3A_1380 = arith.constant 5 : i32
      %get3A_1381 = arith.index_cast %get3A_1380 : i32 to index
      %get3A_1382 = arith.index_cast %add3A_1379 : i32 to index
      %get3A_1383 = tpu.vector_load %arg11[%get3A_1381, %get3A_1382] {strides = array<i32>} : memref<16x128xf32, #tpu.memory_space<vmem>>, vector<16xf32>,
      %mul3A_1384 = arith.mulf %get3A_1383, %select_n3A_1365 : vector<16xf32>
      %mul3A_1385 = arith.mulf %mul3A_1384, %get3A_357 : vector<16xf32>
      %add3A_1386 = arith.addf %mul3A_1377, %mul3A_1385 : vector<16xf32>
      %eq3A_1387 = arith.constant 5 : i32
      %eq3A_1388 = vector.broadcast %eq3A_1387 : i32 to vector<16xi32>
      %eq3A_1389 = arith.cmpi eq, %iota3A, %eq3A_1388 : vector<16xi32>
      %reduce_sum3A_1390 = arith.constant true
      %reduce_sum3A_1391 = vector.broadcast %reduce_sum3A_1390 : i1 to vector<16xi1>
      %reduce_sum3A_1392 = tpu.scan <sum>, %add3A_1386 masked %reduce_sum3A_1391 : vector<16xf32>, vector<16xi1> -> vector<16xf32>
      %reduce_sum3A_1393 = vector.extract %reduce_sum3A_1392[15] : f32 from vector<16xf32>
      %add3A_1394 = vector.broadcast %reduce_sum3A_1393 : f32 to vector<16xf32>
      %add3A_1395 = arith.addf %select_n3A_1340, %add3A_1394 : vector<16xf32>
      %select_n3A_1396 = arith.select %eq3A_1389, %add3A_1395, %select_n3A_1340 : vector<16xi1>, vector<16xf32>
      %slice3A_1397 = vector.extract_strided_slice %get3A_392 {offsets = [6], sizes = [1], strides = [1]} : vector<16xi32> to vector<1xi32>
      %squeeze3A_1398 = vector.extract %slice3A_1397[0] : i32 from vector<1xi32>
      %and3A_1399 = arith.constant 127 : i32
      %and3A_1400 = arith.andi %squeeze3A_1398, %and3A_1399 : i32
      %broadcast_in_dim3A_1401 = vector.broadcast %and3A_1400 : i32 to vector<16xi32>
      %broadcast_in_dim3A_1402 = arith.constant 6 : i32
      %broadcast_in_dim3A_1403 = vector.broadcast %broadcast_in_dim3A_1402 : i32 to vector<16xi32>
      %gather3A_1404 = tpu.vector_load_idx %arg12[%broadcast_in_dim3A_1403, %shift_right_arithmetic3A_361, %and3A_363, %broadcast_in_dim3A_1401] : memref<16x4x8x128xf32, #tpu.memory_space<vmem>>[vector<16xi32>, vector<16xi32>, vector<16xi32>, vector<16xi32>], vector<16xf32>,
      %gather3A_1405 = tpu.vector_load_idx %arg12[%broadcast_in_dim3A_1403, %add3A_366, %and3A_363, %broadcast_in_dim3A_1401] : memref<16x4x8x128xf32, #tpu.memory_space<vmem>>[vector<16xi32>, vector<16xi32>, vector<16xi32>, vector<16xi32>], vector<16xf32>,
      %sub3A_1406 = arith.constant 999936 : i32
      %sub3A_1407 = arith.subi %squeeze3A_1398, %sub3A_1406 : i32
      %jit3A_1408 = arith.constant 0 : i32
      %jit3A_1409 = arith.constant 63 : i32
      %max3A_1410 = arith.maxsi %jit3A_1408, %sub3A_1407 : i32
      %min3A_1411 = arith.minsi %jit3A_1409, %max3A_1410 : i32
      %broadcast_in_dim3A_1412 = vector.broadcast %min3A_1411 : i32 to vector<16xi32>
      %gather3A_1413 = tpu.vector_load_idx %arg13[%broadcast_in_dim3A_1412, %iota3A] : memref<64x32xf32, #tpu.memory_space<vmem>>[vector<16xi32>, vector<16xi32>], vector<16xf32>,
      %add3A_1414 = arith.constant 16 : i32
      %add3A_1415 = vector.broadcast %add3A_1414 : i32 to vector<16xi32>
      %add3A_1416 = arith.addi %iota3A, %add3A_1415 : vector<16xi32>
      %gather3A_1417 = tpu.vector_load_idx %arg13[%broadcast_in_dim3A_1412, %add3A_1416] : memref<64x32xf32, #tpu.memory_space<vmem>>[vector<16xi32>, vector<16xi32>], vector<16xf32>,
      %ge3A_1418 = arith.constant 999936 : i32
      %ge3A_1419 = arith.cmpi sge, %squeeze3A_1398, %ge3A_1418 : i32
      %select_n3A_1420 = arith.select %ge3A_1419, %gather3A_1413, %gather3A_1404 : vector<16xf32>
      %select_n3A_1421 = arith.select %ge3A_1419, %gather3A_1417, %gather3A_1405 : vector<16xf32>
      %slice3A_1422 = vector.extract_strided_slice %get3A_383 {offsets = [6], sizes = [1], strides = [1]} : vector<16xi32> to vector<1xi32>
      %squeeze3A_1423 = vector.extract %slice3A_1422[0] : i32 from vector<1xi32>
      %and3A_1424 = arith.constant 3 : i32
      %and3A_1425 = arith.andi %squeeze3A_1423, %and3A_1424 : i32
      %mul3A_1426 = arith.constant 32 : i32
      %mul3A_1427 = arith.muli %and3A_1425, %mul3A_1426 : i32
      %get3A_1428 = arith.constant 6 : i32
      %get3A_1429 = arith.index_cast %get3A_1428 : i32 to index
      %get3A_1430 = arith.index_cast %mul3A_1427 : i32 to index
      %get3A_1431 = tpu.vector_load %arg11[%get3A_1429, %get3A_1430] {strides = array<i32>} : memref<16x128xf32, #tpu.memory_space<vmem>>, vector<16xf32>,
      %mul3A_1432 = arith.mulf %get3A_1431, %select_n3A_1420 : vector<16xf32>
      %mul3A_1433 = arith.mulf %mul3A_1432, %get3A_355 : vector<16xf32>
      %add3A_1434 = arith.constant 16 : i32
      %add3A_1435 = arith.addi %mul3A_1427, %add3A_1434 : i32
      %get3A_1436 = arith.constant 6 : i32
      %get3A_1437 = arith.index_cast %get3A_1436 : i32 to index
      %get3A_1438 = arith.index_cast %add3A_1435 : i32 to index
      %get3A_1439 = tpu.vector_load %arg11[%get3A_1437, %get3A_1438] {strides = array<i32>} : memref<16x128xf32, #tpu.memory_space<vmem>>, vector<16xf32>,
      %mul3A_1440 = arith.mulf %get3A_1439, %select_n3A_1421 : vector<16xf32>
      %mul3A_1441 = arith.mulf %mul3A_1440, %get3A_357 : vector<16xf32>
      %add3A_1442 = arith.addf %mul3A_1433, %mul3A_1441 : vector<16xf32>
      %eq3A_1443 = arith.constant 6 : i32
      %eq3A_1444 = vector.broadcast %eq3A_1443 : i32 to vector<16xi32>
      %eq3A_1445 = arith.cmpi eq, %iota3A, %eq3A_1444 : vector<16xi32>
      %reduce_sum3A_1446 = arith.constant true
      %reduce_sum3A_1447 = vector.broadcast %reduce_sum3A_1446 : i1 to vector<16xi1>
      %reduce_sum3A_1448 = tpu.scan <sum>, %add3A_1442 masked %reduce_sum3A_1447 : vector<16xf32>, vector<16xi1> -> vector<16xf32>
      %reduce_sum3A_1449 = vector.extract %reduce_sum3A_1448[15] : f32 from vector<16xf32>
      %add3A_1450 = vector.broadcast %reduce_sum3A_1449 : f32 to vector<16xf32>
      %add3A_1451 = arith.addf %select_n3A_1396, %add3A_1450 : vector<16xf32>
      %select_n3A_1452 = arith.select %eq3A_1445, %add3A_1451, %select_n3A_1396 : vector<16xi1>, vector<16xf32>
      %slice3A_1453 = vector.extract_strided_slice %get3A_392 {offsets = [7], sizes = [1], strides = [1]} : vector<16xi32> to vector<1xi32>
      %squeeze3A_1454 = vector.extract %slice3A_1453[0] : i32 from vector<1xi32>
      %and3A_1455 = arith.constant 127 : i32
      %and3A_1456 = arith.andi %squeeze3A_1454, %and3A_1455 : i32
      %broadcast_in_dim3A_1457 = vector.broadcast %and3A_1456 : i32 to vector<16xi32>
      %broadcast_in_dim3A_1458 = arith.constant 7 : i32
      %broadcast_in_dim3A_1459 = vector.broadcast %broadcast_in_dim3A_1458 : i32 to vector<16xi32>
      %gather3A_1460 = tpu.vector_load_idx %arg12[%broadcast_in_dim3A_1459, %shift_right_arithmetic3A_361, %and3A_363, %broadcast_in_dim3A_1457] : memref<16x4x8x128xf32, #tpu.memory_space<vmem>>[vector<16xi32>, vector<16xi32>, vector<16xi32>, vector<16xi32>], vector<16xf32>,
      %gather3A_1461 = tpu.vector_load_idx %arg12[%broadcast_in_dim3A_1459, %add3A_366, %and3A_363, %broadcast_in_dim3A_1457] : memref<16x4x8x128xf32, #tpu.memory_space<vmem>>[vector<16xi32>, vector<16xi32>, vector<16xi32>, vector<16xi32>], vector<16xf32>,
      %sub3A_1462 = arith.constant 999936 : i32
      %sub3A_1463 = arith.subi %squeeze3A_1454, %sub3A_1462 : i32
      %jit3A_1464 = arith.constant 0 : i32
      %jit3A_1465 = arith.constant 63 : i32
      %max3A_1466 = arith.maxsi %jit3A_1464, %sub3A_1463 : i32
      %min3A_1467 = arith.minsi %jit3A_1465, %max3A_1466 : i32
      %broadcast_in_dim3A_1468 = vector.broadcast %min3A_1467 : i32 to vector<16xi32>
      %gather3A_1469 = tpu.vector_load_idx %arg13[%broadcast_in_dim3A_1468, %iota3A] : memref<64x32xf32, #tpu.memory_space<vmem>>[vector<16xi32>, vector<16xi32>], vector<16xf32>,
      %add3A_1470 = arith.constant 16 : i32
      %add3A_1471 = vector.broadcast %add3A_1470 : i32 to vector<16xi32>
      %add3A_1472 = arith.addi %iota3A, %add3A_1471 : vector<16xi32>
      %gather3A_1473 = tpu.vector_load_idx %arg13[%broadcast_in_dim3A_1468, %add3A_1472] : memref<64x32xf32, #tpu.memory_space<vmem>>[vector<16xi32>, vector<16xi32>], vector<16xf32>,
      %ge3A_1474 = arith.constant 999936 : i32
      %ge3A_1475 = arith.cmpi sge, %squeeze3A_1454, %ge3A_1474 : i32
      %select_n3A_1476 = arith.select %ge3A_1475, %gather3A_1469, %gather3A_1460 : vector<16xf32>
      %select_n3A_1477 = arith.select %ge3A_1475, %gather3A_1473, %gather3A_1461 : vector<16xf32>
      %slice3A_1478 = vector.extract_strided_slice %get3A_383 {offsets = [7], sizes = [1], strides = [1]} : vector<16xi32> to vector<1xi32>
      %squeeze3A_1479 = vector.extract %slice3A_1478[0] : i32 from vector<1xi32>
      %and3A_1480 = arith.constant 3 : i32
      %and3A_1481 = arith.andi %squeeze3A_1479, %and3A_1480 : i32
      %mul3A_1482 = arith.constant 32 : i32
      %mul3A_1483 = arith.muli %and3A_1481, %mul3A_1482 : i32
      %get3A_1484 = arith.constant 7 : i32
      %get3A_1485 = arith.index_cast %get3A_1484 : i32 to index
      %get3A_1486 = arith.index_cast %mul3A_1483 : i32 to index
      %get3A_1487 = tpu.vector_load %arg11[%get3A_1485, %get3A_1486] {strides = array<i32>} : memref<16x128xf32, #tpu.memory_space<vmem>>, vector<16xf32>,
      %mul3A_1488 = arith.mulf %get3A_1487, %select_n3A_1476 : vector<16xf32>
      %mul3A_1489 = arith.mulf %mul3A_1488, %get3A_355 : vector<16xf32>
      %add3A_1490 = arith.constant 16 : i32
      %add3A_1491 = arith.addi %mul3A_1483, %add3A_1490 : i32
      %get3A_1492 = arith.constant 7 : i32
      %get3A_1493 = arith.index_cast %get3A_1492 : i32 to index
      %get3A_1494 = arith.index_cast %add3A_1491 : i32 to index
      %get3A_1495 = tpu.vector_load %arg11[%get3A_1493, %get3A_1494] {strides = array<i32>} : memref<16x128xf32, #tpu.memory_space<vmem>>, vector<16xf32>,
      %mul3A_1496 = arith.mulf %get3A_1495, %select_n3A_1477 : vector<16xf32>
      %mul3A_1497 = arith.mulf %mul3A_1496, %get3A_357 : vector<16xf32>
      %add3A_1498 = arith.addf %mul3A_1489, %mul3A_1497 : vector<16xf32>
      %eq3A_1499 = arith.constant 7 : i32
      %eq3A_1500 = vector.broadcast %eq3A_1499 : i32 to vector<16xi32>
      %eq3A_1501 = arith.cmpi eq, %iota3A, %eq3A_1500 : vector<16xi32>
      %reduce_sum3A_1502 = arith.constant true
      %reduce_sum3A_1503 = vector.broadcast %reduce_sum3A_1502 : i1 to vector<16xi1>
      %reduce_sum3A_1504 = tpu.scan <sum>, %add3A_1498 masked %reduce_sum3A_1503 : vector<16xf32>, vector<16xi1> -> vector<16xf32>
      %reduce_sum3A_1505 = vector.extract %reduce_sum3A_1504[15] : f32 from vector<16xf32>
      %add3A_1506 = vector.broadcast %reduce_sum3A_1505 : f32 to vector<16xf32>
      %add3A_1507 = arith.addf %select_n3A_1452, %add3A_1506 : vector<16xf32>
      %select_n3A_1508 = arith.select %eq3A_1501, %add3A_1507, %select_n3A_1452 : vector<16xi1>, vector<16xf32>
      %slice3A_1509 = vector.extract_strided_slice %get3A_392 {offsets = [8], sizes = [1], strides = [1]} : vector<16xi32> to vector<1xi32>
      %squeeze3A_1510 = vector.extract %slice3A_1509[0] : i32 from vector<1xi32>
      %and3A_1511 = arith.constant 127 : i32
      %and3A_1512 = arith.andi %squeeze3A_1510, %and3A_1511 : i32
      %broadcast_in_dim3A_1513 = vector.broadcast %and3A_1512 : i32 to vector<16xi32>
      %broadcast_in_dim3A_1514 = arith.constant 8 : i32
      %broadcast_in_dim3A_1515 = vector.broadcast %broadcast_in_dim3A_1514 : i32 to vector<16xi32>
      %gather3A_1516 = tpu.vector_load_idx %arg12[%broadcast_in_dim3A_1515, %shift_right_arithmetic3A_361, %and3A_363, %broadcast_in_dim3A_1513] : memref<16x4x8x128xf32, #tpu.memory_space<vmem>>[vector<16xi32>, vector<16xi32>, vector<16xi32>, vector<16xi32>], vector<16xf32>,
      %gather3A_1517 = tpu.vector_load_idx %arg12[%broadcast_in_dim3A_1515, %add3A_366, %and3A_363, %broadcast_in_dim3A_1513] : memref<16x4x8x128xf32, #tpu.memory_space<vmem>>[vector<16xi32>, vector<16xi32>, vector<16xi32>, vector<16xi32>], vector<16xf32>,
      %sub3A_1518 = arith.constant 999936 : i32
      %sub3A_1519 = arith.subi %squeeze3A_1510, %sub3A_1518 : i32
      %jit3A_1520 = arith.constant 0 : i32
      %jit3A_1521 = arith.constant 63 : i32
      %max3A_1522 = arith.maxsi %jit3A_1520, %sub3A_1519 : i32
      %min3A_1523 = arith.minsi %jit3A_1521, %max3A_1522 : i32
      %broadcast_in_dim3A_1524 = vector.broadcast %min3A_1523 : i32 to vector<16xi32>
      %gather3A_1525 = tpu.vector_load_idx %arg13[%broadcast_in_dim3A_1524, %iota3A] : memref<64x32xf32, #tpu.memory_space<vmem>>[vector<16xi32>, vector<16xi32>], vector<16xf32>,
      %add3A_1526 = arith.constant 16 : i32
      %add3A_1527 = vector.broadcast %add3A_1526 : i32 to vector<16xi32>
      %add3A_1528 = arith.addi %iota3A, %add3A_1527 : vector<16xi32>
      %gather3A_1529 = tpu.vector_load_idx %arg13[%broadcast_in_dim3A_1524, %add3A_1528] : memref<64x32xf32, #tpu.memory_space<vmem>>[vector<16xi32>, vector<16xi32>], vector<16xf32>,
      %ge3A_1530 = arith.constant 999936 : i32
      %ge3A_1531 = arith.cmpi sge, %squeeze3A_1510, %ge3A_1530 : i32
      %select_n3A_1532 = arith.select %ge3A_1531, %gather3A_1525, %gather3A_1516 : vector<16xf32>
      %select_n3A_1533 = arith.select %ge3A_1531, %gather3A_1529, %gather3A_1517 : vector<16xf32>
      %slice3A_1534 = vector.extract_strided_slice %get3A_383 {offsets = [8], sizes = [1], strides = [1]} : vector<16xi32> to vector<1xi32>
      %squeeze3A_1535 = vector.extract %slice3A_1534[0] : i32 from vector<1xi32>
      %and3A_1536 = arith.constant 3 : i32
      %and3A_1537 = arith.andi %squeeze3A_1535, %and3A_1536 : i32
      %mul3A_1538 = arith.constant 32 : i32
      %mul3A_1539 = arith.muli %and3A_1537, %mul3A_1538 : i32
      %get3A_1540 = arith.constant 8 : i32
      %get3A_1541 = arith.index_cast %get3A_1540 : i32 to index
      %get3A_1542 = arith.index_cast %mul3A_1539 : i32 to index
      %get3A_1543 = tpu.vector_load %arg11[%get3A_1541, %get3A_1542] {strides = array<i32>} : memref<16x128xf32, #tpu.memory_space<vmem>>, vector<16xf32>,
      %mul3A_1544 = arith.mulf %get3A_1543, %select_n3A_1532 : vector<16xf32>
      %mul3A_1545 = arith.mulf %mul3A_1544, %get3A_355 : vector<16xf32>
      %add3A_1546 = arith.constant 16 : i32
      %add3A_1547 = arith.addi %mul3A_1539, %add3A_1546 : i32
      %get3A_1548 = arith.constant 8 : i32
      %get3A_1549 = arith.index_cast %get3A_1548 : i32 to index
      %get3A_1550 = arith.index_cast %add3A_1547 : i32 to index
      %get3A_1551 = tpu.vector_load %arg11[%get3A_1549, %get3A_1550] {strides = array<i32>} : memref<16x128xf32, #tpu.memory_space<vmem>>, vector<16xf32>,
      %mul3A_1552 = arith.mulf %get3A_1551, %select_n3A_1533 : vector<16xf32>
      %mul3A_1553 = arith.mulf %mul3A_1552, %get3A_357 : vector<16xf32>
      %add3A_1554 = arith.addf %mul3A_1545, %mul3A_1553 : vector<16xf32>
      %eq3A_1555 = arith.constant 8 : i32
      %eq3A_1556 = vector.broadcast %eq3A_1555 : i32 to vector<16xi32>
      %eq3A_1557 = arith.cmpi eq, %iota3A, %eq3A_1556 : vector<16xi32>
      %reduce_sum3A_1558 = arith.constant true
      %reduce_sum3A_1559 = vector.broadcast %reduce_sum3A_1558 : i1 to vector<16xi1>
      %reduce_sum3A_1560 = tpu.scan <sum>, %add3A_1554 masked %reduce_sum3A_1559 : vector<16xf32>, vector<16xi1> -> vector<16xf32>
      %reduce_sum3A_1561 = vector.extract %reduce_sum3A_1560[15] : f32 from vector<16xf32>
      %add3A_1562 = vector.broadcast %reduce_sum3A_1561 : f32 to vector<16xf32>
      %add3A_1563 = arith.addf %select_n3A_1508, %add3A_1562 : vector<16xf32>
      %select_n3A_1564 = arith.select %eq3A_1557, %add3A_1563, %select_n3A_1508 : vector<16xi1>, vector<16xf32>
      %slice3A_1565 = vector.extract_strided_slice %get3A_392 {offsets = [9], sizes = [1], strides = [1]} : vector<16xi32> to vector<1xi32>
      %squeeze3A_1566 = vector.extract %slice3A_1565[0] : i32 from vector<1xi32>
      %and3A_1567 = arith.constant 127 : i32
      %and3A_1568 = arith.andi %squeeze3A_1566, %and3A_1567 : i32
      %broadcast_in_dim3A_1569 = vector.broadcast %and3A_1568 : i32 to vector<16xi32>
      %broadcast_in_dim3A_1570 = arith.constant 9 : i32
      %broadcast_in_dim3A_1571 = vector.broadcast %broadcast_in_dim3A_1570 : i32 to vector<16xi32>
      %gather3A_1572 = tpu.vector_load_idx %arg12[%broadcast_in_dim3A_1571, %shift_right_arithmetic3A_361, %and3A_363, %broadcast_in_dim3A_1569] : memref<16x4x8x128xf32, #tpu.memory_space<vmem>>[vector<16xi32>, vector<16xi32>, vector<16xi32>, vector<16xi32>], vector<16xf32>,
      %gather3A_1573 = tpu.vector_load_idx %arg12[%broadcast_in_dim3A_1571, %add3A_366, %and3A_363, %broadcast_in_dim3A_1569] : memref<16x4x8x128xf32, #tpu.memory_space<vmem>>[vector<16xi32>, vector<16xi32>, vector<16xi32>, vector<16xi32>], vector<16xf32>,
      %sub3A_1574 = arith.constant 999936 : i32
      %sub3A_1575 = arith.subi %squeeze3A_1566, %sub3A_1574 : i32
      %jit3A_1576 = arith.constant 0 : i32
      %jit3A_1577 = arith.constant 63 : i32
      %max3A_1578 = arith.maxsi %jit3A_1576, %sub3A_1575 : i32
      %min3A_1579 = arith.minsi %jit3A_1577, %max3A_1578 : i32
      %broadcast_in_dim3A_1580 = vector.broadcast %min3A_1579 : i32 to vector<16xi32>
      %gather3A_1581 = tpu.vector_load_idx %arg13[%broadcast_in_dim3A_1580, %iota3A] : memref<64x32xf32, #tpu.memory_space<vmem>>[vector<16xi32>, vector<16xi32>], vector<16xf32>,
      %add3A_1582 = arith.constant 16 : i32
      %add3A_1583 = vector.broadcast %add3A_1582 : i32 to vector<16xi32>
      %add3A_1584 = arith.addi %iota3A, %add3A_1583 : vector<16xi32>
      %gather3A_1585 = tpu.vector_load_idx %arg13[%broadcast_in_dim3A_1580, %add3A_1584] : memref<64x32xf32, #tpu.memory_space<vmem>>[vector<16xi32>, vector<16xi32>], vector<16xf32>,
      %ge3A_1586 = arith.constant 999936 : i32
      %ge3A_1587 = arith.cmpi sge, %squeeze3A_1566, %ge3A_1586 : i32
      %select_n3A_1588 = arith.select %ge3A_1587, %gather3A_1581, %gather3A_1572 : vector<16xf32>
      %select_n3A_1589 = arith.select %ge3A_1587, %gather3A_1585, %gather3A_1573 : vector<16xf32>
      %slice3A_1590 = vector.extract_strided_slice %get3A_383 {offsets = [9], sizes = [1], strides = [1]} : vector<16xi32> to vector<1xi32>
      %squeeze3A_1591 = vector.extract %slice3A_1590[0] : i32 from vector<1xi32>
      %and3A_1592 = arith.constant 3 : i32
      %and3A_1593 = arith.andi %squeeze3A_1591, %and3A_1592 : i32
      %mul3A_1594 = arith.constant 32 : i32
      %mul3A_1595 = arith.muli %and3A_1593, %mul3A_1594 : i32
      %get3A_1596 = arith.constant 9 : i32
      %get3A_1597 = arith.index_cast %get3A_1596 : i32 to index
      %get3A_1598 = arith.index_cast %mul3A_1595 : i32 to index
      %get3A_1599 = tpu.vector_load %arg11[%get3A_1597, %get3A_1598] {strides = array<i32>} : memref<16x128xf32, #tpu.memory_space<vmem>>, vector<16xf32>,
      %mul3A_1600 = arith.mulf %get3A_1599, %select_n3A_1588 : vector<16xf32>
      %mul3A_1601 = arith.mulf %mul3A_1600, %get3A_355 : vector<16xf32>
      %add3A_1602 = arith.constant 16 : i32
      %add3A_1603 = arith.addi %mul3A_1595, %add3A_1602 : i32
      %get3A_1604 = arith.constant 9 : i32
      %get3A_1605 = arith.index_cast %get3A_1604 : i32 to index
      %get3A_1606 = arith.index_cast %add3A_1603 : i32 to index
      %get3A_1607 = tpu.vector_load %arg11[%get3A_1605, %get3A_1606] {strides = array<i32>} : memref<16x128xf32, #tpu.memory_space<vmem>>, vector<16xf32>,
      %mul3A_1608 = arith.mulf %get3A_1607, %select_n3A_1589 : vector<16xf32>
      %mul3A_1609 = arith.mulf %mul3A_1608, %get3A_357 : vector<16xf32>
      %add3A_1610 = arith.addf %mul3A_1601, %mul3A_1609 : vector<16xf32>
      %eq3A_1611 = arith.constant 9 : i32
      %eq3A_1612 = vector.broadcast %eq3A_1611 : i32 to vector<16xi32>
      %eq3A_1613 = arith.cmpi eq, %iota3A, %eq3A_1612 : vector<16xi32>
      %reduce_sum3A_1614 = arith.constant true
      %reduce_sum3A_1615 = vector.broadcast %reduce_sum3A_1614 : i1 to vector<16xi1>
      %reduce_sum3A_1616 = tpu.scan <sum>, %add3A_1610 masked %reduce_sum3A_1615 : vector<16xf32>, vector<16xi1> -> vector<16xf32>
      %reduce_sum3A_1617 = vector.extract %reduce_sum3A_1616[15] : f32 from vector<16xf32>
      %add3A_1618 = vector.broadcast %reduce_sum3A_1617 : f32 to vector<16xf32>
      %add3A_1619 = arith.addf %select_n3A_1564, %add3A_1618 : vector<16xf32>
      %select_n3A_1620 = arith.select %eq3A_1613, %add3A_1619, %select_n3A_1564 : vector<16xi1>, vector<16xf32>
      %slice3A_1621 = vector.extract_strided_slice %get3A_392 {offsets = [10], sizes = [1], strides = [1]} : vector<16xi32> to vector<1xi32>
      %squeeze3A_1622 = vector.extract %slice3A_1621[0] : i32 from vector<1xi32>
      %and3A_1623 = arith.constant 127 : i32
      %and3A_1624 = arith.andi %squeeze3A_1622, %and3A_1623 : i32
      %broadcast_in_dim3A_1625 = vector.broadcast %and3A_1624 : i32 to vector<16xi32>
      %broadcast_in_dim3A_1626 = arith.constant 10 : i32
      %broadcast_in_dim3A_1627 = vector.broadcast %broadcast_in_dim3A_1626 : i32 to vector<16xi32>
      %gather3A_1628 = tpu.vector_load_idx %arg12[%broadcast_in_dim3A_1627, %shift_right_arithmetic3A_361, %and3A_363, %broadcast_in_dim3A_1625] : memref<16x4x8x128xf32, #tpu.memory_space<vmem>>[vector<16xi32>, vector<16xi32>, vector<16xi32>, vector<16xi32>], vector<16xf32>,
      %gather3A_1629 = tpu.vector_load_idx %arg12[%broadcast_in_dim3A_1627, %add3A_366, %and3A_363, %broadcast_in_dim3A_1625] : memref<16x4x8x128xf32, #tpu.memory_space<vmem>>[vector<16xi32>, vector<16xi32>, vector<16xi32>, vector<16xi32>], vector<16xf32>,
      %sub3A_1630 = arith.constant 999936 : i32
      %sub3A_1631 = arith.subi %squeeze3A_1622, %sub3A_1630 : i32
      %jit3A_1632 = arith.constant 0 : i32
      %jit3A_1633 = arith.constant 63 : i32
      %max3A_1634 = arith.maxsi %jit3A_1632, %sub3A_1631 : i32
      %min3A_1635 = arith.minsi %jit3A_1633, %max3A_1634 : i32
      %broadcast_in_dim3A_1636 = vector.broadcast %min3A_1635 : i32 to vector<16xi32>
      %gather3A_1637 = tpu.vector_load_idx %arg13[%broadcast_in_dim3A_1636, %iota3A] : memref<64x32xf32, #tpu.memory_space<vmem>>[vector<16xi32>, vector<16xi32>], vector<16xf32>,
      %add3A_1638 = arith.constant 16 : i32
      %add3A_1639 = vector.broadcast %add3A_1638 : i32 to vector<16xi32>
      %add3A_1640 = arith.addi %iota3A, %add3A_1639 : vector<16xi32>
      %gather3A_1641 = tpu.vector_load_idx %arg13[%broadcast_in_dim3A_1636, %add3A_1640] : memref<64x32xf32, #tpu.memory_space<vmem>>[vector<16xi32>, vector<16xi32>], vector<16xf32>,
      %ge3A_1642 = arith.constant 999936 : i32
      %ge3A_1643 = arith.cmpi sge, %squeeze3A_1622, %ge3A_1642 : i32
      %select_n3A_1644 = arith.select %ge3A_1643, %gather3A_1637, %gather3A_1628 : vector<16xf32>
      %select_n3A_1645 = arith.select %ge3A_1643, %gather3A_1641, %gather3A_1629 : vector<16xf32>
      %slice3A_1646 = vector.extract_strided_slice %get3A_383 {offsets = [10], sizes = [1], strides = [1]} : vector<16xi32> to vector<1xi32>
      %squeeze3A_1647 = vector.extract %slice3A_1646[0] : i32 from vector<1xi32>
      %and3A_1648 = arith.constant 3 : i32
      %and3A_1649 = arith.andi %squeeze3A_1647, %and3A_1648 : i32
      %mul3A_1650 = arith.constant 32 : i32
      %mul3A_1651 = arith.muli %and3A_1649, %mul3A_1650 : i32
      %get3A_1652 = arith.constant 10 : i32
      %get3A_1653 = arith.index_cast %get3A_1652 : i32 to index
      %get3A_1654 = arith.index_cast %mul3A_1651 : i32 to index
      %get3A_1655 = tpu.vector_load %arg11[%get3A_1653, %get3A_1654] {strides = array<i32>} : memref<16x128xf32, #tpu.memory_space<vmem>>, vector<16xf32>,
      %mul3A_1656 = arith.mulf %get3A_1655, %select_n3A_1644 : vector<16xf32>
      %mul3A_1657 = arith.mulf %mul3A_1656, %get3A_355 : vector<16xf32>
      %add3A_1658 = arith.constant 16 : i32
      %add3A_1659 = arith.addi %mul3A_1651, %add3A_1658 : i32
      %get3A_1660 = arith.constant 10 : i32
      %get3A_1661 = arith.index_cast %get3A_1660 : i32 to index
      %get3A_1662 = arith.index_cast %add3A_1659 : i32 to index
      %get3A_1663 = tpu.vector_load %arg11[%get3A_1661, %get3A_1662] {strides = array<i32>} : memref<16x128xf32, #tpu.memory_space<vmem>>, vector<16xf32>,
      %mul3A_1664 = arith.mulf %get3A_1663, %select_n3A_1645 : vector<16xf32>
      %mul3A_1665 = arith.mulf %mul3A_1664, %get3A_357 : vector<16xf32>
      %add3A_1666 = arith.addf %mul3A_1657, %mul3A_1665 : vector<16xf32>
      %eq3A_1667 = arith.constant 10 : i32
      %eq3A_1668 = vector.broadcast %eq3A_1667 : i32 to vector<16xi32>
      %eq3A_1669 = arith.cmpi eq, %iota3A, %eq3A_1668 : vector<16xi32>
      %reduce_sum3A_1670 = arith.constant true
      %reduce_sum3A_1671 = vector.broadcast %reduce_sum3A_1670 : i1 to vector<16xi1>
      %reduce_sum3A_1672 = tpu.scan <sum>, %add3A_1666 masked %reduce_sum3A_1671 : vector<16xf32>, vector<16xi1> -> vector<16xf32>
      %reduce_sum3A_1673 = vector.extract %reduce_sum3A_1672[15] : f32 from vector<16xf32>
      %add3A_1674 = vector.broadcast %reduce_sum3A_1673 : f32 to vector<16xf32>
      %add3A_1675 = arith.addf %select_n3A_1620, %add3A_1674 : vector<16xf32>
      %select_n3A_1676 = arith.select %eq3A_1669, %add3A_1675, %select_n3A_1620 : vector<16xi1>, vector<16xf32>
      %slice3A_1677 = vector.extract_strided_slice %get3A_392 {offsets = [11], sizes = [1], strides = [1]} : vector<16xi32> to vector<1xi32>
      %squeeze3A_1678 = vector.extract %slice3A_1677[0] : i32 from vector<1xi32>
      %and3A_1679 = arith.constant 127 : i32
      %and3A_1680 = arith.andi %squeeze3A_1678, %and3A_1679 : i32
      %broadcast_in_dim3A_1681 = vector.broadcast %and3A_1680 : i32 to vector<16xi32>
      %broadcast_in_dim3A_1682 = arith.constant 11 : i32
      %broadcast_in_dim3A_1683 = vector.broadcast %broadcast_in_dim3A_1682 : i32 to vector<16xi32>
      %gather3A_1684 = tpu.vector_load_idx %arg12[%broadcast_in_dim3A_1683, %shift_right_arithmetic3A_361, %and3A_363, %broadcast_in_dim3A_1681] : memref<16x4x8x128xf32, #tpu.memory_space<vmem>>[vector<16xi32>, vector<16xi32>, vector<16xi32>, vector<16xi32>], vector<16xf32>,
      %gather3A_1685 = tpu.vector_load_idx %arg12[%broadcast_in_dim3A_1683, %add3A_366, %and3A_363, %broadcast_in_dim3A_1681] : memref<16x4x8x128xf32, #tpu.memory_space<vmem>>[vector<16xi32>, vector<16xi32>, vector<16xi32>, vector<16xi32>], vector<16xf32>,
      %sub3A_1686 = arith.constant 999936 : i32
      %sub3A_1687 = arith.subi %squeeze3A_1678, %sub3A_1686 : i32
      %jit3A_1688 = arith.constant 0 : i32
      %jit3A_1689 = arith.constant 63 : i32
      %max3A_1690 = arith.maxsi %jit3A_1688, %sub3A_1687 : i32
      %min3A_1691 = arith.minsi %jit3A_1689, %max3A_1690 : i32
      %broadcast_in_dim3A_1692 = vector.broadcast %min3A_1691 : i32 to vector<16xi32>
      %gather3A_1693 = tpu.vector_load_idx %arg13[%broadcast_in_dim3A_1692, %iota3A] : memref<64x32xf32, #tpu.memory_space<vmem>>[vector<16xi32>, vector<16xi32>], vector<16xf32>,
      %add3A_1694 = arith.constant 16 : i32
      %add3A_1695 = vector.broadcast %add3A_1694 : i32 to vector<16xi32>
      %add3A_1696 = arith.addi %iota3A, %add3A_1695 : vector<16xi32>
      %gather3A_1697 = tpu.vector_load_idx %arg13[%broadcast_in_dim3A_1692, %add3A_1696] : memref<64x32xf32, #tpu.memory_space<vmem>>[vector<16xi32>, vector<16xi32>], vector<16xf32>,
      %ge3A_1698 = arith.constant 999936 : i32
      %ge3A_1699 = arith.cmpi sge, %squeeze3A_1678, %ge3A_1698 : i32
      %select_n3A_1700 = arith.select %ge3A_1699, %gather3A_1693, %gather3A_1684 : vector<16xf32>
      %select_n3A_1701 = arith.select %ge3A_1699, %gather3A_1697, %gather3A_1685 : vector<16xf32>
      %slice3A_1702 = vector.extract_strided_slice %get3A_383 {offsets = [11], sizes = [1], strides = [1]} : vector<16xi32> to vector<1xi32>
      %squeeze3A_1703 = vector.extract %slice3A_1702[0] : i32 from vector<1xi32>
      %and3A_1704 = arith.constant 3 : i32
      %and3A_1705 = arith.andi %squeeze3A_1703, %and3A_1704 : i32
      %mul3A_1706 = arith.constant 32 : i32
      %mul3A_1707 = arith.muli %and3A_1705, %mul3A_1706 : i32
      %get3A_1708 = arith.constant 11 : i32
      %get3A_1709 = arith.index_cast %get3A_1708 : i32 to index
      %get3A_1710 = arith.index_cast %mul3A_1707 : i32 to index
      %get3A_1711 = tpu.vector_load %arg11[%get3A_1709, %get3A_1710] {strides = array<i32>} : memref<16x128xf32, #tpu.memory_space<vmem>>, vector<16xf32>,
      %mul3A_1712 = arith.mulf %get3A_1711, %select_n3A_1700 : vector<16xf32>
      %mul3A_1713 = arith.mulf %mul3A_1712, %get3A_355 : vector<16xf32>
      %add3A_1714 = arith.constant 16 : i32
      %add3A_1715 = arith.addi %mul3A_1707, %add3A_1714 : i32
      %get3A_1716 = arith.constant 11 : i32
      %get3A_1717 = arith.index_cast %get3A_1716 : i32 to index
      %get3A_1718 = arith.index_cast %add3A_1715 : i32 to index
      %get3A_1719 = tpu.vector_load %arg11[%get3A_1717, %get3A_1718] {strides = array<i32>} : memref<16x128xf32, #tpu.memory_space<vmem>>, vector<16xf32>,
      %mul3A_1720 = arith.mulf %get3A_1719, %select_n3A_1701 : vector<16xf32>
      %mul3A_1721 = arith.mulf %mul3A_1720, %get3A_357 : vector<16xf32>
      %add3A_1722 = arith.addf %mul3A_1713, %mul3A_1721 : vector<16xf32>
      %eq3A_1723 = arith.constant 11 : i32
      %eq3A_1724 = vector.broadcast %eq3A_1723 : i32 to vector<16xi32>
      %eq3A_1725 = arith.cmpi eq, %iota3A, %eq3A_1724 : vector<16xi32>
      %reduce_sum3A_1726 = arith.constant true
      %reduce_sum3A_1727 = vector.broadcast %reduce_sum3A_1726 : i1 to vector<16xi1>
      %reduce_sum3A_1728 = tpu.scan <sum>, %add3A_1722 masked %reduce_sum3A_1727 : vector<16xf32>, vector<16xi1> -> vector<16xf32>
      %reduce_sum3A_1729 = vector.extract %reduce_sum3A_1728[15] : f32 from vector<16xf32>
      %add3A_1730 = vector.broadcast %reduce_sum3A_1729 : f32 to vector<16xf32>
      %add3A_1731 = arith.addf %select_n3A_1676, %add3A_1730 : vector<16xf32>
      %select_n3A_1732 = arith.select %eq3A_1725, %add3A_1731, %select_n3A_1676 : vector<16xi1>, vector<16xf32>
      %slice3A_1733 = vector.extract_strided_slice %get3A_392 {offsets = [12], sizes = [1], strides = [1]} : vector<16xi32> to vector<1xi32>
      %squeeze3A_1734 = vector.extract %slice3A_1733[0] : i32 from vector<1xi32>
      %and3A_1735 = arith.constant 127 : i32
      %and3A_1736 = arith.andi %squeeze3A_1734, %and3A_1735 : i32
      %broadcast_in_dim3A_1737 = vector.broadcast %and3A_1736 : i32 to vector<16xi32>
      %broadcast_in_dim3A_1738 = arith.constant 12 : i32
      %broadcast_in_dim3A_1739 = vector.broadcast %broadcast_in_dim3A_1738 : i32 to vector<16xi32>
      %gather3A_1740 = tpu.vector_load_idx %arg12[%broadcast_in_dim3A_1739, %shift_right_arithmetic3A_361, %and3A_363, %broadcast_in_dim3A_1737] : memref<16x4x8x128xf32, #tpu.memory_space<vmem>>[vector<16xi32>, vector<16xi32>, vector<16xi32>, vector<16xi32>], vector<16xf32>,
      %gather3A_1741 = tpu.vector_load_idx %arg12[%broadcast_in_dim3A_1739, %add3A_366, %and3A_363, %broadcast_in_dim3A_1737] : memref<16x4x8x128xf32, #tpu.memory_space<vmem>>[vector<16xi32>, vector<16xi32>, vector<16xi32>, vector<16xi32>], vector<16xf32>,
      %sub3A_1742 = arith.constant 999936 : i32
      %sub3A_1743 = arith.subi %squeeze3A_1734, %sub3A_1742 : i32
      %jit3A_1744 = arith.constant 0 : i32
      %jit3A_1745 = arith.constant 63 : i32
      %max3A_1746 = arith.maxsi %jit3A_1744, %sub3A_1743 : i32
      %min3A_1747 = arith.minsi %jit3A_1745, %max3A_1746 : i32
      %broadcast_in_dim3A_1748 = vector.broadcast %min3A_1747 : i32 to vector<16xi32>
      %gather3A_1749 = tpu.vector_load_idx %arg13[%broadcast_in_dim3A_1748, %iota3A] : memref<64x32xf32, #tpu.memory_space<vmem>>[vector<16xi32>, vector<16xi32>], vector<16xf32>,
      %add3A_1750 = arith.constant 16 : i32
      %add3A_1751 = vector.broadcast %add3A_1750 : i32 to vector<16xi32>
      %add3A_1752 = arith.addi %iota3A, %add3A_1751 : vector<16xi32>
      %gather3A_1753 = tpu.vector_load_idx %arg13[%broadcast_in_dim3A_1748, %add3A_1752] : memref<64x32xf32, #tpu.memory_space<vmem>>[vector<16xi32>, vector<16xi32>], vector<16xf32>,
      %ge3A_1754 = arith.constant 999936 : i32
      %ge3A_1755 = arith.cmpi sge, %squeeze3A_1734, %ge3A_1754 : i32
      %select_n3A_1756 = arith.select %ge3A_1755, %gather3A_1749, %gather3A_1740 : vector<16xf32>
      %select_n3A_1757 = arith.select %ge3A_1755, %gather3A_1753, %gather3A_1741 : vector<16xf32>
      %slice3A_1758 = vector.extract_strided_slice %get3A_383 {offsets = [12], sizes = [1], strides = [1]} : vector<16xi32> to vector<1xi32>
      %squeeze3A_1759 = vector.extract %slice3A_1758[0] : i32 from vector<1xi32>
      %and3A_1760 = arith.constant 3 : i32
      %and3A_1761 = arith.andi %squeeze3A_1759, %and3A_1760 : i32
      %mul3A_1762 = arith.constant 32 : i32
      %mul3A_1763 = arith.muli %and3A_1761, %mul3A_1762 : i32
      %get3A_1764 = arith.constant 12 : i32
      %get3A_1765 = arith.index_cast %get3A_1764 : i32 to index
      %get3A_1766 = arith.index_cast %mul3A_1763 : i32 to index
      %get3A_1767 = tpu.vector_load %arg11[%get3A_1765, %get3A_1766] {strides = array<i32>} : memref<16x128xf32, #tpu.memory_space<vmem>>, vector<16xf32>,
      %mul3A_1768 = arith.mulf %get3A_1767, %select_n3A_1756 : vector<16xf32>
      %mul3A_1769 = arith.mulf %mul3A_1768, %get3A_355 : vector<16xf32>
      %add3A_1770 = arith.constant 16 : i32
      %add3A_1771 = arith.addi %mul3A_1763, %add3A_1770 : i32
      %get3A_1772 = arith.constant 12 : i32
      %get3A_1773 = arith.index_cast %get3A_1772 : i32 to index
      %get3A_1774 = arith.index_cast %add3A_1771 : i32 to index
      %get3A_1775 = tpu.vector_load %arg11[%get3A_1773, %get3A_1774] {strides = array<i32>} : memref<16x128xf32, #tpu.memory_space<vmem>>, vector<16xf32>,
      %mul3A_1776 = arith.mulf %get3A_1775, %select_n3A_1757 : vector<16xf32>
      %mul3A_1777 = arith.mulf %mul3A_1776, %get3A_357 : vector<16xf32>
      %add3A_1778 = arith.addf %mul3A_1769, %mul3A_1777 : vector<16xf32>
      %eq3A_1779 = arith.constant 12 : i32
      %eq3A_1780 = vector.broadcast %eq3A_1779 : i32 to vector<16xi32>
      %eq3A_1781 = arith.cmpi eq, %iota3A, %eq3A_1780 : vector<16xi32>
      %reduce_sum3A_1782 = arith.constant true
      %reduce_sum3A_1783 = vector.broadcast %reduce_sum3A_1782 : i1 to vector<16xi1>
      %reduce_sum3A_1784 = tpu.scan <sum>, %add3A_1778 masked %reduce_sum3A_1783 : vector<16xf32>, vector<16xi1> -> vector<16xf32>
      %reduce_sum3A_1785 = vector.extract %reduce_sum3A_1784[15] : f32 from vector<16xf32>
      %add3A_1786 = vector.broadcast %reduce_sum3A_1785 : f32 to vector<16xf32>
      %add3A_1787 = arith.addf %select_n3A_1732, %add3A_1786 : vector<16xf32>
      %select_n3A_1788 = arith.select %eq3A_1781, %add3A_1787, %select_n3A_1732 : vector<16xi1>, vector<16xf32>
      %slice3A_1789 = vector.extract_strided_slice %get3A_392 {offsets = [13], sizes = [1], strides = [1]} : vector<16xi32> to vector<1xi32>
      %squeeze3A_1790 = vector.extract %slice3A_1789[0] : i32 from vector<1xi32>
      %and3A_1791 = arith.constant 127 : i32
      %and3A_1792 = arith.andi %squeeze3A_1790, %and3A_1791 : i32
      %broadcast_in_dim3A_1793 = vector.broadcast %and3A_1792 : i32 to vector<16xi32>
      %broadcast_in_dim3A_1794 = arith.constant 13 : i32
      %broadcast_in_dim3A_1795 = vector.broadcast %broadcast_in_dim3A_1794 : i32 to vector<16xi32>
      %gather3A_1796 = tpu.vector_load_idx %arg12[%broadcast_in_dim3A_1795, %shift_right_arithmetic3A_361, %and3A_363, %broadcast_in_dim3A_1793] : memref<16x4x8x128xf32, #tpu.memory_space<vmem>>[vector<16xi32>, vector<16xi32>, vector<16xi32>, vector<16xi32>], vector<16xf32>,
      %gather3A_1797 = tpu.vector_load_idx %arg12[%broadcast_in_dim3A_1795, %add3A_366, %and3A_363, %broadcast_in_dim3A_1793] : memref<16x4x8x128xf32, #tpu.memory_space<vmem>>[vector<16xi32>, vector<16xi32>, vector<16xi32>, vector<16xi32>], vector<16xf32>,
      %sub3A_1798 = arith.constant 999936 : i32
      %sub3A_1799 = arith.subi %squeeze3A_1790, %sub3A_1798 : i32
      %jit3A_1800 = arith.constant 0 : i32
      %jit3A_1801 = arith.constant 63 : i32
      %max3A_1802 = arith.maxsi %jit3A_1800, %sub3A_1799 : i32
      %min3A_1803 = arith.minsi %jit3A_1801, %max3A_1802 : i32
      %broadcast_in_dim3A_1804 = vector.broadcast %min3A_1803 : i32 to vector<16xi32>
      %gather3A_1805 = tpu.vector_load_idx %arg13[%broadcast_in_dim3A_1804, %iota3A] : memref<64x32xf32, #tpu.memory_space<vmem>>[vector<16xi32>, vector<16xi32>], vector<16xf32>,
      %add3A_1806 = arith.constant 16 : i32
      %add3A_1807 = vector.broadcast %add3A_1806 : i32 to vector<16xi32>
      %add3A_1808 = arith.addi %iota3A, %add3A_1807 : vector<16xi32>
      %gather3A_1809 = tpu.vector_load_idx %arg13[%broadcast_in_dim3A_1804, %add3A_1808] : memref<64x32xf32, #tpu.memory_space<vmem>>[vector<16xi32>, vector<16xi32>], vector<16xf32>,
      %ge3A_1810 = arith.constant 999936 : i32
      %ge3A_1811 = arith.cmpi sge, %squeeze3A_1790, %ge3A_1810 : i32
      %select_n3A_1812 = arith.select %ge3A_1811, %gather3A_1805, %gather3A_1796 : vector<16xf32>
      %select_n3A_1813 = arith.select %ge3A_1811, %gather3A_1809, %gather3A_1797 : vector<16xf32>
      %slice3A_1814 = vector.extract_strided_slice %get3A_383 {offsets = [13], sizes = [1], strides = [1]} : vector<16xi32> to vector<1xi32>
      %squeeze3A_1815 = vector.extract %slice3A_1814[0] : i32 from vector<1xi32>
      %and3A_1816 = arith.constant 3 : i32
      %and3A_1817 = arith.andi %squeeze3A_1815, %and3A_1816 : i32
      %mul3A_1818 = arith.constant 32 : i32
      %mul3A_1819 = arith.muli %and3A_1817, %mul3A_1818 : i32
      %get3A_1820 = arith.constant 13 : i32
      %get3A_1821 = arith.index_cast %get3A_1820 : i32 to index
      %get3A_1822 = arith.index_cast %mul3A_1819 : i32 to index
      %get3A_1823 = tpu.vector_load %arg11[%get3A_1821, %get3A_1822] {strides = array<i32>} : memref<16x128xf32, #tpu.memory_space<vmem>>, vector<16xf32>,
      %mul3A_1824 = arith.mulf %get3A_1823, %select_n3A_1812 : vector<16xf32>
      %mul3A_1825 = arith.mulf %mul3A_1824, %get3A_355 : vector<16xf32>
      %add3A_1826 = arith.constant 16 : i32
      %add3A_1827 = arith.addi %mul3A_1819, %add3A_1826 : i32
      %get3A_1828 = arith.constant 13 : i32
      %get3A_1829 = arith.index_cast %get3A_1828 : i32 to index
      %get3A_1830 = arith.index_cast %add3A_1827 : i32 to index
      %get3A_1831 = tpu.vector_load %arg11[%get3A_1829, %get3A_1830] {strides = array<i32>} : memref<16x128xf32, #tpu.memory_space<vmem>>, vector<16xf32>,
      %mul3A_1832 = arith.mulf %get3A_1831, %select_n3A_1813 : vector<16xf32>
      %mul3A_1833 = arith.mulf %mul3A_1832, %get3A_357 : vector<16xf32>
      %add3A_1834 = arith.addf %mul3A_1825, %mul3A_1833 : vector<16xf32>
      %eq3A_1835 = arith.constant 13 : i32
      %eq3A_1836 = vector.broadcast %eq3A_1835 : i32 to vector<16xi32>
      %eq3A_1837 = arith.cmpi eq, %iota3A, %eq3A_1836 : vector<16xi32>
      %reduce_sum3A_1838 = arith.constant true
      %reduce_sum3A_1839 = vector.broadcast %reduce_sum3A_1838 : i1 to vector<16xi1>
      %reduce_sum3A_1840 = tpu.scan <sum>, %add3A_1834 masked %reduce_sum3A_1839 : vector<16xf32>, vector<16xi1> -> vector<16xf32>
      %reduce_sum3A_1841 = vector.extract %reduce_sum3A_1840[15] : f32 from vector<16xf32>
      %add3A_1842 = vector.broadcast %reduce_sum3A_1841 : f32 to vector<16xf32>
      %add3A_1843 = arith.addf %select_n3A_1788, %add3A_1842 : vector<16xf32>
      %select_n3A_1844 = arith.select %eq3A_1837, %add3A_1843, %select_n3A_1788 : vector<16xi1>, vector<16xf32>
      %slice3A_1845 = vector.extract_strided_slice %get3A_392 {offsets = [14], sizes = [1], strides = [1]} : vector<16xi32> to vector<1xi32>
      %squeeze3A_1846 = vector.extract %slice3A_1845[0] : i32 from vector<1xi32>
      %and3A_1847 = arith.constant 127 : i32
      %and3A_1848 = arith.andi %squeeze3A_1846, %and3A_1847 : i32
      %broadcast_in_dim3A_1849 = vector.broadcast %and3A_1848 : i32 to vector<16xi32>
      %broadcast_in_dim3A_1850 = arith.constant 14 : i32
      %broadcast_in_dim3A_1851 = vector.broadcast %broadcast_in_dim3A_1850 : i32 to vector<16xi32>
      %gather3A_1852 = tpu.vector_load_idx %arg12[%broadcast_in_dim3A_1851, %shift_right_arithmetic3A_361, %and3A_363, %broadcast_in_dim3A_1849] : memref<16x4x8x128xf32, #tpu.memory_space<vmem>>[vector<16xi32>, vector<16xi32>, vector<16xi32>, vector<16xi32>], vector<16xf32>,
      %gather3A_1853 = tpu.vector_load_idx %arg12[%broadcast_in_dim3A_1851, %add3A_366, %and3A_363, %broadcast_in_dim3A_1849] : memref<16x4x8x128xf32, #tpu.memory_space<vmem>>[vector<16xi32>, vector<16xi32>, vector<16xi32>, vector<16xi32>], vector<16xf32>,
      %sub3A_1854 = arith.constant 999936 : i32
      %sub3A_1855 = arith.subi %squeeze3A_1846, %sub3A_1854 : i32
      %jit3A_1856 = arith.constant 0 : i32
      %jit3A_1857 = arith.constant 63 : i32
      %max3A_1858 = arith.maxsi %jit3A_1856, %sub3A_1855 : i32
      %min3A_1859 = arith.minsi %jit3A_1857, %max3A_1858 : i32
      %broadcast_in_dim3A_1860 = vector.broadcast %min3A_1859 : i32 to vector<16xi32>
      %gather3A_1861 = tpu.vector_load_idx %arg13[%broadcast_in_dim3A_1860, %iota3A] : memref<64x32xf32, #tpu.memory_space<vmem>>[vector<16xi32>, vector<16xi32>], vector<16xf32>,
      %add3A_1862 = arith.constant 16 : i32
      %add3A_1863 = vector.broadcast %add3A_1862 : i32 to vector<16xi32>
      %add3A_1864 = arith.addi %iota3A, %add3A_1863 : vector<16xi32>
      %gather3A_1865 = tpu.vector_load_idx %arg13[%broadcast_in_dim3A_1860, %add3A_1864] : memref<64x32xf32, #tpu.memory_space<vmem>>[vector<16xi32>, vector<16xi32>], vector<16xf32>,
      %ge3A_1866 = arith.constant 999936 : i32
      %ge3A_1867 = arith.cmpi sge, %squeeze3A_1846, %ge3A_1866 : i32
      %select_n3A_1868 = arith.select %ge3A_1867, %gather3A_1861, %gather3A_1852 : vector<16xf32>
      %select_n3A_1869 = arith.select %ge3A_1867, %gather3A_1865, %gather3A_1853 : vector<16xf32>
      %slice3A_1870 = vector.extract_strided_slice %get3A_383 {offsets = [14], sizes = [1], strides = [1]} : vector<16xi32> to vector<1xi32>
      %squeeze3A_1871 = vector.extract %slice3A_1870[0] : i32 from vector<1xi32>
      %and3A_1872 = arith.constant 3 : i32
      %and3A_1873 = arith.andi %squeeze3A_1871, %and3A_1872 : i32
      %mul3A_1874 = arith.constant 32 : i32
      %mul3A_1875 = arith.muli %and3A_1873, %mul3A_1874 : i32
      %get3A_1876 = arith.constant 14 : i32
      %get3A_1877 = arith.index_cast %get3A_1876 : i32 to index
      %get3A_1878 = arith.index_cast %mul3A_1875 : i32 to index
      %get3A_1879 = tpu.vector_load %arg11[%get3A_1877, %get3A_1878] {strides = array<i32>} : memref<16x128xf32, #tpu.memory_space<vmem>>, vector<16xf32>,
      %mul3A_1880 = arith.mulf %get3A_1879, %select_n3A_1868 : vector<16xf32>
      %mul3A_1881 = arith.mulf %mul3A_1880, %get3A_355 : vector<16xf32>
      %add3A_1882 = arith.constant 16 : i32
      %add3A_1883 = arith.addi %mul3A_1875, %add3A_1882 : i32
      %get3A_1884 = arith.constant 14 : i32
      %get3A_1885 = arith.index_cast %get3A_1884 : i32 to index
      %get3A_1886 = arith.index_cast %add3A_1883 : i32 to index
      %get3A_1887 = tpu.vector_load %arg11[%get3A_1885, %get3A_1886] {strides = array<i32>} : memref<16x128xf32, #tpu.memory_space<vmem>>, vector<16xf32>,
      %mul3A_1888 = arith.mulf %get3A_1887, %select_n3A_1869 : vector<16xf32>
      %mul3A_1889 = arith.mulf %mul3A_1888, %get3A_357 : vector<16xf32>
      %add3A_1890 = arith.addf %mul3A_1881, %mul3A_1889 : vector<16xf32>
      %eq3A_1891 = arith.constant 14 : i32
      %eq3A_1892 = vector.broadcast %eq3A_1891 : i32 to vector<16xi32>
      %eq3A_1893 = arith.cmpi eq, %iota3A, %eq3A_1892 : vector<16xi32>
      %reduce_sum3A_1894 = arith.constant true
      %reduce_sum3A_1895 = vector.broadcast %reduce_sum3A_1894 : i1 to vector<16xi1>
      %reduce_sum3A_1896 = tpu.scan <sum>, %add3A_1890 masked %reduce_sum3A_1895 : vector<16xf32>, vector<16xi1> -> vector<16xf32>
      %reduce_sum3A_1897 = vector.extract %reduce_sum3A_1896[15] : f32 from vector<16xf32>
      %add3A_1898 = vector.broadcast %reduce_sum3A_1897 : f32 to vector<16xf32>
      %add3A_1899 = arith.addf %select_n3A_1844, %add3A_1898 : vector<16xf32>
      %select_n3A_1900 = arith.select %eq3A_1893, %add3A_1899, %select_n3A_1844 : vector<16xi1>, vector<16xf32>
      %slice3A_1901 = vector.extract_strided_slice %get3A_392 {offsets = [15], sizes = [1], strides = [1]} : vector<16xi32> to vector<1xi32>
      %squeeze3A_1902 = vector.extract %slice3A_1901[0] : i32 from vector<1xi32>
      %and3A_1903 = arith.constant 127 : i32
      %and3A_1904 = arith.andi %squeeze3A_1902, %and3A_1903 : i32
      %broadcast_in_dim3A_1905 = vector.broadcast %and3A_1904 : i32 to vector<16xi32>
      %broadcast_in_dim3A_1906 = arith.constant 15 : i32
      %broadcast_in_dim3A_1907 = vector.broadcast %broadcast_in_dim3A_1906 : i32 to vector<16xi32>
      %gather3A_1908 = tpu.vector_load_idx %arg12[%broadcast_in_dim3A_1907, %shift_right_arithmetic3A_361, %and3A_363, %broadcast_in_dim3A_1905] : memref<16x4x8x128xf32, #tpu.memory_space<vmem>>[vector<16xi32>, vector<16xi32>, vector<16xi32>, vector<16xi32>], vector<16xf32>,
      %gather3A_1909 = tpu.vector_load_idx %arg12[%broadcast_in_dim3A_1907, %add3A_366, %and3A_363, %broadcast_in_dim3A_1905] : memref<16x4x8x128xf32, #tpu.memory_space<vmem>>[vector<16xi32>, vector<16xi32>, vector<16xi32>, vector<16xi32>], vector<16xf32>,
      %sub3A_1910 = arith.constant 999936 : i32
      %sub3A_1911 = arith.subi %squeeze3A_1902, %sub3A_1910 : i32
      %jit3A_1912 = arith.constant 0 : i32
      %jit3A_1913 = arith.constant 63 : i32
      %max3A_1914 = arith.maxsi %jit3A_1912, %sub3A_1911 : i32
      %min3A_1915 = arith.minsi %jit3A_1913, %max3A_1914 : i32
      %broadcast_in_dim3A_1916 = vector.broadcast %min3A_1915 : i32 to vector<16xi32>
      %gather3A_1917 = tpu.vector_load_idx %arg13[%broadcast_in_dim3A_1916, %iota3A] : memref<64x32xf32, #tpu.memory_space<vmem>>[vector<16xi32>, vector<16xi32>], vector<16xf32>,
      %add3A_1918 = arith.constant 16 : i32
      %add3A_1919 = vector.broadcast %add3A_1918 : i32 to vector<16xi32>
      %add3A_1920 = arith.addi %iota3A, %add3A_1919 : vector<16xi32>
      %gather3A_1921 = tpu.vector_load_idx %arg13[%broadcast_in_dim3A_1916, %add3A_1920] : memref<64x32xf32, #tpu.memory_space<vmem>>[vector<16xi32>, vector<16xi32>], vector<16xf32>,
      %ge3A_1922 = arith.constant 999936 : i32
      %ge3A_1923 = arith.cmpi sge, %squeeze3A_1902, %ge3A_1922 : i32
      %select_n3A_1924 = arith.select %ge3A_1923, %gather3A_1917, %gather3A_1908 : vector<16xf32>
      %select_n3A_1925 = arith.select %ge3A_1923, %gather3A_1921, %gather3A_1909 : vector<16xf32>
      %slice3A_1926 = vector.extract_strided_slice %get3A_383 {offsets = [15], sizes = [1], strides = [1]} : vector<16xi32> to vector<1xi32>
      %squeeze3A_1927 = vector.extract %slice3A_1926[0] : i32 from vector<1xi32>
      %and3A_1928 = arith.constant 3 : i32
      %and3A_1929 = arith.andi %squeeze3A_1927, %and3A_1928 : i32
      %mul3A_1930 = arith.constant 32 : i32
      %mul3A_1931 = arith.muli %and3A_1929, %mul3A_1930 : i32
      %get3A_1932 = arith.constant 15 : i32
      %get3A_1933 = arith.index_cast %get3A_1932 : i32 to index
      %get3A_1934 = arith.index_cast %mul3A_1931 : i32 to index
      %get3A_1935 = tpu.vector_load %arg11[%get3A_1933, %get3A_1934] {strides = array<i32>} : memref<16x128xf32, #tpu.memory_space<vmem>>, vector<16xf32>,
      %mul3A_1936 = arith.mulf %get3A_1935, %select_n3A_1924 : vector<16xf32>
      %mul3A_1937 = arith.mulf %mul3A_1936, %get3A_355 : vector<16xf32>
      %add3A_1938 = arith.constant 16 : i32
      %add3A_1939 = arith.addi %mul3A_1931, %add3A_1938 : i32
      %get3A_1940 = arith.constant 15 : i32
      %get3A_1941 = arith.index_cast %get3A_1940 : i32 to index
      %get3A_1942 = arith.index_cast %add3A_1939 : i32 to index
      %get3A_1943 = tpu.vector_load %arg11[%get3A_1941, %get3A_1942] {strides = array<i32>} : memref<16x128xf32, #tpu.memory_space<vmem>>, vector<16xf32>,
      %mul3A_1944 = arith.mulf %get3A_1943, %select_n3A_1925 : vector<16xf32>
      %mul3A_1945 = arith.mulf %mul3A_1944, %get3A_357 : vector<16xf32>
      %add3A_1946 = arith.addf %mul3A_1937, %mul3A_1945 : vector<16xf32>
      %eq3A_1947 = arith.constant 15 : i32
      %eq3A_1948 = vector.broadcast %eq3A_1947 : i32 to vector<16xi32>
      %eq3A_1949 = arith.cmpi eq, %iota3A, %eq3A_1948 : vector<16xi32>
      %reduce_sum3A_1950 = arith.constant true
      %reduce_sum3A_1951 = vector.broadcast %reduce_sum3A_1950 : i1 to vector<16xi1>
      %reduce_sum3A_1952 = tpu.scan <sum>, %add3A_1946 masked %reduce_sum3A_1951 : vector<16xf32>, vector<16xi1> -> vector<16xf32>
      %reduce_sum3A_1953 = vector.extract %reduce_sum3A_1952[15] : f32 from vector<16xf32>
      %add3A_1954 = vector.broadcast %reduce_sum3A_1953 : f32 to vector<16xf32>
      %add3A_1955 = arith.addf %select_n3A_1900, %add3A_1954 : vector<16xf32>
      %select_n3A_1956 = arith.select %eq3A_1949, %add3A_1955, %select_n3A_1900 : vector<16xi1>, vector<16xf32>
      %neg3A = arith.constant 0.000000e+00 : f32
      %neg3A_1957 = vector.broadcast %neg3A : f32 to vector<16xf32>
      %neg3A_1958 = arith.subf %neg3A_1957, %select_n3A_1956 : vector<16xf32>
      %exp3A = math.exp %neg3A_1958 : vector<16xf32>
      %add3A_1959 = arith.constant 1.000000e+00 : f32
      %add3A_1960 = vector.broadcast %add3A_1959 : f32 to vector<16xf32>
      %add3A_1961 = arith.addf %add3A_1960, %exp3A : vector<16xf32>
      %div3A = arith.constant 1.000000e+00 : f32
      %div3A_1962 = vector.broadcast %div3A : f32 to vector<16xf32>
      %div3A_1963 = arith.divf %div3A_1962, %add3A_1961 : vector<16xf32>
      %mul3A_1964 = arith.constant 16 : i32
      %mul3A_1965 = arith.muli %scan3A_374, %mul3A_1964 : i32
      %swap3A_1966 = arith.index_cast %mul3A_1965 : i32 to index
      %swap3A_1967 = tpu.vector_load %arg15[%swap3A_1966] {strides = array<i32>} : memref<512xf32, #tpu.memory_space<vmem>>, vector<16xf32>,
      tpu.vector_store %arg15[%swap3A_1966], %div3A_1963 {strides = array<i32>} : memref<512xf32, #tpu.memory_space<vmem>>, vector<16xf32>,
    }
    %scan3A_371 = arith.constant 32 : i32
    %mul3A_372 = arith.constant 512 : i32
    %mul3A_373 = arith.muli %add3A, %mul3A_372 : i32
    "tpu.region"() ({
      %run_scoped3A = tpu.sem_alloc : memref<!tpu.dma_semaphore, #tpu.memory_space<semaphore_mem>>
      %dma_start3A = tpu.memref_slice %arg8[%mul3A_373] : memref<16384xf32, #tpu.memory_space<hbm>> -> memref<512xf32, #tpu.memory_space<hbm>>
      %dma_start3A_374 = tpu.memref_slice %arg8[%mul3A_373] : memref<16384xf32, #tpu.memory_space<hbm>> -> memref<512xf32, #tpu.memory_space<hbm>>
      tpu.enqueue_dma source(%arg15 : memref<512xf32, #tpu.memory_space<vmem>>) target(%dma_start3A_374 : memref<512xf32, #tpu.memory_space<hbm>>) target_semaphore(%run_scoped3A : memref<!tpu.dma_semaphore, #tpu.memory_space<semaphore_mem>>)
      %dma_wait3A = tpu.memref_slice %arg8[%mul3A_373] : memref<16384xf32, #tpu.memory_space<hbm>> -> memref<512xf32, #tpu.memory_space<hbm>>
      %dma_wait3A_375 = tpu.memref_slice %arg8[%mul3A_373] : memref<16384xf32, #tpu.memory_space<hbm>> -> memref<512xf32, #tpu.memory_space<hbm>>
      tpu.wait_dma2 semaphore(%run_scoped3A : memref<!tpu.dma_semaphore, #tpu.memory_space<semaphore_mem>>) src(%arg15 : memref<512xf32, #tpu.memory_space<vmem>>) dst(%dma_wait3A_375 : memref<512xf32, #tpu.memory_space<hbm>>)
      tpu.yield
    }) : () -> ()
    return
  }
}

</mosaic_0001>

<sc_bundles>
// kernel: kernel.3.cloned.1.call-start
scs
__scs_entry_jumppad:
0x0: {  	(pc) =	sbr.rel $0x88, $3  }
0x1: {  	(tag) =	ssettag $0x0;
	lr =	simm.s32 $0x1  }
0x2: {  	[smem:$0x3F9B] =	sst lr;
	_ =	strace $0xD0000000  }
0x3: {  	_ = 	snop  }
0x4: {  	_ = 	snop  }
0x5: {  	_ = 	snop  }
0x6: {  	_ = 	snop  }
0x7: {  	_ = 	snop  }
__scs_overlays_trampoline_lowered:
0x8: {  	[smem:$0x3FAA] =	sst s0  }
0x9: {  	[smem:$0x3FAB] =	sst s1  }
0xa: {  	[smem:$0x3FAC] =	sst s2  }
0xb: {  	[smem:$0x3FAD] =	sst s3  }
0xc: {  	[smem:$0x3FAE] =	sst s4  }
0xd: {  	[smem:$0x3FAF] =	sst s5  }
0xe: {  	[smem:$0x3FB0] =	sst s6  }
0xf: {  	[smem:$0x3FB1] =	sst s7  }
0x10: {  	[smem:$0x3FB2] =	sst s8  }
0x11: {  	[smem:$0x3FB3] =	sst s9;
	s0 =	simm.s32 @!p0 $0x0  }
0x12: {  	s1 =	sld [smem:$0x3F99];
	s0 =	simm.s32 @p0 $0x1  }
0x13: {  	[smem:$0x3FB4] =	sst s0;
	s0 =	simm.s32 @!p1 $0x0  }
0x14: {  	s2 =	sld [smem:$0x3F98];
	s0 =	simm.s32 @p1 $0x1  }
0x15: {  	[smem:$0x3FB5] =	sst s0;
	s0 =	simm.s32 @!p2 $0x0  }
0x16: {  	s3 =	sld [smem:$0x3FDB];
	s0 =	simm.s32 @p2 $0x1  }
0x17: {  	s4 =	simm.s32 $0x1BF5;
	[smem:$0x3FB7] =	sst s0  }
0x18: {  	s0 =	sld [smem:$0x3F9A];
	_ =	swait.ge [sflag:s4], $0x0  }
0x19: {  	s7 =	sld [smem:$0x3F9B]  }
0x1a: {  	s8 =	sadd.s32 $0xFFFFE003, lr  }
0x1b: {  	s9 =	sadd.s32 $0xFFFFFEF7, lr;
	s5 =	simm.s32 $0xFFFFFFFF;
	p2 =	slt.u32 s8, $0xFFFFF086  }
0x1c: {  	p1 =	slt.u32 s9, $0xF7A;
	s5 =	simm.s32 @!p2 $0x0  }
0x1d: {  	s5 =	simm.s32 @p1 $0x1;
	p0 =	seq.s32 s7, s2  }
0x1e: {  	s7 =	smul.u32 @!p0 $0xF7A, s2;
	p2 =	seq.s32 @!p0 s5, $0x0  }
0x1f: {  	s9 =	smul.u32 $0xF7A, s1;
	s8 =	simm.s32 @!p0 $0x1BF5;
	p2 =	por !p2, p0  }
0x20: {  	[sflag:s8] =	ssyncset.s32 @!p0 $0xFFFFF086;
	s6 =	sadd.s32 @!p0 s3, s7;
	s7 =	simm.s32 @!p0 $0x108  }
0x21: {  	s3 =	sadd.s32 s3, s9;
	s6 =	sadd.s32 @!p0 $0x88, s6;
	s7 =	simm.s32 @p2 $0x1082  }
0x22: {  	[simem:s7], [sflag:s8] =	dma.local @!p0 [hbm:s6], $0xF7A  }
0x23: {  	s9 =	sor.u32 $0xD0000000, s2;
	s6 =	simm.s32 $0x108;
	_ =	swait.ge @!p0 [sflag:s8], $0x0  }
0x24: {  	s3 =	sadd.s32 $0x88, s3;
	s6 =	simm.s32 @!p1 $0x1082;
	[sflag:s4] =	ssyncset.s32 $0xFFFFF086  }
0x25: {  	[simem:s6], [sflag:s4] =	dma.local [hbm:s3], $0xF7A  }
0x26: {  	[smem:$0x3F9B] =	sst s1;
	(tag) =	ssettag s2;
	_ =	strace s9  }
0x27: {  	s1 =	sld [smem:$0x3FAB]  }
0x28: {  	s2 =	sld [smem:$0x3FAC]  }
0x29: {  	s4 =	sld [smem:$0x3FAE]  }
0x2a: {  	p0 =	seq.s32 s5, $0x0;
	s5 =	sld [smem:$0x3FAF]  }
0x2b: {  	s6 =	sld [smem:$0x3FB0]  }
0x2c: {  	s7 =	sld [smem:$0x3FB1]  }
0x2d: {  	s3 =	simm.s32 $0x108;
	s8 =	sld [smem:$0x3FB2]  }
0x2e: {  	s3 =	simm.s32 @!p0 $0x1082;
	s9 =	sld [smem:$0x3FB3]  }
0x2f: {  	lr =	sadd.s32 s0, s3;
	s0 =	sld [smem:$0x3FAA]  }
0x30: {  	s3 =	sld [smem:$0x3FAD]  }
0x31: {  	[smem:$0x3FB6] =	sst s10  }
0x32: {  	s10 =	sld [smem:$0x3FB4];
	_ =	sdelay $0x3  }
0x33: {  	p0 =	seq.s32 s10, $0x1;
	s10 =	sld [smem:$0x3FB6];
	_ =	sdelay $0x3  }
0x34: {  	[smem:$0x3FB6] =	sst s10  }
0x35: {  	s10 =	sld [smem:$0x3FB5];
	_ =	sdelay $0x3  }
0x36: {  	p1 =	seq.s32 s10, $0x1;
	s10 =	sld [smem:$0x3FB6];
	_ =	sdelay $0x3  }
0x37: {  	[smem:$0x3FB6] =	sst s10  }
0x38: {  	s10 =	sld [smem:$0x3FB7]  }
0x39: {  	_ = 	snop;
	(pc) =	sbr.ind lr, $3  }
0x3a: {  	_ = 	snop  }
0x3b: {  	_ = 	snop  }
0x3c: {  	p2 =	seq.s32 s10, $0x1;
	s10 =	sld [smem:$0x3FB6]  }
0x3d: {  	_ =	shalt  }
0x3e: {  	_ =	shalt  }
0x3f: {  	_ =	shalt  }
0x40: {  	_ =	shalt  }
0x41: {  	_ =	shalt  }
0x42: {  	_ =	shalt  }
0x43: {  	_ =	shalt  }
0x44: {  	_ =	shalt  }
0x45: {  	_ =	shalt  }
0x46: {  	_ =	shalt  }
0x47: {  	_ =	shalt  }
0x48: {  	_ =	shalt  }
0x49: {  	_ =	shalt  }
0x4a: {  	_ =	shalt  }
0x4b: {  	_ =	shalt  }
0x4c: {  	_ =	shalt  }
0x4d: {  	_ =	shalt  }
0x4e: {  	_ =	shalt  }
0x4f: {  	_ =	shalt  }
0x50: {  	_ =	shalt  }
0x51: {  	_ =	shalt  }
0x52: {  	_ =	shalt  }
0x53: {  	_ =	shalt  }
0x54: {  	_ =	shalt  }
0x55: {  	_ =	shalt  }
0x56: {  	_ =	shalt  }
0x57: {  	_ =	shalt  }
0x58: {  	_ =	shalt  }
0x59: {  	_ =	shalt  }
0x5a: {  	_ =	shalt  }
0x5b: {  	_ =	shalt  }
0x5c: {  	_ =	shalt  }
0x5d: {  	_ =	shalt  }
0x5e: {  	_ =	shalt  }
0x5f: {  	_ =	shalt  }
0x60: {  	_ =	shalt  }
0x61: {  	_ =	shalt  }
0x62: {  	_ =	shalt  }
0x63: {  	_ =	shalt  }
0x64: {  	_ =	shalt  }
0x65: {  	_ =	shalt  }
0x66: {  	_ =	shalt  }
0x67: {  	_ =	shalt  }
0x68: {  	_ =	shalt  }
0x69: {  	_ =	shalt  }
0x6a: {  	_ =	shalt  }
0x6b: {  	_ =	shalt  }
0x6c: {  	_ =	shalt  }
0x6d: {  	_ =	shalt  }
0x6e: {  	_ =	shalt  }
0x6f: {  	_ =	shalt  }
0x70: {  	_ =	shalt  }
0x71: {  	_ =	shalt  }
0x72: {  	_ =	shalt  }
0x73: {  	_ =	shalt  }
0x74: {  	_ =	shalt  }
0x75: {  	_ =	shalt  }
0x76: {  	_ =	shalt  }
0x77: {  	_ =	shalt  }
0x78: {  	_ =	shalt  }
0x79: {  	_ =	shalt  }
0x7a: {  	_ =	shalt  }
0x7b: {  	_ =	shalt  }
0x7c: {  	_ =	shalt  }
0x7d: {  	_ =	shalt  }
0x7e: {  	_ =	shalt  }
0x7f: {  	_ =	shalt  }
0x80: {  	_ =	shalt  }
0x81: {  	_ =	shalt  }
0x82: {  	_ =	shalt  }
0x83: {  	_ =	shalt  }
0x84: {  	_ =	shalt  }
0x85: {  	_ =	shalt  }
0x86: {  	_ =	shalt  }
0x87: {  	_ =	shalt  }
.Lfunc_end0:
.L_simem_size_0:
called_computation_lowered:
.L_overlay_start_0:
0x88: {  	s2 =	sld [smem:$0x3FD9]  }
0x89: {  	s3 =	sld [smem:$0x3FFE];
	_ =	sdelay $0x1  }
0x8a: {  	s1 =	srdreg.scid  }
0x8b: {  	s0 =	sand.u32 $0x1, s1  }
0x8c: {  	s17 =	sshll.u32 s0, $0xA;
	s2 =	sadd.s32 s3, s2  }
0x8d: {  	s2 =	sadd.s32 s2, s17  }
0x8e: {  	[smem:$0x3FC2] =	sst s2  }
0x8f: {  	_ = 	snop  }
0x90: {  	s2 =	sld [smem:$0x3FC9]  }
0x91: {  	s18 =	sld [smem:$0x3FC8]  }
0x92: {  	s4 =	sld [smem:$0x3FC6]  }
0x93: {  	s5 =	sld [smem:$0x3FD0];
	(tm) =	ssettm $0x1  }
0x94: {  	s6 =	sld [smem:$0x3FFB];
	_ =	sdelay $0x3  }
0x95: {  	_ =	strace s6  }
0x96: {  	s6 =	sld [smem:$0x3FFC];
	_ =	sdelay $0x3  }
0x97: {  	_ =	strace s6  }
0x98: {  	s6 =	sld [smem:$0x3FFD];
	_ =	sdelay $0x3  }
0x99: {  	_ =	strace s6  }
0x9a: {  	_ =	strace $0x8FFFFFFF  }
0x9b: {  	s19 =	sld [smem:$0x3FDB];
	_ =	sdelay $0x1  }
0x9c: {  	s7 =	simm.s32 $_scs_section_size  }
0x9d: {  	s8 =	simm.s32 $_size__tile_overlayer_lowered;
	s9 =	simm.s32 $_tile_overlayer_lowered  }
0x9e: {  	s22 =	simm.s32 $0x1BFF;
	s21 =	sshll.u32 s9, $0x1;
	s6 =	sadd.s32 s7, s19  }
0x9f: {  	s10 =	simm.s32 $0x0;
	s20 =	sshll.u32 s8, $0x1;
	s8 =	sadd.s32 s21, s6  }
0xa0: {  	[timem:s10], [sflag:s22] =	dma.local [hbm:s8], s20  }
0xa1: {  	_ =	swait.ge [sflag:s22], s20  }
0xa2: {  	s7 =	ssub.s32 $0x0, s20;
	[sflag:s22] =	ssyncset.done $0x0  }
0xa3: {  	[sflag:s22] =	ssyncadd.s32 s7;
	_ =	sdelay $0x1  }
0xa4: {  	s23 =	simm.s32 $0x1B8B  }
0xa5: {  	_ =	swait.ge [sflag:s23], $0x1  }
0xa6: {  	[sflag:s23] =	ssyncset.done $0x0  }
0xa7: {  	s25 =	simm.s32 $0x1B8E;
	s24 =	sld [smem:$0x3FFE];
	[sflag:s23] =	ssyncadd.s32 $0xFFFFFFFF  }
0xa8: {  	s26 =	simm.s32 $execute0_lowered;
	[smem:$0x3FD2] =	sst s25  }
0xa9: {  	s8 =	sshll.u32 s26, $0x1;
	_ =	strace $0x80000046;
	[dreg:$0x1] =	wrdreg $0xFFFFFFFF  }
0xaa: {  	s28 =	simm.s32 $_size_execute0_lowered;
	s6 =	sadd.s32 s6, s8;
	[dreg:$0x0] =	wrdreg $0x0  }
0xab: {  	s8 =	sshll.u32 s28, $0x1;
	[dreg:$0x2] =	wrdreg s6  }
0xac: {  	[dreg:$0x3] =	wrdreg s8  }
0xad: {  	[dreg:$0x4] =	wrdreg $0xC0  }
0xae: {  	_ =	task [dreg:s10], $0x5FFFF  }
0xaf: {  	[dreg:$0x1] =	wrdreg $0xFFFFFFFF  }
0xb0: {  	[dreg:$0x0] =	wrdreg $0x60  }
0xb1: {  	[dreg:$0x2] =	wrdreg s2  }
0xb2: {  	[dreg:$0x3] =	wrdreg s18  }
0xb3: {  	[dreg:$0x4] =	wrdreg s24  }
0xb4: {  	[dreg:$0x5] =	wrdreg s4  }
0xb5: {  	[dreg:$0x6] =	wrdreg s5  }
0xb6: {  	[dreg:$0x7] =	wrdreg $0x9  }
0xb7: {  	_ =	task.clear_ibuf [dreg:s10], $0x8FFFF;
	_ =	strace $0x90000046  }
0xb8: {  	s29 =	simm.s32 $0x9;
	_ =	strace $0x80000048  }
0xb9: {  	_ =	swait.ge [sflag:s29], $0x1  }
0xba: {  	[sflag:s29] =	ssyncadd.s32 $0xFFFFFFFF  }
0xbb: {  	_ =	strace $0x90000048  }
0xbc: {  	_ =	sfence  }
0xbd: {  	s30 =	sld [smem:$0x0];
	_ =	sdelay $0x2  }
0xbe: {  	s31 =	sshll.u32 s1, $0xD;
	s1 =	sshrl.u32 s1, $0x2  }
0xbf: {  	s3 =	sand.u32 $0x4000, s31;
	s1 =	sadd.s32 s1, s30  }
0xc0: {  	s0 =	sor.u32 s3, s0;
	s1 =	sshll.u32 s1, $0x11  }
0xc1: {  	s0 =	sor.u32 s1, s0  }
0xc2: {  	s0 =	sadd.s32 $0x8F2B, s0  }
0xc3: {  	[sflag:s0] =	ssyncadd.remote.s32 $0x1  }
0xc4: {  	_ =	sfence.sel $0xFFFF  }
0xc5: {  	[dreg:$0x0] =	wrdreg $0xFFFFFFFF;
	(pc) =	sbr.abs _section_cstart, $3  }
0xc6: {  	[dreg:$0x1] =	wrdreg $0xFFFFFFFF  }
0xc7: {  	_ =	task.clear_ibuf [dreg:s10], $0x2FFFF;
	_ =	strace $0x9FFFFFFF  }
0xc8: {  	(tm) =	ssettm $0x7FFFFFFF  }
0xc9: {  	_ =	shalt  }
tec
execute0_lowered:
.L_overlay_start_1:
0x0: {  	(tag) =	ssettag $0x1  }
0x1: {  	s0 =	rddreg [dreg:$0x0]  }
0x2: {  	s3 =	rddreg [dreg:$0x1]  }
0x3: {  	s4 =	rddreg [dreg:$0x2]  }
0x4: {  	s1 =	rddreg [dreg:$0x3]  }
0x5: {  	s5 =	rddreg [dreg:$0x4];
	s2 =	simm.s32 $0x0;
	v28 =	vlaneseq.u32  }
0x6: {  	[smem:$0x7FF] =	sst s2;
	s7 =	sadd.s32 $0x187400, s4;
	v8 =	vmul.u32 $0x80, v28  }
0x7: {  	s8 =	sadd.s32 $0xA00, s4;
	_ =	strace $0x80000047;
	[dreg:$0x6] =	wrdreg s7  }
0x8: {  	s4 =	sadd.s32 $0xE00, s4;
	[dreg:$0x16] =	wrdreg s8;
	v1 =	vor.u32 $0xC000, v8;
	[tilespmem:$0x1FEC0] =	vst v8  }
0x9: {  	s14 =	simm.s32 $0x1C00;
	[dreg:$0x17] =	wrdreg s4;
	v9 =	vor.u32 $0x800, v8;
	[tilespmem:$0x1FEA0] =	vst v1  }
0xa: {  	s15 =	simm.s32 $0x2C00;
	[dreg:$0x7] =	wrdreg s14;
	v10 =	vor.u32 $0x1000, v8;
	[tilespmem:$0x1FED0] =	vst v9  }
0xb: {  	s16 =	simm.s32 $0x3C00;
	[dreg:$0x8] =	wrdreg s15;
	v0 =	vor.u32 $0x1800, v8;
	[tilespmem:$0x1FEE0] =	vst v10  }
0xc: {  	s17 =	simm.s32 $0x4C00;
	[dreg:$0x9] =	wrdreg s16;
	v15 =	vor.u32 $0x3000, v8;
	[tilespmem:$0x1FEF0] =	vst v0  }
0xd: {  	s18 =	simm.s32 $0x5C00;
	[dreg:$0xa] =	wrdreg s17;
	v16 =	vor.u32 $0x3800, v8;
	[tilespmem:$0x1FF00] =	vst v15  }
0xe: {  	vm0 =	vmmov $0xffff;
	s19 =	simm.s32 $0x6C00;
	[dreg:$0xb] =	wrdreg s18;
	v13 =	vor.u32 $0x2800, v8;
	[tilespmem:$0x1FF10] =	vst v16  }
0xf: {  	s6 =	srdreg.scid;
	vm1 =	vmmov $0x1;
	vm2 =	vcmask $0xF0C;
	s21 =	simm.s32 $0x7C00;
	[dreg:$0xc] =	wrdreg s19;
	v12 =	vor.u32 $0x2000, v8;
	[tilespmem:$0x1FF20] =	vst v13  }
0x10: {  	s13 =	stileid.u32;
	vm3 =	vcmask $0x714;
	vm7 =	vcmask $0x1724;
	s22 =	simm.s32 $0x8C00;
	[dreg:$0xd] =	wrdreg s21;
	v19 =	vor.u32 $0x4800, v8;
	[tilespmem:$0x1FF30] =	vst v12  }
0x11: {  	s24 =	simm.s32 $0x9C00;
	s10 =	simm.s32 $0x3;
	vm11 =	vcmask $0x2734;
	vm15 =	vmmov $0x3fff;
	[dreg:$0xe] =	wrdreg s22;
	v21 =	vor.u32 $0x5800, v8;
	[tilespmem:$0x1FF40] =	vst v19  }
0x12: {  	s25 =	simm.s32 $0xAC00;
	s26 =	simm.s32 $0xBC00;
	vm6 =	vcmask $0xF18;
	vm8 =	vcmask $0x131C;
	[dreg:$0xf] =	wrdreg s24;
	v18 =	vor.u32 $0x4000, v8;
	[tilespmem:$0x1FF50] =	vst v21  }
0x13: {  	s28 =	simm.s32 $0xCC00;
	s29 =	simm.s32 $0xDC00;
	vm9 =	vcmask $0x1B24;
	vm10 =	vcmask $0x1F28;
	[dreg:$0x10] =	wrdreg s25;
	v25 =	vor.u32 $0x7800, v8;
	[tilespmem:$0x1FF60] =	vst v18  }
0x14: {  	s30 =	simm.s32 $0xEC00;
	vm12 =	vcmask $0x232C;
	vm13 =	vcmask $0x2B34;
	s6 =	sand.u32 $0x1, s6;
	[dreg:$0x11] =	wrdreg s26;
	v27 =	vor.u32 $0x8800, v8;
	[tilespmem:$0x1FF70] =	vst v25  }
0x15: {  	s31 =	simm.s32 $0xFC00;
	vm14 =	vcmask $0x2F38;
	vm4 =	vcmask $0x333C;
	s11 =	ssub.s32 $0x2, s6;
	[dreg:$0x12] =	wrdreg s28;
	v20 =	vor.u32 $0x5000, v8;
	[tilespmem:$0x1FF80] =	vst v27  }
0x16: {  	vm3 =	vmor vm3, vm2;
	vm2 =	vcmask $0x1F1C;
	s8 =	sshll.u32 s13, $0x7;
	s6 =	sshll.u32 s6, $0x6;
	[dreg:$0x13] =	wrdreg s29;
	v22 =	vor.u32 $0x6000, v8;
	[tilespmem:$0x1FF90] =	vst v20  }
0x17: {  	v3 =	vor.u32 $0x10, v28;
	vm7 =	vmor vm7, vm2;
	s14 =	simm.s32 $0x400;
	s15 =	simm.s32 $0x7A1400;
	[dreg:$0x14] =	wrdreg s30;
	v24 =	vor.u32 $0x7000, v8;
	[tilespmem:$0x1FFA0] =	vst v22  }
0x18: {  	vm2 =	vcmask $0x2F2C;
	s16 =	simm.s32 $0xC00;
	[dreg:$0x15] =	wrdreg s31;
	s9 =	sor.u32 s6, s8;
	v53 =	vor.u32 $0x6800, v8;
	v44 =	vor.u32 $0xE000, v8;
	[tilespmem:$0x1FFB0] =	vst v24  }
0x19: {  	s17 =	simm.s32 $0x1;
	s12 =	sshrl.u32 s11, $0x1;
	v26 =	vor.u32 $0x8000, v8;
	v29 =	vor.u32 $0x9000, v8;
	v50 =	vor.u32 $0xE800, v8;
	s0 =	sadd.s32 s0, s9;
	[tilespmem:$0x1FFC0] =	vst v44  }
0x1a: {  	s20 =	sadd.s32 s5, s6;
	v30 =	vor.u32 $0x9800, v8;
	v31 =	vor.u32 $0xA000, v8;
	v40 =	vor.u32 $0xF000, v8;
	s3 =	sadd.s32 s3, s9;
	[tilespmem:$0x1FFD0] =	vst v50;
	[dreg:$0x18] =	wrdreg s0  }
0x1b: {  	v32 =	vor.u32 $0xA800, v8;
	vm11 =	vmor vm11, vm2;
	v41 =	vor.u32 $0xF800, v8;
	s4 =	ssub.s32 s11, s12;
	[tilespmem:$0x1FFE0] =	vst v40;
	[dreg:$0x19] =	wrdreg s3;
	s3 =	sadd.s32 s8, s20  }
0x1c: {  	s18 =	simm.s32 $0x2;
	v33 =	vor.u32 $0xB000, v8;
	v36 =	vor.u32 $0xB800, v8;
	v1 =	vor.u32 $0xC800, v8;
	[tilespmem:$0x1FFF0] =	vst v41;
	s23 =	smax.u32 s4, $0x1;
	[dreg:$0x1a] =	wrdreg s3  }
0x1d: {  	v54 =	vor.u32 $0xD000, v8;
	v55 =	vor.u32 $0xD800, v8;
	vm2 =	vmmov $0x7fff;
	s12 =	simm.s32 $0x10C00;
	[tilespmem:$0x1FEB0] =	vst v1;
	s20 =	simm.s32 $0x0;
	[dreg:$0x1b] =	wrdreg s23  }
.LBB2_1:
0x1e: {  	s0 =	rddreg [dreg:$0x18]  }
0x1f: {  	[tilespmem:s2], [sflag:$0x3] =	stream.linear.gather [hbm4b:s0+s2], $0x200, $0x38;
	[tilespmem:$0x12E80] =	vst v63  }
0x20: {  	_ =	swait.ge [sflag:s10], $0x200  }
0x21: {  	[sflag:s10] =	ssyncset.done $0x0  }
0x22: {  	s3 =	simm.s32 $0x200;
	s28 =	rddreg [dreg:$0x19];
	[sflag:s10] =	ssyncadd.s32 $0xFFFFFE00  }
0x23: {  	[tilespmem:s3], [sflag:$0x3] =	stream.linear.gather [hbm4b:s28+s2], $0x200, $0x38;
	[tilespmem:$0x12E80] =	vst v63  }
0x24: {  	_ =	swait.ge [sflag:s10], $0x200  }
0x25: {  	[sflag:s10] =	ssyncset.done $0x0  }
0x26: {  	[sflag:s10] =	ssyncadd.s32 $0xFFFFFE00  }
0x27: {  	v1 =	vld [tilespmem:$0x200]  }
0x28: {  	v2 =	vld [tilespmem:$0x210]  }
0x29: {  	v4 =	vld [tilespmem:$0x220]  }
0x2a: {  	v5 =	vld [tilespmem:$0x230]  }
0x2b: {  	v6 =	vld [tilespmem:$0x240]  }
0x2c: {  	v7 =	vld [tilespmem:$0x250];
	v1 =	vadd.s32 $0xFFFE7960, v1  }
0x2d: {  	[tilespmem:$0x200] =	vst v1;
	v1 =	vadd.s32 $0xFFFE7960, v2;
	v2 =	vld [tilespmem:$0x260]  }
0x2e: {  	[tilespmem:$0x210] =	vst v1;
	v1 =	vadd.s32 $0xFFFE7960, v4;
	v4 =	vld [tilespmem:$0x270]  }
0x2f: {  	[tilespmem:$0x220] =	vst v1;
	v1 =	vadd.s32 $0xFFFE7960, v5;
	v5 =	vld [tilespmem:$0x280]  }
0x30: {  	[tilespmem:$0x230] =	vst v1;
	v1 =	vadd.s32 $0xFFFE7960, v6;
	v6 =	vld [tilespmem:$0x290]  }
0x31: {  	[tilespmem:$0x240] =	vst v1;
	v1 =	vadd.s32 $0xFFFE7960, v7;
	v7 =	vld [tilespmem:$0x2A0]  }
0x32: {  	[tilespmem:$0x250] =	vst v1;
	v1 =	vadd.s32 $0xFFFE7960, v2;
	v2 =	vld [tilespmem:$0x2B0]  }
0x33: {  	[tilespmem:$0x260] =	vst v1;
	v1 =	vadd.s32 $0xFFFE7960, v4;
	v4 =	vld [tilespmem:$0x2C0]  }
0x34: {  	[tilespmem:$0x270] =	vst v1;
	v1 =	vadd.s32 $0xFFFE7960, v5;
	v5 =	vld [tilespmem:$0x2D0]  }
0x35: {  	[tilespmem:$0x280] =	vst v1;
	v1 =	vadd.s32 $0xFFFE7960, v6;
	v6 =	vld [tilespmem:$0x2E0]  }
0x36: {  	[tilespmem:$0x290] =	vst v1;
	v1 =	vadd.s32 $0xFFFE7960, v7;
	v7 =	vld [tilespmem:$0x2F0]  }
0x37: {  	[tilespmem:$0x2A0] =	vst v1;
	v1 =	vadd.s32 $0xFFFE7960, v2;
	v2 =	vld [tilespmem:$0x300]  }
0x38: {  	[tilespmem:$0x2B0] =	vst v1;
	v1 =	vadd.s32 $0xFFFE7960, v4;
	v4 =	vld [tilespmem:$0x310]  }
0x39: {  	[tilespmem:$0x2C0] =	vst v1;
	v1 =	vadd.s32 $0xFFFE7960, v5;
	v5 =	vld [tilespmem:$0x320]  }
0x3a: {  	[tilespmem:$0x2D0] =	vst v1;
	v1 =	vadd.s32 $0xFFFE7960, v6;
	v6 =	vld [tilespmem:$0x330]  }
0x3b: {  	[tilespmem:$0x2E0] =	vst v1;
	v1 =	vadd.s32 $0xFFFE7960, v7;
	v7 =	vld [tilespmem:$0x340]  }
0x3c: {  	[tilespmem:$0x2F0] =	vst v1;
	v1 =	vadd.s32 $0xFFFE7960, v2;
	v2 =	vld [tilespmem:$0x350]  }
0x3d: {  	[tilespmem:$0x300] =	vst v1;
	v1 =	vadd.s32 $0xFFFE7960, v4;
	v4 =	vld [tilespmem:$0x360]  }
0x3e: {  	[tilespmem:$0x310] =	vst v1;
	v1 =	vadd.s32 $0xFFFE7960, v5;
	v5 =	vld [tilespmem:$0x370]  }
0x3f: {  	[tilespmem:$0x320] =	vst v1;
	v1 =	vadd.s32 $0xFFFE7960, v6;
	v6 =	vld [tilespmem:$0x380]  }
0x40: {  	[tilespmem:$0x330] =	vst v1;
	v1 =	vadd.s32 $0xFFFE7960, v7;
	v7 =	vld [tilespmem:$0x390]  }
0x41: {  	[tilespmem:$0x340] =	vst v1;
	v1 =	vadd.s32 $0xFFFE7960, v2;
	v2 =	vld [tilespmem:$0x3A0]  }
0x42: {  	[tilespmem:$0x350] =	vst v1;
	v1 =	vadd.s32 $0xFFFE7960, v4;
	v4 =	vld [tilespmem:$0x3B0]  }
0x43: {  	[tilespmem:$0x360] =	vst v1;
	v1 =	vadd.s32 $0xFFFE7960, v5;
	v5 =	vld [tilespmem:$0x3C0]  }
0x44: {  	[tilespmem:$0x370] =	vst v1;
	v1 =	vadd.s32 $0xFFFE7960, v6;
	v6 =	vld [tilespmem:$0x3D0]  }
0x45: {  	[tilespmem:$0x380] =	vst v1;
	v1 =	vadd.s32 $0xFFFE7960, v7;
	v7 =	vld [tilespmem:$0x3E0]  }
0x46: {  	[tilespmem:$0x390] =	vst v1;
	v1 =	vadd.s32 $0xFFFE7960, v2;
	v2 =	vld [tilespmem:$0x3F0]  }
0x47: {  	[tilespmem:$0x3A0] =	vst v1;
	v1 =	vadd.s32 $0xFFFE7960, v4  }
0x48: {  	[tilespmem:$0x3B0] =	vst v1;
	v1 =	vadd.s32 $0xFFFE7960, v5  }
0x49: {  	[tilespmem:$0x3C0] =	vst v1;
	v1 =	vadd.s32 $0xFFFE7960, v6  }
0x4a: {  	[tilespmem:$0x3D0] =	vst v1;
	v1 =	vadd.s32 $0xFFFE7960, v7  }
0x4b: {  	[tilespmem:$0x3E0] =	vst v1;
	v1 =	vadd.s32 $0xFFFE7960, v2  }
0x4c: {  	s29 =	rddreg [dreg:$0x16];
	[tilespmem:$0x3F0] =	vst v1  }
0x4d: {  	[tilespmem:s12], [sflag:$0x3] =	stream.linear.gather [hbm4b:s29+s2], $0x2000, $0x38;
	[tilespmem:$0x12E80] =	vst v63  }
0x4e: {  	_ =	swait.ge [sflag:s10], $0x2000  }
0x4f: {  	[sflag:s10] =	ssyncset.done $0x0  }
0x50: {  	s31 =	simm.s32 $0x12C00;
	s30 =	rddreg [dreg:$0x17];
	[sflag:s10] =	ssyncadd.s32 $0xFFFFE000  }
0x51: {  	[tilespmem:s31], [sflag:$0x3] =	stream.linear.gather [hbm4b:s30+s2], $0x80, $0x38;
	[tilespmem:$0x12E80] =	vst v63  }
0x52: {  	_ =	swait.ge [sflag:s10], $0x80  }
0x53: {  	[sflag:s10] =	ssyncset.done $0x0  }
0x54: {  	[sflag:s10] =	ssyncadd.s32 $0xFFFFFF80  }
0x55: {  	v1 =	vld [tilespmem:$0x12C20];
	_ =	sdelay $0x3  }
0x56: {  	v34 =	vld [tilespmem:$0x12C00]  }
0x57: {  	s21 =	simm.s32 $0x0;
	v35 =	vld [tilespmem:$0x12C10];
	[tilespmem:$0x1FE90] =	vst v1  }
.LBB2_2:
0x58: {  	s22 =	sshra.s32 s21, $0x2  }
0x59: {  	v2 =	vld [tilespmem:s22+$0x200];
	_ =	sdelay $0x4  }
0x5a: {  	(v2sf) =	vpush v2, $0x0;
	_ =	sdelay $0x3  }
0x5b: {  	v37 =	vld [tilespmem:s22+$0x0];
	_ =	sdelay $0x1  }
0x5c: {  	(v2sf) =	vpush v2, $0x1;
	_ =	sdelay $0x2  }
0x5d: {  	v1 =	vshra.s32 v37, $0x2;
	_ =	sdelay $0x3  }
0x5e: {  	s0 =	rddreg [dreg:$0x6]  }
0x5f: {  	[tilespmem:s14], [sflag:$0x1] =	stream.indirect_vreg.gather [hbm4b:s0+s2], $0x80, v1, vm0, $0xb8;
	[tilespmem:$0x12E80] =	vst v63  }
0x60: {  	(v2sf) =	vpush v2, $0x2;
	s4 =	spop (v2sf)  }
0x61: {  	s0 =	sshra.s32 s4, $0x7  }
0x62: {  	p0 =	slt.s32 s0, $0x1E83  }
0x63: {  	s0 =	simm.s32 @!p0 $0x1E83  }
0x64: {  	s0 =	sshll.u32 s0, $0x7  }
0x65: {  	s0 =	sand.u32 $0x1FFFFF80, s0  }
0x66: {  	(v2sf) =	vpush v2, $0x3;
	s6 =	spop (v2sf);
	s0 =	sadd.s32 s1, s0  }
0x67: {  	[tilespmem:s16], [sflag:$0x2] =	stream.strided.gather [hbm4b:s0+s14], $0x1000, s15, s14, $0x38;
	[tilespmem:$0x12E80] =	vst v63  }
0x68: {  	s0 =	sshra.s32 s6, $0x7  }
0x69: {  	p0 =	slt.s32 s0, $0x1E83  }
0x6a: {  	s0 =	simm.s32 @!p0 $0x1E83  }
0x6b: {  	s0 =	sshll.u32 s0, $0x7  }
0x6c: {  	s0 =	sand.u32 $0x1FFFFF80, s0  }
0x6d: {  	s3 =	rddreg [dreg:$0x7];
	s0 =	sadd.s32 s1, s0  }
0x6e: {  	[tilespmem:s3], [sflag:$0x2] =	stream.strided.gather [hbm4b:s0+s14], $0x1000, s15, s14, $0x38;
	[tilespmem:$0x12E80] =	vst v63  }
0x6f: {  	s3 =	spop (v2sf);
	(v2sf) =	vpush v2, $0x4  }
0x70: {  	s0 =	sshra.s32 s3, $0x7  }
0x71: {  	p0 =	slt.s32 s0, $0x1E83  }
0x72: {  	s0 =	simm.s32 @!p0 $0x1E83  }
0x73: {  	s0 =	sshll.u32 s0, $0x7  }
0x74: {  	s0 =	sand.u32 $0x1FFFFF80, s0  }
0x75: {  	s5 =	rddreg [dreg:$0x8];
	s19 =	spop (v2sf);
	s0 =	sadd.s32 s1, s0  }
0x76: {  	[tilespmem:s5], [sflag:$0x2] =	stream.strided.gather [hbm4b:s0+s14], $0x1000, s15, s14, $0x38;
	[tilespmem:$0x12E80] =	vst v63  }
0x77: {  	(v2sf) =	vpush v2, $0x5;
	s0 =	sshra.s32 s19, $0x7  }
0x78: {  	p0 =	slt.s32 s0, $0x1E83  }
0x79: {  	s0 =	simm.s32 @!p0 $0x1E83  }
0x7a: {  	s0 =	sshll.u32 s0, $0x7  }
0x7b: {  	s0 =	sand.u32 $0x1FFFFF80, s0  }
0x7c: {  	s7 =	rddreg [dreg:$0x9];
	s0 =	sadd.s32 s1, s0  }
0x7d: {  	[tilespmem:s7], [sflag:$0x2] =	stream.strided.gather [hbm4b:s0+s14], $0x1000, s15, s14, $0x38;
	[tilespmem:$0x12E80] =	vst v63  }
0x7e: {  	s0 =	spop (v2sf)  }
0x7f: {  	(v2sf) =	vpush v2, $0x6;
	s5 =	sshra.s32 s0, $0x7  }
0x80: {  	p0 =	slt.s32 s5, $0x1E83  }
0x81: {  	s5 =	simm.s32 @!p0 $0x1E83  }
0x82: {  	s5 =	sshll.u32 s5, $0x7  }
0x83: {  	s5 =	sand.u32 $0x1FFFFF80, s5  }
0x84: {  	s11 =	rddreg [dreg:$0xa];
	s5 =	sadd.s32 s1, s5  }
0x85: {  	[tilespmem:s11], [sflag:$0x2] =	stream.strided.gather [hbm4b:s5+s14], $0x1000, s15, s14, $0x38;
	[tilespmem:$0x12E80] =	vst v63  }
0x86: {  	s11 =	spop (v2sf)  }
0x87: {  	(v2sf) =	vpush v2, $0x7;
	s5 =	sshra.s32 s11, $0x7  }
0x88: {  	p0 =	slt.s32 s5, $0x1E83  }
0x89: {  	s5 =	simm.s32 @!p0 $0x1E83  }
0x8a: {  	s5 =	sshll.u32 s5, $0x7  }
0x8b: {  	s5 =	sand.u32 $0x1FFFFF80, s5  }
0x8c: {  	s13 =	rddreg [dreg:$0xb];
	s5 =	sadd.s32 s1, s5  }
0x8d: {  	[tilespmem:s13], [sflag:$0x2] =	stream.strided.gather [hbm4b:s5+s14], $0x1000, s15, s14, $0x38;
	[tilespmem:$0x12E80] =	vst v63  }
0x8e: {  	s13 =	spop (v2sf)  }
0x8f: {  	(v2sf) =	vpush v2, $0x8;
	s5 =	sshra.s32 s13, $0x7  }
0x90: {  	p0 =	slt.s32 s5, $0x1E83  }
0x91: {  	s5 =	simm.s32 @!p0 $0x1E83  }
0x92: {  	s5 =	sshll.u32 s5, $0x7  }
0x93: {  	s5 =	sand.u32 $0x1FFFFF80, s5  }
0x94: {  	s23 =	rddreg [dreg:$0xc];
	s5 =	sadd.s32 s1, s5  }
0x95: {  	[tilespmem:s23], [sflag:$0x2] =	stream.strided.gather [hbm4b:s5+s14], $0x1000, s15, s14, $0x38;
	[tilespmem:$0x12E80] =	vst v63  }
0x96: {  	s5 =	spop (v2sf)  }
0x97: {  	(v2sf) =	vpush v2, $0x9;
	s23 =	sshra.s32 s5, $0x7  }
0x98: {  	p0 =	slt.s32 s23, $0x1E83  }
0x99: {  	s23 =	simm.s32 @!p0 $0x1E83  }
0x9a: {  	s23 =	sshll.u32 s23, $0x7  }
0x9b: {  	s23 =	sand.u32 $0x1FFFFF80, s23  }
0x9c: {  	s24 =	rddreg [dreg:$0xd];
	s23 =	sadd.s32 s1, s23  }
0x9d: {  	[tilespmem:s24], [sflag:$0x2] =	stream.strided.gather [hbm4b:s23+s14], $0x1000, s15, s14, $0x38;
	[tilespmem:$0x12E80] =	vst v63  }
0x9e: {  	s29 =	spop (v2sf)  }
0x9f: {  	(v2sf) =	vpush v2, $0xA;
	s23 =	sshra.s32 s29, $0x7  }
0xa0: {  	p0 =	slt.s32 s23, $0x1E83  }
0xa1: {  	s23 =	simm.s32 @!p0 $0x1E83  }
0xa2: {  	s23 =	sshll.u32 s23, $0x7  }
0xa3: {  	s23 =	sand.u32 $0x1FFFFF80, s23  }
0xa4: {  	s8 =	rddreg [dreg:$0xe];
	s23 =	sadd.s32 s1, s23  }
0xa5: {  	[tilespmem:s8], [sflag:$0x2] =	stream.strided.gather [hbm4b:s23+s14], $0x1000, s15, s14, $0x38;
	[tilespmem:$0x12E80] =	vst v63  }
0xa6: {  	s31 =	spop (v2sf)  }
0xa7: {  	(v2sf) =	vpush v2, $0xB;
	s23 =	sshra.s32 s31, $0x7  }
0xa8: {  	p0 =	slt.s32 s23, $0x1E83  }
0xa9: {  	s23 =	simm.s32 @!p0 $0x1E83  }
0xaa: {  	s23 =	sshll.u32 s23, $0x7  }
0xab: {  	s23 =	sand.u32 $0x1FFFFF80, s23  }
0xac: {  	s9 =	rddreg [dreg:$0xf];
	s23 =	sadd.s32 s1, s23  }
0xad: {  	[tilespmem:s9], [sflag:$0x2] =	stream.strided.gather [hbm4b:s23+s14], $0x1000, s15, s14, $0x38;
	[tilespmem:$0x12E80] =	vst v63  }
0xae: {  	s30 =	spop (v2sf)  }
0xaf: {  	(v2sf) =	vpush v2, $0xC;
	s23 =	sshra.s32 s30, $0x7  }
0xb0: {  	p0 =	slt.s32 s23, $0x1E83  }
0xb1: {  	s23 =	simm.s32 @!p0 $0x1E83  }
0xb2: {  	s23 =	sshll.u32 s23, $0x7  }
0xb3: {  	s23 =	sand.u32 $0x1FFFFF80, s23  }
0xb4: {  	s25 =	rddreg [dreg:$0x10];
	s23 =	sadd.s32 s1, s23  }
0xb5: {  	[tilespmem:s25], [sflag:$0x2] =	stream.strided.gather [hbm4b:s23+s14], $0x1000, s15, s14, $0x38;
	[tilespmem:$0x12E80] =	vst v63  }
0xb6: {  	s28 =	spop (v2sf)  }
0xb7: {  	(v2sf) =	vpush v2, $0xD;
	s23 =	sshra.s32 s28, $0x7  }
0xb8: {  	p0 =	slt.s32 s23, $0x1E83  }
0xb9: {  	s23 =	simm.s32 @!p0 $0x1E83  }
0xba: {  	s23 =	sshll.u32 s23, $0x7  }
0xbb: {  	s23 =	sand.u32 $0x1FFFFF80, s23  }
0xbc: {  	s26 =	rddreg [dreg:$0x11];
	s23 =	sadd.s32 s1, s23  }
0xbd: {  	[tilespmem:s26], [sflag:$0x2] =	stream.strided.gather [hbm4b:s23+s14], $0x1000, s15, s14, $0x38;
	[tilespmem:$0x12E80] =	vst v63  }
0xbe: {  	s26 =	spop (v2sf)  }
0xbf: {  	(v2sf) =	vpush v2, $0xE;
	s23 =	sshra.s32 s26, $0x7  }
0xc0: {  	p0 =	slt.s32 s23, $0x1E83  }
0xc1: {  	s23 =	simm.s32 @!p0 $0x1E83  }
0xc2: {  	s23 =	sshll.u32 s23, $0x7  }
0xc3: {  	s23 =	sand.u32 $0x1FFFFF80, s23  }
0xc4: {  	s7 =	rddreg [dreg:$0x12];
	s23 =	sadd.s32 s1, s23  }
0xc5: {  	[tilespmem:s7], [sflag:$0x2] =	stream.strided.gather [hbm4b:s23+s14], $0x1000, s15, s14, $0x38;
	[tilespmem:$0x12E80] =	vst v63  }
0xc6: {  	s25 =	spop (v2sf)  }
0xc7: {  	(v2sf) =	vpush v2, $0xF;
	s23 =	sshra.s32 s25, $0x7  }
0xc8: {  	p0 =	slt.s32 s23, $0x1E83  }
0xc9: {  	s23 =	simm.s32 @!p0 $0x1E83  }
0xca: {  	s23 =	sshll.u32 s23, $0x7  }
0xcb: {  	s23 =	sand.u32 $0x1FFFFF80, s23  }
0xcc: {  	s8 =	rddreg [dreg:$0x13];
	s23 =	sadd.s32 s1, s23  }
0xcd: {  	[tilespmem:s8], [sflag:$0x2] =	stream.strided.gather [hbm4b:s23+s14], $0x1000, s15, s14, $0x38;
	[tilespmem:$0x12E80] =	vst v63  }
0xce: {  	s23 =	spop (v2sf)  }
0xcf: {  	s24 =	sshra.s32 s23, $0x7  }
0xd0: {  	p0 =	slt.s32 s24, $0x1E83  }
0xd1: {  	s24 =	simm.s32 @!p0 $0x1E83  }
0xd2: {  	s24 =	sshll.u32 s24, $0x7  }
0xd3: {  	s24 =	sand.u32 $0x1FFFFF80, s24  }
0xd4: {  	s7 =	rddreg [dreg:$0x14];
	s24 =	sadd.s32 s1, s24  }
0xd5: {  	[tilespmem:s7], [sflag:$0x2] =	stream.strided.gather [hbm4b:s24+s14], $0x1000, s15, s14, $0x38;
	[tilespmem:$0x12E80] =	vst v63  }
0xd6: {  	s24 =	spop (v2sf)  }
0xd7: {  	s7 =	sshra.s32 s24, $0x7  }
0xd8: {  	p0 =	slt.s32 s7, $0x1E83  }
0xd9: {  	s7 =	simm.s32 @!p0 $0x1E83  }
0xda: {  	s7 =	sshll.u32 s7, $0x7  }
0xdb: {  	s7 =	sand.u32 $0x1FFFFF80, s7  }
0xdc: {  	s8 =	rddreg [dreg:$0x15];
	s7 =	sadd.s32 s1, s7  }
0xdd: {  	[tilespmem:s8], [sflag:$0x2] =	stream.strided.gather [hbm4b:s7+s14], $0x1000, s15, s14, $0x38;
	[tilespmem:$0x12E80] =	vst v63  }
0xde: {  	_ =	swait.ge [sflag:s17], $0x800  }
0xdf: {  	[sflag:s17] =	ssyncset.done $0x0  }
0xe0: {  	[sflag:s17] =	ssyncadd.s32 $0xFFFFF800  }
0xe1: {  	_ =	swait.ge [sflag:s18], $0x1000  }
0xe2: {  	[sflag:s18] =	ssyncset.done $0x0  }
0xe3: {  	[sflag:s18] =	ssyncadd.s32 $0xFFFFF000  }
0xe4: {  	_ =	swait.ge [sflag:s18], $0x1000  }
0xe5: {  	[sflag:s18] =	ssyncset.done $0x0  }
0xe6: {  	[sflag:s18] =	ssyncadd.s32 $0xFFFFF000  }
0xe7: {  	_ =	swait.ge [sflag:s18], $0x1000  }
0xe8: {  	[sflag:s18] =	ssyncset.done $0x0  }
0xe9: {  	[sflag:s18] =	ssyncadd.s32 $0xFFFFF000  }
0xea: {  	_ =	swait.ge [sflag:s18], $0x1000  }
0xeb: {  	[sflag:s18] =	ssyncset.done $0x0  }
0xec: {  	[sflag:s18] =	ssyncadd.s32 $0xFFFFF000  }
0xed: {  	_ =	swait.ge [sflag:s18], $0x1000  }
0xee: {  	[sflag:s18] =	ssyncset.done $0x0  }
0xef: {  	[sflag:s18] =	ssyncadd.s32 $0xFFFFF000  }
0xf0: {  	_ =	swait.ge [sflag:s18], $0x1000  }
0xf1: {  	[sflag:s18] =	ssyncset.done $0x0  }
0xf2: {  	[sflag:s18] =	ssyncadd.s32 $0xFFFFF000  }
0xf3: {  	_ =	swait.ge [sflag:s18], $0x1000  }
0xf4: {  	[sflag:s18] =	ssyncset.done $0x0  }
0xf5: {  	[sflag:s18] =	ssyncadd.s32 $0xFFFFF000  }
0xf6: {  	_ =	swait.ge [sflag:s18], $0x1000  }
0xf7: {  	[sflag:s18] =	ssyncset.done $0x0  }
0xf8: {  	[sflag:s18] =	ssyncadd.s32 $0xFFFFF000  }
0xf9: {  	_ =	swait.ge [sflag:s18], $0x1000  }
0xfa: {  	[sflag:s18] =	ssyncset.done $0x0  }
0xfb: {  	[sflag:s18] =	ssyncadd.s32 $0xFFFFF000  }
0xfc: {  	_ =	swait.ge [sflag:s18], $0x1000  }
0xfd: {  	[sflag:s18] =	ssyncset.done $0x0  }
0xfe: {  	[sflag:s18] =	ssyncadd.s32 $0xFFFFF000  }
0xff: {  	_ =	swait.ge [sflag:s18], $0x1000  }
0x100: {  	[sflag:s18] =	ssyncset.done $0x0  }
0x101: {  	[sflag:s18] =	ssyncadd.s32 $0xFFFFF000  }
0x102: {  	_ =	swait.ge [sflag:s18], $0x1000  }
0x103: {  	[sflag:s18] =	ssyncset.done $0x0  }
0x104: {  	[sflag:s18] =	ssyncadd.s32 $0xFFFFF000  }
0x105: {  	_ =	swait.ge [sflag:s18], $0x1000  }
0x106: {  	[sflag:s18] =	ssyncset.done $0x0  }
0x107: {  	[sflag:s18] =	ssyncadd.s32 $0xFFFFF000  }
0x108: {  	_ =	swait.ge [sflag:s18], $0x1000  }
0x109: {  	[sflag:s18] =	ssyncset.done $0x0  }
0x10a: {  	[sflag:s18] =	ssyncadd.s32 $0xFFFFF000  }
0x10b: {  	_ =	swait.ge [sflag:s18], $0x1000  }
0x10c: {  	[sflag:s18] =	ssyncset.done $0x0  }
0x10d: {  	[sflag:s18] =	ssyncadd.s32 $0xFFFFF000  }
0x10e: {  	v37 =	vshll.u32 v37, $0x5;
	s7 =	sadd.s32 $0xFFF0BE00, s4;
	_ =	swait.ge [sflag:s18], $0x1000  }
0x10f: {  	p0 =	sgt.s32 s7, $0x0;
	(v2sf) =	vpush v37, $0x0  }
0x110: {  	s7 =	simm.s32 @!p0 $0x0  }
0x111: {  	s7 =	smin.u32 s7, $0x3F  }
0x112: {  	s7 =	sshll.u32 s7, $0x7  }
0x113: {  	v4 =	vor.u32 s7, v28;
	v5 =	vor.u32 s7, v3;
	s7 =	sadd.s32 $0xFFF0BE00, s6  }
0x114: {  	p0 =	sgt.s32 s7, $0x0  }
0x115: {  	s9 =	sand.u32 $0x7F, s4;
	s7 =	simm.s32 @!p0 $0x0  }
0x116: {  	v1 =	vor.u32 s9, v8;
	s7 =	smin.u32 s7, $0x3F;
	(v2sf) =	vpush v37, $0x1  }
0x117: {  	v2 =	vor.u32 s9, v9;
	s8 =	sand.u32 $0x7F, s6;
	s7 =	sshll.u32 s7, $0x7  }
0x118: {  	v6 =	vor.u32 s8, v10;
	v8 =	vor.u32 s7, v28;
	v10 =	vor.u32 s7, v3;
	s7 =	sadd.s32 $0xFFF0BE00, s3  }
0x119: {  	p0 =	sgt.s32 s7, $0x0;
	[sflag:s18] =	ssyncset.done $0x0  }
0x11a: {  	v7 =	vor.u32 s8, v0;
	s7 =	simm.s32 @!p0 $0x0;
	v0 =	vld [tilespmem:$0x1FF30];
	[sflag:s18] =	ssyncadd.s32 $0xFFFFF000;
	(v2sf) =	vpush v37, $0x2  }
0x11b: {  	s7 =	smin.u32 s7, $0x3F;
	v1 =	vld.idx.msk [tilespmem:v1+s16+$0x0], $0xffff  }
0x11c: {  	s7 =	sshll.u32 s7, $0x7;
	v2 =	vld.idx.msk [tilespmem:v2+s16+$0x0], $0xffff  }
0x11d: {  	v14 =	vor.u32 s7, v28;
	v38 =	vor.u32 s7, v3;
	s7 =	sadd.s32 $0xFFF0BE00, s19;
	v4 =	vld.idx.msk [tilespmem:v4+s12+$0x0], $0xffff;
	(v2sf) =	vpush v37, $0x3  }
0x11e: {  	p0 =	sgt.s32 s7, $0x0;
	v5 =	vld.idx.msk [tilespmem:v5+s12+$0x0], $0xffff;
	s9 =	spop (v2sf);
	(v2sf) =	vpush v37, $0x4  }
0x11f: {  	s7 =	simm.s32 @!p0 $0x0;
	v6 =	vld.idx.msk [tilespmem:v6+s16+$0x0], $0xffff  }
0x120: {  	s7 =	smin.u32 s7, $0x3F;
	v7 =	vld.idx.msk [tilespmem:v7+s16+$0x0], $0xffff  }
0x121: {  	s7 =	sshll.u32 s7, $0x7;
	v8 =	vld.idx.msk [tilespmem:v8+s12+$0x0], $0xffff  }
0x122: {  	s8 =	sand.u32 $0x7F, s3;
	v41 =	vor.u32 s7, v28;
	v10 =	vld.idx.msk [tilespmem:v10+s12+$0x0], $0xffff  }
0x123: {  	v12 =	vor.u32 s8, v0;
	v0 =	vld [tilespmem:$0x1FF20];
	s9 =	sand.u32 $0x60, s9  }
0x124: {  	v9 =	vld [tilespmem:s9+$0x400]  }
0x125: {  	v42 =	vor.u32 s7, v3;
	v11 =	vld [tilespmem:s9+$0x410];
	s9 =	spop (v2sf);
	(v2sf) =	vpush v37, $0x5  }
0x126: {  	v14 =	vld.idx.msk [tilespmem:v14+s12+$0x0], $0xffff  }
0x127: {  	s7 =	sand.u32 $0x7F, s0;
	v49 =	vld.idx.msk [tilespmem:v41+s12+$0x0], $0xffff;
	s9 =	sand.u32 $0x60, s9  }
0x128: {  	v61 =	vor.u32 s7, v19;
	v59 =	vld [tilespmem:s9+$0x480]  }
0x129: {  	v62 =	vld [tilespmem:s9+$0x490];
	s9 =	spop (v2sf)  }
0x12a: {  	v50 =	vld.idx.msk [tilespmem:v42+s12+$0x0], $0xffff;
	v13 =	vor.u32 s8, v0;
	s8 =	sand.u32 $0x7F, s19;
	s9 =	sand.u32 $0x60, s9  }
0x12b: {  	v40 =	vor.u32 s8, v16;
	v16 =	vld [tilespmem:s9+$0x500]  }
0x12c: {  	v17 =	vld [tilespmem:s9+$0x510];
	s9 =	spop (v2sf)  }
0x12d: {  	v60 =	vor.u32 s7, v18;
	v41 =	vld.idx.msk [tilespmem:v61+s16+$0x0], $0xffff;
	s7 =	spop (v2sf)  }
0x12e: {  	v12 =	vld.idx.msk [tilespmem:v12+s16+$0x0], $0xffff;
	v39 =	vor.u32 s8, v15;
	s8 =	sadd.s32 $0xFFF0BE00, s0;
	s7 =	sand.u32 $0x60, s7  }
0x12f: {  	p0 =	sgt.s32 s8, $0x0;
	s9 =	sand.u32 $0x60, s9;
	v0 =	vld [tilespmem:s7+$0x600]  }
0x130: {  	s8 =	simm.s32 @!p0 $0x0;
	v47 =	vld [tilespmem:s9+$0x580]  }
0x131: {  	s8 =	smin.u32 s8, $0x3F;
	(v2sf) =	vpush v37, $0x6;
	v48 =	vld [tilespmem:s9+$0x590];
	s9 =	sadd.s32 $0xFFF0BE00, s11  }
0x132: {  	v15 =	vld.idx.msk [tilespmem:v38+s12+$0x0], $0xffff;
	s8 =	sshll.u32 s8, $0x7;
	p0 =	sgt.s32 s9, $0x0  }
0x133: {  	v13 =	vld.idx.msk [tilespmem:v13+s16+$0x0], $0xffff;
	v43 =	vor.u32 s8, v28;
	s9 =	simm.s32 @!p0 $0x0  }
0x134: {  	v51 =	vor.u32 s8, v3;
	s8 =	sand.u32 $0x7F, s11;
	[tilespmem:$0x1FE40] =	vst v0;
	v0 =	vld [tilespmem:s7+$0x610];
	s7 =	smin.u32 s9, $0x3F;
	s9 =	spop (v2sf)  }
0x135: {  	v45 =	vld.idx.msk [tilespmem:v39+s16+$0x0], $0xffff;
	v52 =	vor.u32 s8, v20;
	v63 =	vor.u32 s8, v21;
	s7 =	sshll.u32 s7, $0x7;
	s8 =	sand.u32 $0x60, s9;
	s9 =	sadd.s32 $0xFFF0BE00, s13  }
0x136: {  	v44 =	vmov v55;
	p2 =	sgt.s32 s6, $0xF41FF;
	v38 =	vld.idx.msk [tilespmem:v40+s16+$0x0], $0xffff;
	v55 =	vor.u32 s7, v28;
	p0 =	sgt.s32 s9, $0x0;
	v56 =	vor.u32 s7, v3;
	s7 =	sadd.s32 $0xFFF0BE00, s5  }
0x137: {  	s6 =	sadd.s32 $0xFFF0BE00, s29;
	v39 =	vld.idx.msk [tilespmem:v60+s16+$0x0], $0xffff;
	s9 =	simm.s32 @!p0 $0x0;
	p0 =	sgt.s32 s7, $0x0  }
0x138: {  	p1 =	sgt.s32 s4, $0xF41FF;
	v46 =	vld.idx.msk [tilespmem:v43+s12+$0x0], $0xffff;
	s7 =	simm.s32 @!p0 $0x0;
	p0 =	sgt.s32 s6, $0x0  }
0x139: {  	v1 =	vpsel p1, v4, v1;
	[tilespmem:$0x1FE50] =	vst v0;
	v0 =	vld [tilespmem:s8+$0x680];
	s6 =	simm.s32 @!p0 $0x0  }
0x13a: {  	v2 =	vpsel p1, v5, v2;
	v40 =	vld.idx.msk [tilespmem:v51+s12+$0x0], $0xffff;
	v1 =	vmul.f32 v9, v1;
	s6 =	smin.u32 s6, $0x3F  }
0x13b: {  	v51 =	vld.idx.msk [tilespmem:v52+s16+$0x0], $0xffff;
	v2 =	vmul.f32 v11, v2;
	(v2sf) =	vpush v37, $0x7;
	s6 =	sshll.u32 s6, $0x7  }
0x13c: {  	p5 =	sgt.s32 s0, $0xF41FF;
	v43 =	vld.idx.msk [tilespmem:v63+s16+$0x0], $0xffff;
	v1 =	vmul.f32 v1, v34;
	v11 =	vor.u32 s6, v3  }
0x13d: {  	v2 =	vmul.f32 v2, v35;
	v39 =	vpsel p5, v46, v39;
	(v2sf) =	vpush v37, $0x8;
	v46 =	vld [tilespmem:$0x1FE40]  }
0x13e: {  	s9 =	smin.u32 s9, $0x3F;
	[tilespmem:$0x1FE60] =	vst v0;
	v0 =	vld [tilespmem:s8+$0x690];
	s8 =	sand.u32 $0x7F, s13  }
0x13f: {  	v42 =	vmovc v54;
	v1 =	vadd.f32 v2, v1;
	v54 =	vld.idx.msk [tilespmem:v55+s12+$0x0], $0xffff;
	v57 =	vor.u32 s8, v22;
	v58 =	vor.u32 s8, v53;
	s8 =	sshll.u32 s9, $0x7  }
0x140: {  	p3 =	sgt.s32 s3, $0xF41FF;
	v55 =	vld.idx.msk [tilespmem:v56+s12+$0x0], $0xffff;
	v60 =	vor.u32 s8, v28;
	v61 =	vor.u32 s8, v3;
	s8 =	spop (v2sf)  }
0x141: {  	(xrf2) =	vadd.scan.msk.f32 $0xffff, v1;
	v1 =	vpsel p3, v14, v12;
	s4 =	sand.u32 $0x60, s8;
	v12 =	vld.idx.msk [tilespmem:v11+s12+$0x0], $0xffff  }
0x142: {  	s9 =	sand.u32 $0x7F, s5;
	v63 =	vld [tilespmem:s4+$0x710]  }
0x143: {  	s7 =	smin.u32 s7, $0x3F;
	v4 =	vor.u32 s9, v24;
	[tilespmem:$0x1FE70] =	vst v0;
	v0 =	vld [tilespmem:$0x1FE90]  }
0x144: {  	v5 =	vor.u32 s9, v25;
	s9 =	sshll.u32 s7, $0x7;
	v56 =	vld.idx.msk [tilespmem:v57+s16+$0x0], $0xffff  }
0x145: {  	v6 =	vpsel p2, v8, v6;
	v8 =	vor.u32 s9, v28;
	v57 =	vld.idx.msk [tilespmem:v58+s16+$0x0], $0xffff  }
0x146: {  	v7 =	vpsel p2, v10, v7;
	v10 =	vor.u32 s9, v3;
	v58 =	vld.idx.msk [tilespmem:v60+s12+$0x0], $0xffff  }
0x147: {  	v60 =	vld.idx.msk [tilespmem:v61+s12+$0x0], $0xffff  }
0x148: {  	v7 =	vmul.f32 v62, v7;
	v62 =	vld.idx.msk [tilespmem:v4+s16+$0x0], $0xffff  }
0x149: {  	v6 =	vmul.f32 v59, v6;
	s7 =	sand.u32 $0x7F, s29;
	v59 =	vld.idx.msk [tilespmem:v5+s16+$0x0], $0xffff  }
0x14a: {  	v2 =	vor.u32 s7, v27;
	s8 =	spop (v2sf);
	v9 =	vld.idx.msk [tilespmem:v8+s12+$0x0], $0xffff  }
0x14b: {  	v6 =	vmul.f32 v6, v34;
	(v2sf) =	vpush v37, $0x9;
	s9 =	sand.u32 $0x60, s8;
	v4 =	vmul.f32 v7, v35;
	v7 =	vld.idx.msk [tilespmem:v10+s12+$0x0], $0xffff  }
0x14c: {  	v5 =	vor.u32 s7, v26;
	s7 =	spop (v2sf);
	v10 =	vld [tilespmem:s9+$0x780]  }
0x14d: {  	v8 =	vpsel p3, v15, v13;
	v13 =	vld [tilespmem:s9+$0x790];
	s9 =	sand.u32 $0x60, s7;
	s7 =	sand.u32 $0x7F, s30;
	v4 =	vadd.f32 v4, v6;
	v6 =	vor.u32 s6, v28  }
0x14e: {  	(v2sf) =	vpush v37, $0xA;
	v61 =	vld [tilespmem:s4+$0x700];
	v8 =	vmul.f32 v17, v8;
	v19 =	vor.u32 s7, v31  }
0x14f: {  	v1 =	vmul.f32 v16, v1;
	v2 =	vld.idx.msk [tilespmem:v2+s16+$0x0], $0xffff;
	v21 =	vor.u32 s7, v32  }
0x150: {  	(v2sf) =	vpush v37, $0xB;
	s4 =	sadd.s32 $0xFFF0BE00, s31;
	s6 =	sand.u32 $0x7F, s31;
	(xrf2) =	vadd.scan.msk.f32 $0xffff, v4;
	v4 =	vmul.f32 v8, v35;
	v8 =	vld [tilespmem:s9+$0x800]  }
0x151: {  	p4 =	sgt.s32 s19, $0xF41FF;
	v1 =	vmul.f32 v1, v34;
	(v2sf) =	vpush v37, $0xC;
	p0 =	sgt.s32 s4, $0x0;
	s7 =	sand.u32 $0x7F, s28;
	v15 =	vor.u32 s6, v29;
	v5 =	vld.idx.msk [tilespmem:v5+s16+$0x0], $0xffff  }
0x152: {  	v38 =	vpsel p4, v50, v38;
	s4 =	simm.s32 @!p0 $0x0;
	v50 =	vor.u32 s7, v33;
	v14 =	vld.idx.msk [tilespmem:v6+s12+$0x0], $0xffff  }
0x153: {  	s4 =	smin.u32 s4, $0x3F;
	v1 =	vadd.f32 v4, v1;
	v19 =	vld.idx.msk [tilespmem:v19+s16+$0x0], $0xffff  }
0x154: {  	v25 =	vor.u32 s7, v36;
	s8 =	sshll.u32 s4, $0x7;
	v21 =	vld.idx.msk [tilespmem:v21+s16+$0x0], $0xffff  }
0x155: {  	v11 =	vor.u32 s8, v3;
	(xrf2) =	vadd.scan.msk.f32 $0xffff, v1;
	v1 =	vld [tilespmem:s9+$0x810]  }
0x156: {  	p6 =	sgt.s32 s11, $0xF41FF;
	v4 =	vor.u32 s8, v28;
	v15 =	vld.idx.msk [tilespmem:v15+s16+$0x0], $0xffff  }
0x157: {  	v51 =	vpsel p6, v54, v51;
	v54 =	vmov v42;
	v6 =	vor.u32 s6, v30;
	v42 =	vld.idx.msk [tilespmem:v50+s16+$0x0], $0xffff  }
0x158: {  	v50 =	vld [tilespmem:$0x1FE60]  }
0x159: {  	v25 =	vld.idx.msk [tilespmem:v25+s16+$0x0], $0xffff  }
0x15a: {  	s4 =	sadd.s32 $0xFFF0BE00, s30;
	s6 =	spop (v2sf);
	v22 =	vld.idx.msk [tilespmem:v11+s12+$0x0], $0xffff  }
0x15b: {  	v45 =	vpsel p4, v49, v45;
	p0 =	sgt.s32 s4, $0x0;
	v17 =	vld.idx.msk [tilespmem:v4+s12+$0x0], $0xffff;
	s3 =	sand.u32 $0x60, s6;
	s6 =	sadd.s32 $0xFFF0BE00, s28  }
0x15c: {  	v45 =	vmul.f32 v47, v45;
	v47 =	vmul.f32 v48, v38;
	p3 =	sgt.s32 s5, $0xF41FF;
	s4 =	simm.s32 @!p0 $0x0;
	v16 =	vld.idx.msk [tilespmem:v6+s16+$0x0], $0xffff;
	v6, _, _ =	vpop (xrf2);
	p0 =	sgt.s32 s6, $0x0  }
0x15d: {  	v9 =	vpsel p3, v9, v62;
	s8 =	smin.u32 s4, $0x3F;
	(v2sf) =	vpush v37, $0xD;
	s9 =	spop (v2sf);
	v4 =	vld [tilespmem:s3+$0x890];
	v18 =	vbroadcast v6, $0xF;
	s6 =	simm.s32 @!p0 $0x0  }
0x15e: {  	vm5 =	vcmask $0x30C;
	v47 =	vmul.f32 v47, v35;
	v9 =	vmul.f32 v10, v9;
	s4 =	sand.u32 $0x60, s9;
	v6 =	vld [tilespmem:s3+$0x880];
	s3 =	sshll.u32 s8, $0x7;
	s8 =	smin.u32 s6, $0x3F  }
0x15f: {  	s19 =	spop (v2sf);
	v11 =	vld [tilespmem:s4+$0x900];
	v20, _, _ =	vpop (xrf2);
	v23 =	vor.u32 s3, v28;
	v24 =	vor.u32 s3, v3;
	v18 =	vadd.f32 v18, v0;
	s9 =	sshll.u32 s8, $0x7  }
0x160: {  	v49 =	vld [tilespmem:s4+$0x910];
	s4 =	sand.u32 $0x60, s19;
	v20 =	vbroadcast v20, $0xF;
	s6 =	spop (v2sf);
	v48 =	vor.u32 s9, v28;
	v28 =	vmul.f32 v45, v34;
	v45 =	vmovc v36  }
0x161: {  	v36 =	vmovc v33;
	v33 =	vmovc v32;
	v32 =	vmov v31;
	v31 =	vmov v30;
	v30 =	vmov v29;
	v29 =	vld [tilespmem:s4+$0x990];
	s3 =	sand.u32 $0x60, s6  }
0x162: {  	(v2sf) =	vpush v37, $0xE;
	v27 =	vor.u32 s9, v3;
	v20 =	vadd.f32 v20, v0;
	v10 =	vld [tilespmem:s3+$0xA10]  }
0x163: {  	v52 =	vmov v26;
	v18 =	vsel vm1, v18, v0;
	v26, _, _ =	vpop (xrf2);
	v28 =	vadd.f32 v47, v28;
	v47 =	vld [tilespmem:$0x1FE50]  }
0x164: {  	v38 =	vsel vm5, v18, v20;
	v20 =	vbroadcast v26, $0xF;
	v26 =	vld [tilespmem:s4+$0x980]  }
0x165: {  	v24 =	vld.idx.msk [tilespmem:v24+s12+$0x0], $0xffff  }
0x166: {  	s0 =	sadd.s32 $0xFFF0BE00, s26;
	v18 =	vadd.f32 v20, v18;
	v20 =	vld [tilespmem:$0x1FEA0]  }
0x167: {  	p0 =	sgt.s32 s0, $0x0;
	v27 =	vld.idx.msk [tilespmem:v27+s12+$0x0], $0xffff  }
0x168: {  	s0 =	simm.s32 @!p0 $0x0;
	[tilespmem:$0x1FE80] =	vst v18;
	v18 =	vld.idx.msk [tilespmem:v23+s12+$0x0], $0xffff  }
0x169: {  	p2 =	sgt.s32 s13, $0xF41FF;
	v41 =	vpsel p5, v40, v41;
	v39 =	vmul.f32 v46, v39;
	s0 =	smin.u32 s0, $0x3F;
	v0 =	vlaneseq.u32;
	v23 =	vld [tilespmem:$0x1FEB0]  }
0x16a: {  	s0 =	sshll.u32 s0, $0x7;
	v40 =	vmul.f32 v47, v41;
	v41 =	vmul.f32 v50, v51;
	v51 =	vpsel p2, v58, v56;
	v56 =	vld [tilespmem:$0x1FE70]  }
0x16b: {  	v58 =	vpsel p2, v60, v57;
	v47 =	vld.idx.msk [tilespmem:v48+s12+$0x0], $0xffff;
	v60 =	vor.u32 s0, v0  }
0x16c: {  	p4 =	sgt.s32 s29, $0xF41FF;
	v39 =	vmul.f32 v39, v34;
	v46 =	vpsel p6, v55, v43;
	v7 =	vpsel p3, v7, v59;
	v57 =	vld [tilespmem:$0x1FFD0];
	s8 =	spop (v2sf)  }
0x16d: {  	p5 =	sgt.s32 s31, $0xF41FF;
	v2 =	vpsel p4, v12, v2;
	v43 =	vmul.f32 v61, v51;
	v61 =	vor.u32 s0, v3;
	v51 =	vld [tilespmem:s3+$0xA00];
	s9 =	sand.u32 $0x60, s8  }
0x16e: {  	v55 =	vmovc v44;
	s7 =	sand.u32 $0x7F, s25;
	v7 =	vmul.f32 v13, v7;
	v12 =	vpsel p5, v17, v15;
	v15 =	vpsel p5, v22, v16;
	v16 =	vld [tilespmem:s9+$0xA80]  }
0x16f: {  	v62 =	vor.u32 s7, v55;
	v9 =	vmul.f32 v9, v34;
	v1 =	vmul.f32 v1, v2;
	s4 =	sand.u32 $0x7F, s26;
	s0 =	sadd.s32 $0xFFF0BE00, s25;
	v2 =	vld [tilespmem:s9+$0xA90]  }
0x170: {  	v7 =	vmul.f32 v7, v35;
	v5 =	vpsel p4, v14, v5;
	p1 =	sgt.s32 s0, $0x0;
	v23 =	vor.u32 s4, v23;
	v14 =	vld.idx.msk [tilespmem:v60+s12+$0x0], $0xffff  }
0x171: {  	p6 =	sgt.s32 s30, $0xF41FF;
	v5 =	vmul.f32 v8, v5;
	s0 =	simm.s32 @!p1 $0x0;
	s19 =	spop (v2sf);
	v44 =	vmul.f32 v56, v46;
	v56 =	vld [tilespmem:$0x1FFC0]  }
0x172: {  	p2 =	sgt.s32 s28, $0xF41FF;
	(v2sf) =	vpush v37, $0xF;
	v20 =	vor.u32 s4, v20;
	s0 =	smin.u32 s0, $0x3F;
	v8 =	vpsel p6, v18, v19;
	s28 =	sand.u32 $0x60, s19;
	v18 =	vld.idx.msk [tilespmem:v61+s12+$0x0], $0xffff  }
0x173: {  	v4 =	vmul.f32 v4, v15;
	s3 =	sadd.s32 $0xFFF0BE00, s23;
	v25 =	vpsel p2, v27, v25;
	s0 =	sshll.u32 s0, $0x7;
	v15 =	vpsel p2, v47, v42;
	v27 =	vld [tilespmem:s28+$0xB00]  }
0x174: {  	p1 =	sgt.s32 s3, $0x0;
	v46 =	vmul.f32 v63, v58;
	v63 =	vor.u32 s0, v0;
	v15 =	vmul.f32 v26, v15;
	v26 =	vld.idx.msk [tilespmem:v62+s16+$0x0], $0xffff  }
0x175: {  	v5 =	vmul.f32 v5, v34;
	v1 =	vmul.f32 v1, v35;
	s3 =	simm.s32 @!p1 $0x0;
	v13 =	vld.idx.msk [tilespmem:v23+s16+$0x0], $0xffff;
	v23 =	vor.u32 s7, v54  }
0x176: {  	v7 =	vadd.f32 v7, v9;
	v6 =	vmul.f32 v6, v12;
	v40 =	vmul.f32 v40, v35;
	s13 =	smin.u32 s3, $0x3F;
	v62 =	vld [tilespmem:$0x1FFE0]  }
0x177: {  	v21 =	vpsel p6, v24, v21;
	v41 =	vmul.f32 v41, v34;
	v48 =	vor.u32 s0, v3;
	s0 =	sshll.u32 s13, $0x7;
	v20 =	vld.idx.msk [tilespmem:v20+s16+$0x0], $0xffff  }
0x178: {  	s11 =	sand.u32 $0x7F, s23;
	v39 =	vadd.f32 v40, v39;
	v61 =	vld [tilespmem:$0x1FFF0];
	v44 =	vmul.f32 v44, v35;
	v24 =	vor.u32 s0, v0  }
0x179: {  	(xrf2) =	vadd.scan.msk.f32 $0xffff, v28;
	v25 =	vmul.f32 v29, v25;
	v22 =	vor.u32 s11, v57;
	v19 =	vor.u32 s11, v56;
	v12 =	vld.idx.msk [tilespmem:v63+s12+$0x0], $0xffff  }
0x17a: {  	v58 =	vmul.f32 v43, v34;
	s3 =	sadd.s32 $0xFFF0BE00, s24;
	v59 =	vmul.f32 v46, v35;
	v17 =	vadd.f32 v44, v41;
	v23 =	vld.idx.msk [tilespmem:v23+s16+$0x0], $0xffff  }
0x17b: {  	s29 =	sand.u32 $0x7F, s24;
	p3 =	sgt.s32 s26, $0xF41FF;
	p0 =	sgt.s32 s3, $0x0;
	v8 =	vmul.f32 v11, v8;
	v11 =	vmul.f32 v49, v21;
	v21 =	vld [tilespmem:s28+$0xB10];
	(xrf2) =	vadd.scan.msk.f32 $0xffff, v39;
	v60 =	vor.u32 s0, v3  }
0x17c: {  	s3 =	simm.s32 @!p0 $0x0;
	v28 =	vadd.f32 v59, v58;
	v29 =	vor.u32 s29, v62;
	(xrf2) =	vadd.scan.msk.f32 $0xffff, v17;
	v17 =	vld.idx.msk [tilespmem:v48+s12+$0x0], $0xffff;
	v14 =	vpsel p3, v14, v20  }
0x17d: {  	v1 =	vadd.f32 v1, v5;
	s3 =	smin.u32 s3, $0x3F;
	v63 =	vor.u32 s29, v61;
	v9 =	vmul.f32 v51, v14;
	v14 =	vld.idx.msk [tilespmem:v24+s12+$0x0], $0xffff  }
0x17e: {  	p4 =	sgt.s32 s25, $0xF41FF;
	v5 =	vmul.f32 v8, v34;
	s30 =	sshll.u32 s3, $0x7;
	(xrf2) =	vadd.scan.msk.f32 $0xffff, v28;
	v28 =	vlaneseq.u32;
	v13 =	vpsel p3, v18, v13;
	v18 =	vld.idx.msk [tilespmem:v19+s16+$0x0], $0xffff  }
0x17f: {  	v19 =	vor.u32 s30, v28;
	v10 =	vmul.f32 v10, v13;
	v13 =	vld.idx.msk [tilespmem:v22+s16+$0x0], $0xffff;
	v12 =	vpsel p4, v12, v23  }
0x180: {  	v11 =	vmul.f32 v11, v35;
	(xrf2) =	vadd.scan.msk.f32 $0xffff, v7;
	v7 =	vmul.f32 v16, v12;
	v12 =	vld.idx.msk [tilespmem:v60+s12+$0x0], $0xffff;
	v16 =	vor.u32 s30, v3  }
0x181: {  	v6 =	vmul.f32 v6, v34;
	v4 =	vmul.f32 v4, v35;
	v8 =	vld.idx.msk [tilespmem:v29+s16+$0x0], $0xffff;
	s31 =	spop (v2sf)  }
0x182: {  	v5 =	vadd.f32 v11, v5;
	v11 =	vld.idx.msk [tilespmem:v63+s16+$0x0], $0xffff;
	s0 =	sand.u32 $0x60, s31  }
0x183: {  	v15 =	vmul.f32 v15, v34;
	(xrf2) =	vadd.scan.msk.f32 $0xffff, v1;
	v1 =	vadd.f32 v4, v6;
	v9 =	vmul.f32 v9, v34;
	v6 =	vld [tilespmem:s0+$0xB80]  }
0x184: {  	p5 =	sgt.s32 s23, $0xF41FF;
	v4 =	vmul.f32 v25, v35;
	v17 =	vpsel p4, v17, v26;
	v10 =	vmul.f32 v10, v35;
	v19 =	vld.idx.msk [tilespmem:v19+s12+$0x0], $0xffff  }
0x185: {  	v2 =	vmul.f32 v2, v17;
	v14 =	vpsel p5, v14, v18;
	v12 =	vpsel p5, v12, v13;
	v13 =	vld.idx.msk [tilespmem:v16+s12+$0x0], $0xffff  }
0x186: {  	v0 =	vld [tilespmem:$0x1FE80];
	(xrf2) =	vadd.scan.msk.f32 $0xffff, v1;
	v1 =	vadd.f32 v10, v9;
	v10 =	vmul.f32 v27, v14;
	v7 =	vmul.f32 v7, v34  }
0x187: {  	v4 =	vadd.f32 v4, v15;
	v15 =	vld [tilespmem:s0+$0xB90];
	v2 =	vmul.f32 v2, v35;
	v9, _, _ =	vpop (xrf2)  }
0x188: {  	vm5 =	vcmask $0xB14;
	p6 =	sgt.s32 s24, $0xF41FF;
	v9 =	vbroadcast v9, $0xF;
	v10 =	vmul.f32 v10, v34  }
0x189: {  	(xrf2) =	vadd.scan.msk.f32 $0xffff, v5;
	v8 =	vpsel p6, v19, v8;
	v2 =	vadd.f32 v2, v7;
	v5 =	vmul.f32 v21, v12  }
0x18a: {  	v6 =	vmul.f32 v6, v8;
	v8 =	vadd.f32 v9, v38;
	v7, _, _ =	vpop (xrf2);
	v9 =	vpsel p6, v13, v11  }
0x18b: {  	(xrf2) =	vadd.scan.msk.f32 $0xffff, v4;
	v4 =	vsel vm3, v38, v0;
	v7 =	vbroadcast v7, $0xF;
	v5 =	vmul.f32 v5, v35;
	v11, _, _ =	vpop (xrf2)  }
0x18c: {  	v4 =	vsel vm5, v4, v8;
	(xrf2) =	vadd.scan.msk.f32 $0xffff, v1;
	v1 =	vbroadcast v11, $0xF;
	v8 =	vmul.f32 v15, v9  }
0x18d: {  	v6 =	vmul.f32 v6, v34;
	v7 =	vadd.f32 v7, v38;
	v5 =	vadd.f32 v5, v10;
	v9, _, _ =	vpop (xrf2)  }
0x18e: {  	(xrf2) =	vadd.scan.msk.f32 $0xffff, v2;
	v1 =	vadd.f32 v1, v4;
	v8 =	vmul.f32 v8, v35;
	v2 =	vbroadcast v9, $0xF;
	v9, _, _ =	vpop (xrf2)  }
0x18f: {  	v4 =	vsel vm6, v4, v7;
	v7 =	vbroadcast v9, $0xF  }
0x190: {  	v1 =	vsel vm8, v4, v1;
	v2 =	vadd.f32 v2, v4;
	v4 =	vadd.f32 v8, v6  }
0x191: {  	(xrf2) =	vadd.scan.msk.f32 $0xffff, v5;
	v5, _, _ =	vpop (xrf2)  }
0x192: {  	v5 =	vbroadcast v5, $0xF  }
0x193: {  	v6 =	vadd.f32 v7, v1;
	v7, _, _ =	vpop (xrf2)  }
0x194: {  	v2 =	vsel vm7, v1, v2;
	(xrf2) =	vadd.scan.msk.f32 $0xffff, v4;
	v7 =	vbroadcast v7, $0xF;
	v4, _, _ =	vpop (xrf2)  }
0x195: {  	v1 =	vadd.f32 v5, v1;
	v2 =	vsel vm9, v2, v6;
	v4 =	vbroadcast v4, $0xF  }
0x196: {  	v5, _, _ =	vpop (xrf2);
	v6 =	vadd.f32 v7, v2  }
0x197: {  	v1 =	vsel vm10, v2, v1;
	v2 =	vbroadcast v5, $0xF  }
0x198: {  	v5, _, _ =	vpop (xrf2);
	v6 =	vsel vm12, v1, v6;
	v1 =	vadd.f32 v4, v1  }
0x199: {  	v4, _, _ =	vpop (xrf2);
	v2 =	vadd.f32 v2, v6  }
0x19a: {  	v1 =	vsel vm11, v6, v1;
	v4 =	vbroadcast v4, $0xF  }
0x19b: {  	v5 =	vbroadcast v5, $0xF;
	v1 =	vsel vm13, v1, v2  }
0x19c: {  	v4 =	vadd.f32 v4, v1  }
0x19d: {  	v7, _, _ =	vpop (xrf2);
	v2 =	vadd.f32 v5, v6  }
0x19e: {  	v5 =	vbroadcast v7, $0xF  }
0x19f: {  	v1 =	vsel vm14, v1, v2  }
0x1a0: {  	v2 =	vsel vm4, v1, v4;
	v1 =	vadd.f32 v5, v1;
	v4, _, _ =	vpop (xrf2)  }
0x1a1: {  	v4 =	vadd.f32 v4, v2  }
0x1a2: {  	v1 =	vsel vm15, v2, v1  }
0x1a3: {  	v1 =	vsel vm2, v1, v4  }
0x1a4: {  	v1 =	vsub.f32 $0.0e+00, v1;
	_ =	sdelay $0x1  }
0x1a5: {  	v1 =	vmul.f32 $1.442695020e+00, v1;
	_ =	sdelay $0x1  }
0x1a6: {  	(erf) = vpow2.f32 v1;
	_ =	sdelay $0x8  }
0x1a7: {  	v20 =	vld [tilespmem:$0x1FF90];
	v1 =	vpop (erf)  }
0x1a8: {  	v24 =	vld [tilespmem:$0x1FFB0];
	v1 =	vadd.f32 $1.000000000e+00, v1  }
0x1a9: {  	v25 =	vld [tilespmem:$0x1FF70]  }
0x1aa: {  	v22 =	vld [tilespmem:$0x1FFA0];
	(erf) = vrcp.f32 v1  }
0x1ab: {  	v18 =	vld [tilespmem:$0x1FF60]  }
0x1ac: {  	v27 =	vld [tilespmem:$0x1FF80]  }
0x1ad: {  	v19 =	vld [tilespmem:$0x1FF40]  }
0x1ae: {  	v16 =	vld [tilespmem:$0x1FF10]  }
0x1af: {  	p0 =	sne.s32 s21, $0x7C0;
	v21 =	vld [tilespmem:$0x1FF50]  }
.Ltmp0:
0x1b0: {  	v0 =	vld [tilespmem:$0x1FEF0];
	(pc) =	sbr.rel @p0 .LBB2_2-.Ltmp0, $4  }
0x1b1: {  	v10 =	vld [tilespmem:$0x1FEE0]  }
0x1b2: {  	v15 =	vld [tilespmem:$0x1FF00]  }
0x1b3: {  	v29 =	vmov v30;
	v30 =	vmov v31;
	v9 =	vld [tilespmem:$0x1FED0];
	v1 =	vpop (erf)  }
0x1b4: {  	s21 =	sadd.s32 $0x40, s21;
	v31 =	vmovc v32;
	v32 =	vmovc v33;
	v33 =	vmov v36;
	v36 =	vmov v45;
	v26 =	vmov v52;
	v8 =	vld [tilespmem:$0x1FEC0];
	[tilespmem:s22+$0x12C80] =	vst v1  }
0x1b5: {  	s0 =	rddreg [dreg:$0x1a];
	s3 =	simm.s32 $0x12C80  }
0x1b6: {  	[hbm4b:s0+s2] =	stream.linear.scatter [tilespmem:s3], [sflag:$0x3], $0x200, $0x38;
	[tilespmem:$0x12E80] =	vst v63  }
0x1b7: {  	_ =	swait.ge [sflag:s10], $0x200  }
0x1b8: {  	s20 =	sadd.s32 $0x1, s20;
	s31 =	rddreg [dreg:$0x1b]  }
0x1b9: {  	p0 =	sne.s32 s20, s31  }
.Ltmp1:
0x1ba: {  	_ = 	snop;
	(pc) =	sbr.rel @p0 .LBB2_1-.Ltmp1, $3  }
0x1bb: {  	_ =	sdelay $0x1  }
0x1bc: {  	[sflag:s10] =	ssyncset.done $0x0  }
0x1bd: {  	[sflag:s10] =	ssyncadd.s32 $0xFFFFFE00  }
0x1be: {  	_ =	sfence.sel $0x180000  }
0x1bf: {  	[bflag:$0x0] =	sbarrier.arrive $0xFFFF  }
0x1c0: {  	_ =	strace $0x90000047  }
0x1c1: {  	s0 =	stileid.u32;
	[bflag:$0x2] =	sbarrier.arrive $0xFFFF  }
0x1c2: {  	p0 =	sne.s32 s0, $0x0;
	s0 =	rddreg [dreg:$0x5]  }
0x1c3: {  	s0 =	sadd.s32 @!p0 $0x100000, s0  }
0x1c4: {  	[sflag:s0] =	ssyncadd.tile.s32 @!p0 $0x1;
	_ =	shalt  }
.Lfunc_end2:
_tile_overlayer_lowered:
.L_overlay_start_2:
0x1c5: {  	(tag) =	ssettag $0x2  }
0x1c6: {  	s0 =	rddreg [dreg:$0x0];
	s2 =	stileid.u32  }
0x1c7: {  	s1 =	rddreg [dreg:$0x1];
	p0 =	sne.s32 s2, $0x0  }
0x1c8: {  	s3 =	rddreg [dreg:$0x2];
	[bflag:$0x3] =	sbarrier.arrive $0xFFFF;
	s2 =	simm.s32 @!p0 $0x1C03  }
0x1c9: {  	[timem:s3], [sflag:s2] =	dma.local @!p0 [hbm:s0], s1  }
0x1ca: {  	s0 =	simm.s32 @!p0 $0x3  }
0x1cb: {  	_ =	swait.ge @!p0 [sflag:s0], s1  }
0x1cc: {  	s1 =	ssub.s32 @!p0 $0x0, s1;
	[sflag:s0] =	ssyncset.done @!p0 $0x0  }
0x1cd: {  	[sflag:s0] =	ssyncadd.s32 @!p0 s1  }
0x1ce: {  	[bflag:$0x3] =	sbarrier.arrive $0xFFFF  }
0x1cf: {  	_ =	shalt  }

</sc_bundles>
